<compile_context>
chip_gen: v7x
topology: tpu7x:2x2x1
jax: 0.10.2.dev20260603
libtpu: 0.0.44.dev20260713+nightly
codegen_flags: <defaults>
</compile_context>

<pallas_src>
import functools

import jax
import jax.numpy as jnp
from jax import lax
from jax.experimental import pallas as pl
from jax.experimental.pallas import tpu as pltpu
from jax.experimental.pallas import tpu_sc as plsc

N = 10000
E = 320000
D_IN = 128
DH = 64
OUT = 10
PN = 10240
NC = 2
NS = 16
NW = NC * NS
L = 16
EPW = E // NW
CH = 128
KCH = 80
G = 2
SK = KCH // G
EP = NW * KCH * CH

_mesh = plsc.VectorSubcoreMesh(
    core_axis_name="c", subcore_axis_name="s", num_cores=NC, num_subcores=NS)

_f32 = jnp.float32
_i32 = jnp.int32
_sc_params = pltpu.CompilerParams(
    needs_layout_passes=False, use_tc_tiling_on_sc=False)


def _zero_1d(ref, n):
    z = jnp.zeros((L,), _f32)

    def body(i, c):
        ref[pl.ds(i * L, L)] = z
        return c

    lax.fori_loop(0, n // L, body, 0)


@functools.partial(
    pl.kernel,
    out_type=jax.ShapeDtypeStruct((NW, PN), _f32),
    mesh=_mesh,
    compiler_params=_sc_params,
    scratch_types=[
        pltpu.VMEM((EPW,), _i32),
        pltpu.VMEM((EPW,), _f32),
        pltpu.VMEM((PN,), _f32),
    ],
)
def _deg_kernel(dst_hbm, ew_hbm, out_hbm, didx_v, w_v, acc_v):
    c = lax.axis_index("c")
    s = lax.axis_index("s")
    wid = c * NS + s
    _zero_1d(acc_v, PN)
    base = wid * EPW
    pltpu.sync_copy(dst_hbm.at[pl.ds(base, EPW)], didx_v)
    pltpu.sync_copy(ew_hbm.at[pl.ds(base, EPW)], w_v)

    @plsc.parallel_loop(0, EPW // L, 1, unroll=8)
    def _(i):
        idx = didx_v[pl.ds(i * L, L)]
        w = w_v[pl.ds(i * L, L)]
        plsc.addupdate_scatter(acc_v, [idx], w)

    pltpu.sync_copy(acc_v, out_hbm.at[wid])


@functools.partial(
    pl.kernel,
    out_type=jax.ShapeDtypeStruct((NC, PN, DH), _f32),
    mesh=_mesh,
    compiler_params=_sc_params,
    scratch_types=[
        pltpu.VMEM((KCH, CH), _i32),
        pltpu.VMEM((KCH, CH), _i32),
        pltpu.VMEM((KCH, CH), _f32),
        pltpu.VMEM((3, G, CH, DH), _f32),
        pltpu.VMEM_SHARED((PN, DH), _f32),
        pltpu.SemaphoreType.DMA,
        pltpu.SemaphoreType.DMA,
        pltpu.SemaphoreType.DMA,
        pltpu.SemaphoreType.DMA,
        pltpu.SemaphoreType.DMA,
        pltpu.SemaphoreType.DMA,
    ],
)
def _l1_kernel(y_hbm, src_hbm, dst_hbm, ew_hbm, out_hbm,
               sidxB, didxB, wB, rows_v, acc_sh,
               sg0, sg1, sg2, ss0, ss1, ss2):
    c = lax.axis_index("c")
    s = lax.axis_index("s")
    wid = c * NS + s
    semg = (sg0, sg1, sg2)
    sems = (ss0, ss1, ss2)
    rb = wid * KCH
    cp_s = pltpu.async_copy(src_hbm.at[pl.ds(rb, KCH)], sidxB, sg0)
    cp_d = pltpu.async_copy(dst_hbm.at[pl.ds(rb, KCH)], didxB, sg0)
    cp_w = pltpu.async_copy(ew_hbm.at[pl.ds(rb, KCH)], wB, sg0)
    zrow = jnp.zeros((L,), _f32)

    def zr(r, carry):
        for j in range(DH // L):
            rows_v[0, 0, r, pl.ds(j * L, L)] = zrow
        return carry

    lax.fori_loop(0, CH, zr, 0)
    rows_per_tile = PN // NS

    def zc(k, carry):
        pltpu.sync_copy(rows_v.at[0, 0],
                        acc_sh.at[pl.ds(s * rows_per_tile + k * CH, CH)])
        return carry

    lax.fori_loop(0, rows_per_tile // CH, zc, 0)
    plsc.subcore_barrier()
    cp_s.wait()
    cp_d.wait()
    cp_w.wait()

    def fire_gather(sk, b):
        for g in range(G):
            pltpu.async_copy(y_hbm.at[sidxB.at[sk * G + g]],
                             rows_v.at[b, g], semg[b])

    def wait_gather(sk, b):
        for g in range(G):
            pltpu.make_async_copy(y_hbm.at[sidxB.at[sk * G + g]],
                                  rows_v.at[b, g], semg[b]).wait()

    def fire_scatter(sk, b):
        for g in range(G):
            pltpu.async_copy(rows_v.at[b, g], acc_sh.at[didxB.at[sk * G + g]],
                             sems[b], add=True)

    def wait_scatter(sk, b):
        for g in range(G):
            pltpu.make_async_copy(rows_v.at[b, g],
                                  acc_sh.at[didxB.at[sk * G + g]],
                                  sems[b]).wait()

    fire_gather(0, 0)

    def slotf(sk, b):
        b1 = (b + 1) % 3

        @pl.when(sk < SK)
        def _():
            @pl.when(sk >= 2)
            def _():
                wait_scatter(sk - 2, b1)

            @pl.when(sk + 1 < SK)
            def _():
                fire_gather(sk + 1, b1)

            wait_gather(sk, b)

            @plsc.parallel_loop(0, CH, 1, unroll=4)
            def _(r):
                ridx = jnp.full((L,), r, _i32)
                for g in range(G):
                    w = plsc.load_gather(wB.at[sk * G + g], [ridx])
                    for j in range(DH // L):
                        rows_v[b, g, r, pl.ds(j * L, L)] = (
                            rows_v[b, g, r, pl.ds(j * L, L)] * w)

            fire_scatter(sk, b)

    def body(t, carry):
        for b in range(3):
            slotf(t * 3 + b, b)
        return carry

    lax.fori_loop(0, (SK + 2) // 3, body, 0)
    for j in range(SK - 2, SK):
        wait_scatter(j, j % 3)
    plsc.subcore_barrier()

    def xb(k, carry):
        r0 = s * rows_per_tile + k * CH
        pltpu.sync_copy(acc_sh.at[pl.ds(r0, CH)], out_hbm.at[c, pl.ds(r0, CH)])
        return carry

    lax.fori_loop(0, rows_per_tile // CH, xb, 0)


@functools.partial(
    pl.kernel,
    out_type=jax.ShapeDtypeStruct((NW, PN), _f32),
    mesh=_mesh,
    compiler_params=_sc_params,
    scratch_types=[
        pltpu.VMEM((EPW,), _i32),
        pltpu.VMEM((EPW,), _i32),
        pltpu.VMEM((EPW,), _f32),
        pltpu.VMEM((N,), _f32),
        pltpu.VMEM((PN,), _f32),
    ],
)
def _l2_kernel(src_hbm, dst_hbm, ew_hbm, y2_hbm, out_hbm,
               sidx_v, didx_v, w_v, tab_v, acc_v):
    c = lax.axis_index("c")
    s = lax.axis_index("s")
    wid = c * NS + s
    _zero_1d(acc_v, PN)
    base = wid * EPW
    pltpu.sync_copy(src_hbm.at[pl.ds(base, EPW)], sidx_v)
    pltpu.sync_copy(dst_hbm.at[pl.ds(base, EPW)], didx_v)
    pltpu.sync_copy(ew_hbm.at[pl.ds(base, EPW)], w_v)
    pltpu.sync_copy(y2_hbm, tab_v)

    @plsc.parallel_loop(0, EPW // L, 1, unroll=8)
    def _(i):
        s16 = sidx_v[pl.ds(i * L, L)]
        d16 = didx_v[pl.ds(i * L, L)]
        w16 = w_v[pl.ds(i * L, L)]
        vals = plsc.load_gather(tab_v, [s16])
        plsc.addupdate_scatter(acc_v, [d16], w16 * vals)

    pltpu.sync_copy(acc_v, out_hbm.at[wid])


def _lrelu(z):
    return jnp.where(z >= 0, z, 0.01 * z)


def _xw_body(x_ref, w1_ref, xw_ref):
    xw_ref[...] = jnp.dot(x_ref[...], w1_ref[...],
                          preferred_element_type=_f32)


def _prep_body(degp_ref, xw_ref, y_ref, dinv_ref):
    deg = 1.0 + jnp.sum(degp_ref[...], axis=1, keepdims=True)
    dinv = jnp.where(deg > 0, lax.rsqrt(deg), 0.0)
    d = dinv[:N]
    y_ref[...] = xw_ref[...] * d
    dinv_ref[...] = d


def _mid_body(accp_ref, y_ref, dinv_ref, b1_ref, w2_ref, y2_ref):
    acc = accp_ref[0, :N, :] + accp_ref[1, :N, :]
    d = dinv_ref[...]
    h1 = _lrelu(d * (acc + y_ref[...]) + b1_ref[...])
    hw = jnp.dot(h1, w2_ref[...], preferred_element_type=_f32)
    y2_ref[...] = d * hw


def _fin_body(acc2p_ref, y2_ref, dinv_ref, b2_ref, fc1w_ref, fc1b_ref,
              fc2w_ref, fc2b_ref, out_ref):
    a2 = jnp.sum(acc2p_ref[...], axis=1, keepdims=True)
    h2 = _lrelu(dinv_ref[...] * (a2 + y2_ref[...]) + b2_ref[...])
    t = jnp.dot(fc1w_ref[...], h2, preferred_element_type=_f32)
    t = _lrelu(t + fc1b_ref[...])
    logits = jnp.dot(fc2w_ref[...], t, preferred_element_type=_f32)
    logits = logits + fc2b_ref[...]
    m = jnp.max(logits, axis=0, keepdims=True)
    e = jnp.exp(logits - m)
    out_ref[...] = e / jnp.sum(e, axis=0, keepdims=True)


def kernel(x, edge_index, edge_attr, W1, b1, W2, b2, fc1_w, fc1_b, fc2_w, fc2_b):
    src = edge_index[0]
    dst = edge_index[1]
    ew = edge_attr[:, 0]

    degp = _deg_kernel(dst, ew)
    xw = pl.pallas_call(
        _xw_body,
        out_shape=jax.ShapeDtypeStruct((N, DH), _f32),
    )(x, W1)
    y, dinv = pl.pallas_call(
        _prep_body,
        out_shape=[
            jax.ShapeDtypeStruct((N, DH), _f32),
            jax.ShapeDtypeStruct((N, 1), _f32),
        ],
    )(degp.T, xw)

    pad = EP - E
    pidx = jnp.arange(pad, dtype=jnp.int32)
    src_p = jnp.concatenate([src, pidx % N]).reshape(EP // CH, CH)
    dst_p = jnp.concatenate([dst, N + pidx % (PN - N)]).reshape(EP // CH, CH)
    ew_p = jnp.concatenate(
        [ew, jnp.zeros((pad,), _f32)]).reshape(EP // CH, CH)
    accp = _l1_kernel(y, src_p, dst_p, ew_p)
    y2 = pl.pallas_call(
        _mid_body,
        out_shape=jax.ShapeDtypeStruct((N, 1), _f32),
    )(accp, y, dinv, b1.reshape(1, DH), W2)

    acc2p = _l2_kernel(src, dst, ew, y2.reshape(N))
    out = pl.pallas_call(
        _fin_body,
        out_shape=jax.ShapeDtypeStruct((OUT, 1), _f32),
    )(acc2p[:, :N].T, y2, dinv, b2.reshape(1, 1), fc1_w, fc1_b.reshape(D_IN, 1),
      fc2_w, fc2_b.reshape(OUT, 1))
    return out.reshape(1, OUT)

# --- scband reference (transcript-rebuilt; emitter-appended) ---
"""Pipeline reference for scband-gcn-net-39797166965052 (READ-ONLY COPY).

The authoritative reference and input builder live on the scoring server;
editing this copy changes nothing except your own understanding.
"""

import jax, jax.numpy as jnp
import numpy as np

N = 10000
E = 320000
D_IN = 128
D_HID = 64
OUT = 10


def setup_inputs(seed: int = 0) -> dict:
    key = jax.random.key(seed)
    ks = jax.random.split(key, 8)
    x = jax.random.normal(ks[0], (N, D_IN), dtype=jnp.float32)
    edge_index = jax.random.randint(ks[1], (2, E), 0, N, dtype=jnp.int32)
    edge_attr = jax.random.uniform(ks[2], (E, 4), dtype=jnp.float32)
    W1 = jax.random.normal(ks[3], (D_IN, D_HID), dtype=jnp.float32) * 0.1
    b1 = jnp.zeros((D_HID,), dtype=jnp.float32)
    W2 = jax.random.normal(ks[4], (D_HID, 1), dtype=jnp.float32) * 0.1
    b2 = jnp.zeros((1,), dtype=jnp.float32)
    fc1_w = jax.random.normal(ks[5], (128, N), dtype=jnp.float32) * 0.01
    fc1_b = jnp.zeros((128,), dtype=jnp.float32)
    fc2_w = jax.random.normal(ks[6], (OUT, 128), dtype=jnp.float32) * 0.1
    fc2_b = jnp.zeros((OUT,), dtype=jnp.float32)
    return {"x": x, "edge_index": edge_index, "edge_attr": edge_attr,
            "W1": W1, "b1": b1, "W2": W2, "b2": b2,
            "fc1_w": fc1_w, "fc1_b": fc1_b, "fc2_w": fc2_w, "fc2_b": fc2_b}


def gcn_conv(x, src, dst, ew, W, b):
    # PyG GCNConv with edge_weight: add self-loops (weight 1), symmetric norm
    n = x.shape[0]
    loop = jnp.arange(n, dtype=src.dtype)
    s = jnp.concatenate([src, loop])
    d = jnp.concatenate([dst, loop])
    w = jnp.concatenate([ew, jnp.ones((n,), dtype=ew.dtype)])
    deg = jnp.zeros((n,), dtype=ew.dtype).at[d].add(w)
    dinv = jnp.where(deg > 0, deg ** -0.5, 0.0)
    norm = dinv[s] * w * dinv[d]
    xw = x @ W
    out = jnp.zeros((n, W.shape[1]), dtype=xw.dtype).at[d].add(norm[:, None] * xw[s])
    return out + b


def reference(x, edge_index, edge_attr, W1, b1, W2, b2, fc1_w, fc1_b, fc2_w, fc2_b):
    src, dst = edge_index[0], edge_index[1]
    ew = edge_attr[:, 0]
    h = jax.nn.leaky_relu(gcn_conv(x, src, dst, ew, W1, b1), 0.01)
    h = jax.nn.leaky_relu(gcn_conv(h, src, dst, ew, W2, b2), 0.01)
    out = h.reshape(1, -1)  # num_graphs = 1
    out = jax.nn.leaky_relu(out @ fc1_w.T + fc1_b, 0.01)
    out = out @ fc2_w.T + fc2_b
    return jax.nn.softmax(out, axis=1)

if __name__ == "__main__":
    import jax
    _d = setup_inputs()
    print(jax.jit(kernel)(*tuple(_d.values())))

</pallas_src>

<mosaic_0001>
#map = affine_map<(d0, d1) -> (0)>
#map1 = affine_map<(d0, d1) -> (0, 0)>
module attributes {stable_mosaic.version = 14 : i64} {
  func.func @_deg_kernel(%arg0: i32, %arg1: i32, %arg2: memref<320000xi32, #tpu.memory_space<hbm>>, %arg3: memref<320000xf32, #tpu.memory_space<hbm>>, %arg4: memref<32x10240xf32, #tpu.memory_space<hbm>>, %arg5: memref<10000xi32, #tpu.memory_space<vmem>>, %arg6: memref<10000xf32, #tpu.memory_space<vmem>>, %arg7: memref<10240xf32, #tpu.memory_space<vmem>>) attributes {dimension_semantics = [#tpu.dimension_semantics<core_parallel>, #tpu.dimension_semantics<subcore_parallel>], iteration_bounds = array<i64: 2, 16>, scalar_prefetch = 0 : i64, scratch_operands = 3 : i64, tpu.core_type = #tpu.core_type<sc_vector_subcore>, window_params = [{transform_indices = #map}, {transform_indices = #map}, {transform_indices = #map1}]} {
    %mul3A = arith.constant 16 : i32
    %mul3A_0 = arith.muli %arg0, %mul3A : i32
    %add3A = arith.addi %mul3A_0, %arg1 : i32
    %broadcast_in_dim3A = arith.constant 0.000000e+00 : f32
    %broadcast_in_dim3A_1 = vector.broadcast %broadcast_in_dim3A : f32 to vector<16xf32>
    %scan3A = arith.constant 0 : i32
    %scan3A_2 = arith.constant 0 : i32
    %scan3A_3 = arith.constant 640 : i32
    %scan3A_4 = arith.addi %scan3A_2, %scan3A_3 : i32
    %scan3A_5 = arith.constant 1 : i32
    scf.for %scan3A_11 = %scan3A_2 to %scan3A_4 step %scan3A_5  : i32 {
      %mul3A_12 = arith.constant 16 : i32
      %mul3A_13 = arith.muli %scan3A_11, %mul3A_12 : i32
      %swap3A = arith.index_cast %mul3A_13 : i32 to index
      %swap3A_14 = tpu.vector_load %arg7[%swap3A] {strides = array<i32>} : memref<10240xf32, #tpu.memory_space<vmem>>, vector<16xf32>,
      tpu.vector_store %arg7[%swap3A], %broadcast_in_dim3A_1 {strides = array<i32>} : memref<10240xf32, #tpu.memory_space<vmem>>, vector<16xf32>,
    }
    %scan3A_6 = arith.constant 640 : i32
    %mul3A_7 = arith.constant 10000 : i32
    %mul3A_8 = arith.muli %add3A, %mul3A_7 : i32
    "tpu.region"() ({
      %run_scoped3A = tpu.sem_alloc : memref<!tpu.dma_semaphore, #tpu.memory_space<semaphore_mem>>
      %dma_start3A = tpu.memref_slice %arg2[%mul3A_8] : memref<320000xi32, #tpu.memory_space<hbm>> -> memref<10000xi32, #tpu.memory_space<hbm>>
      %dma_start3A_11 = tpu.memref_slice %arg2[%mul3A_8] : memref<320000xi32, #tpu.memory_space<hbm>> -> memref<10000xi32, #tpu.memory_space<hbm>>
      tpu.enqueue_dma source(%dma_start3A_11 : memref<10000xi32, #tpu.memory_space<hbm>>) target(%arg5 : memref<10000xi32, #tpu.memory_space<vmem>>) target_semaphore(%run_scoped3A : memref<!tpu.dma_semaphore, #tpu.memory_space<semaphore_mem>>)
      %dma_wait3A = tpu.memref_slice %arg2[%mul3A_8] : memref<320000xi32, #tpu.memory_space<hbm>> -> memref<10000xi32, #tpu.memory_space<hbm>>
      %dma_wait3A_12 = tpu.memref_slice %arg2[%mul3A_8] : memref<320000xi32, #tpu.memory_space<hbm>> -> memref<10000xi32, #tpu.memory_space<hbm>>
      tpu.wait_dma2 semaphore(%run_scoped3A : memref<!tpu.dma_semaphore, #tpu.memory_space<semaphore_mem>>) src(%dma_wait3A_12 : memref<10000xi32, #tpu.memory_space<hbm>>) dst(%arg5 : memref<10000xi32, #tpu.memory_space<vmem>>)
      tpu.yield
    }) : () -> ()
    "tpu.region"() ({
      %run_scoped3A = tpu.sem_alloc : memref<!tpu.dma_semaphore, #tpu.memory_space<semaphore_mem>>
      %dma_start3A = tpu.memref_slice %arg3[%mul3A_8] : memref<320000xf32, #tpu.memory_space<hbm>> -> memref<10000xf32, #tpu.memory_space<hbm>>
      %dma_start3A_11 = tpu.memref_slice %arg3[%mul3A_8] : memref<320000xf32, #tpu.memory_space<hbm>> -> memref<10000xf32, #tpu.memory_space<hbm>>
      tpu.enqueue_dma source(%dma_start3A_11 : memref<10000xf32, #tpu.memory_space<hbm>>) target(%arg6 : memref<10000xf32, #tpu.memory_space<vmem>>) target_semaphore(%run_scoped3A : memref<!tpu.dma_semaphore, #tpu.memory_space<semaphore_mem>>)
      %dma_wait3A = tpu.memref_slice %arg3[%mul3A_8] : memref<320000xf32, #tpu.memory_space<hbm>> -> memref<10000xf32, #tpu.memory_space<hbm>>
      %dma_wait3A_12 = tpu.memref_slice %arg3[%mul3A_8] : memref<320000xf32, #tpu.memory_space<hbm>> -> memref<10000xf32, #tpu.memory_space<hbm>>
      tpu.wait_dma2 semaphore(%run_scoped3A : memref<!tpu.dma_semaphore, #tpu.memory_space<semaphore_mem>>) src(%dma_wait3A_12 : memref<10000xf32, #tpu.memory_space<hbm>>) dst(%arg6 : memref<10000xf32, #tpu.memory_space<vmem>>)
      tpu.yield
    }) : () -> ()
    %parallel_loop3A = arith.constant 0 : i32
    %parallel_loop3A_9 = arith.constant 625 : i32
    %parallel_loop3A_10 = arith.constant 1 : i32
    scf.for %parallel_loop3A_11 = %parallel_loop3A to %parallel_loop3A_9 step %parallel_loop3A_10  : i32 {
      %parallel_loop3A_12 = arith.constant 16 : i32
      %parallel_loop3A_13 = arith.muli %parallel_loop3A_11, %parallel_loop3A_12 : i32
      %parallel_loop3A_14 = arith.index_cast %parallel_loop3A_13 : i32 to index
      %parallel_loop3A_15 = tpu.vector_load %arg5[%parallel_loop3A_14] {strides = array<i32>} : memref<10000xi32, #tpu.memory_space<vmem>>, vector<16xi32>,
      %parallel_loop3A_16 = arith.constant 16 : i32
      %parallel_loop3A_17 = arith.muli %parallel_loop3A_11, %parallel_loop3A_16 : i32
      %parallel_loop3A_18 = arith.index_cast %parallel_loop3A_17 : i32 to index
      %parallel_loop3A_19 = tpu.vector_load %arg6[%parallel_loop3A_18] {strides = array<i32>} : memref<10000xf32, #tpu.memory_space<vmem>>, vector<16xf32>,
      tpu.vector_store_idx %arg7[%parallel_loop3A_15], %parallel_loop3A_19 {add = true} : memref<10240xf32, #tpu.memory_space<vmem>>[vector<16xi32>], vector<16xf32>,
    } {sc.loop_unroll_factor = 8 : i64, sc.parallel_access}
    "tpu.region"() ({
      %run_scoped3A = tpu.sem_alloc : memref<!tpu.dma_semaphore, #tpu.memory_space<semaphore_mem>>
      %dma_start3A = arith.constant 0 : i32
      %dma_start3A_11 = tpu.memref_slice %arg4[%add3A, %dma_start3A] : memref<32x10240xf32, #tpu.memory_space<hbm>> -> memref<1x10240xf32, #tpu.memory_space<hbm>>
      %dma_start3A_12 = tpu.memref_squeeze %dma_start3A_11 : memref<1x10240xf32, #tpu.memory_space<hbm>> -> memref<10240xf32, #tpu.memory_space<hbm>>
      %dma_start3A_13 = arith.constant 0 : i32
      %dma_start3A_14 = tpu.memref_slice %arg4[%add3A, %dma_start3A_13] : memref<32x10240xf32, #tpu.memory_space<hbm>> -> memref<1x10240xf32, #tpu.memory_space<hbm>>
      %dma_start3A_15 = tpu.memref_squeeze %dma_start3A_14 : memref<1x10240xf32, #tpu.memory_space<hbm>> -> memref<10240xf32, #tpu.memory_space<hbm>>
      tpu.enqueue_dma source(%arg7 : memref<10240xf32, #tpu.memory_space<vmem>>) target(%dma_start3A_15 : memref<10240xf32, #tpu.memory_space<hbm>>) target_semaphore(%run_scoped3A : memref<!tpu.dma_semaphore, #tpu.memory_space<semaphore_mem>>)
      %dma_wait3A = arith.constant 0 : i32
      %dma_wait3A_16 = tpu.memref_slice %arg4[%add3A, %dma_wait3A] : memref<32x10240xf32, #tpu.memory_space<hbm>> -> memref<1x10240xf32, #tpu.memory_space<hbm>>
      %dma_wait3A_17 = tpu.memref_squeeze %dma_wait3A_16 : memref<1x10240xf32, #tpu.memory_space<hbm>> -> memref<10240xf32, #tpu.memory_space<hbm>>
      %dma_wait3A_18 = arith.constant 0 : i32
      %dma_wait3A_19 = tpu.memref_slice %arg4[%add3A, %dma_wait3A_18] : memref<32x10240xf32, #tpu.memory_space<hbm>> -> memref<1x10240xf32, #tpu.memory_space<hbm>>
      %dma_wait3A_20 = tpu.memref_squeeze %dma_wait3A_19 : memref<1x10240xf32, #tpu.memory_space<hbm>> -> memref<10240xf32, #tpu.memory_space<hbm>>
      tpu.wait_dma2 semaphore(%run_scoped3A : memref<!tpu.dma_semaphore, #tpu.memory_space<semaphore_mem>>) src(%arg7 : memref<10240xf32, #tpu.memory_space<vmem>>) dst(%dma_wait3A_20 : memref<10240xf32, #tpu.memory_space<hbm>>)
      tpu.yield
    }) : () -> ()
    return
  }
}

#map = affine_map<(d0, d1) -> (0)>
#map1 = affine_map<(d0, d1) -> (0, 0)>
module attributes {stable_mosaic.version = 14 : i64} {
  func.func @_l2_kernel(%arg0: i32, %arg1: i32, %arg2: memref<320000xi32, #tpu.memory_space<hbm>>, %arg3: memref<320000xi32, #tpu.memory_space<hbm>>, %arg4: memref<320000xf32, #tpu.memory_space<hbm>>, %arg5: memref<10000xf32, #tpu.memory_space<hbm>>, %arg6: memref<32x10240xf32, #tpu.memory_space<hbm>>, %arg7: memref<10000xi32, #tpu.memory_space<vmem>>, %arg8: memref<10000xi32, #tpu.memory_space<vmem>>, %arg9: memref<10000xf32, #tpu.memory_space<vmem>>, %arg10: memref<10000xf32, #tpu.memory_space<vmem>>, %arg11: memref<10240xf32, #tpu.memory_space<vmem>>) attributes {dimension_semantics = [#tpu.dimension_semantics<core_parallel>, #tpu.dimension_semantics<subcore_parallel>], iteration_bounds = array<i64: 2, 16>, scalar_prefetch = 0 : i64, scratch_operands = 5 : i64, tpu.core_type = #tpu.core_type<sc_vector_subcore>, window_params = [{transform_indices = #map}, {transform_indices = #map}, {transform_indices = #map}, {transform_indices = #map}, {transform_indices = #map1}]} {
    %mul3A = arith.constant 16 : i32
    %mul3A_0 = arith.muli %arg0, %mul3A : i32
    %add3A = arith.addi %mul3A_0, %arg1 : i32
    %broadcast_in_dim3A = arith.constant 0.000000e+00 : f32
    %broadcast_in_dim3A_1 = vector.broadcast %broadcast_in_dim3A : f32 to vector<16xf32>
    %scan3A = arith.constant 0 : i32
    %scan3A_2 = arith.constant 0 : i32
    %scan3A_3 = arith.constant 640 : i32
    %scan3A_4 = arith.addi %scan3A_2, %scan3A_3 : i32
    %scan3A_5 = arith.constant 1 : i32
    scf.for %scan3A_11 = %scan3A_2 to %scan3A_4 step %scan3A_5  : i32 {
      %mul3A_12 = arith.constant 16 : i32
      %mul3A_13 = arith.muli %scan3A_11, %mul3A_12 : i32
      %swap3A = arith.index_cast %mul3A_13 : i32 to index
      %swap3A_14 = tpu.vector_load %arg11[%swap3A] {strides = array<i32>} : memref<10240xf32, #tpu.memory_space<vmem>>, vector<16xf32>,
      tpu.vector_store %arg11[%swap3A], %broadcast_in_dim3A_1 {strides = array<i32>} : memref<10240xf32, #tpu.memory_space<vmem>>, vector<16xf32>,
    }
    %scan3A_6 = arith.constant 640 : i32
    %mul3A_7 = arith.constant 10000 : i32
    %mul3A_8 = arith.muli %add3A, %mul3A_7 : i32
    "tpu.region"() ({
      %run_scoped3A = tpu.sem_alloc : memref<!tpu.dma_semaphore, #tpu.memory_space<semaphore_mem>>
      %dma_start3A = tpu.memref_slice %arg2[%mul3A_8] : memref<320000xi32, #tpu.memory_space<hbm>> -> memref<10000xi32, #tpu.memory_space<hbm>>
      %dma_start3A_11 = tpu.memref_slice %arg2[%mul3A_8] : memref<320000xi32, #tpu.memory_space<hbm>> -> memref<10000xi32, #tpu.memory_space<hbm>>
      tpu.enqueue_dma source(%dma_start3A_11 : memref<10000xi32, #tpu.memory_space<hbm>>) target(%arg7 : memref<10000xi32, #tpu.memory_space<vmem>>) target_semaphore(%run_scoped3A : memref<!tpu.dma_semaphore, #tpu.memory_space<semaphore_mem>>)
      %dma_wait3A = tpu.memref_slice %arg2[%mul3A_8] : memref<320000xi32, #tpu.memory_space<hbm>> -> memref<10000xi32, #tpu.memory_space<hbm>>
      %dma_wait3A_12 = tpu.memref_slice %arg2[%mul3A_8] : memref<320000xi32, #tpu.memory_space<hbm>> -> memref<10000xi32, #tpu.memory_space<hbm>>
      tpu.wait_dma2 semaphore(%run_scoped3A : memref<!tpu.dma_semaphore, #tpu.memory_space<semaphore_mem>>) src(%dma_wait3A_12 : memref<10000xi32, #tpu.memory_space<hbm>>) dst(%arg7 : memref<10000xi32, #tpu.memory_space<vmem>>)
      tpu.yield
    }) : () -> ()
    "tpu.region"() ({
      %run_scoped3A = tpu.sem_alloc : memref<!tpu.dma_semaphore, #tpu.memory_space<semaphore_mem>>
      %dma_start3A = tpu.memref_slice %arg3[%mul3A_8] : memref<320000xi32, #tpu.memory_space<hbm>> -> memref<10000xi32, #tpu.memory_space<hbm>>
      %dma_start3A_11 = tpu.memref_slice %arg3[%mul3A_8] : memref<320000xi32, #tpu.memory_space<hbm>> -> memref<10000xi32, #tpu.memory_space<hbm>>
      tpu.enqueue_dma source(%dma_start3A_11 : memref<10000xi32, #tpu.memory_space<hbm>>) target(%arg8 : memref<10000xi32, #tpu.memory_space<vmem>>) target_semaphore(%run_scoped3A : memref<!tpu.dma_semaphore, #tpu.memory_space<semaphore_mem>>)
      %dma_wait3A = tpu.memref_slice %arg3[%mul3A_8] : memref<320000xi32, #tpu.memory_space<hbm>> -> memref<10000xi32, #tpu.memory_space<hbm>>
      %dma_wait3A_12 = tpu.memref_slice %arg3[%mul3A_8] : memref<320000xi32, #tpu.memory_space<hbm>> -> memref<10000xi32, #tpu.memory_space<hbm>>
      tpu.wait_dma2 semaphore(%run_scoped3A : memref<!tpu.dma_semaphore, #tpu.memory_space<semaphore_mem>>) src(%dma_wait3A_12 : memref<10000xi32, #tpu.memory_space<hbm>>) dst(%arg8 : memref<10000xi32, #tpu.memory_space<vmem>>)
      tpu.yield
    }) : () -> ()
    "tpu.region"() ({
      %run_scoped3A = tpu.sem_alloc : memref<!tpu.dma_semaphore, #tpu.memory_space<semaphore_mem>>
      %dma_start3A = tpu.memref_slice %arg4[%mul3A_8] : memref<320000xf32, #tpu.memory_space<hbm>> -> memref<10000xf32, #tpu.memory_space<hbm>>
      %dma_start3A_11 = tpu.memref_slice %arg4[%mul3A_8] : memref<320000xf32, #tpu.memory_space<hbm>> -> memref<10000xf32, #tpu.memory_space<hbm>>
      tpu.enqueue_dma source(%dma_start3A_11 : memref<10000xf32, #tpu.memory_space<hbm>>) target(%arg9 : memref<10000xf32, #tpu.memory_space<vmem>>) target_semaphore(%run_scoped3A : memref<!tpu.dma_semaphore, #tpu.memory_space<semaphore_mem>>)
      %dma_wait3A = tpu.memref_slice %arg4[%mul3A_8] : memref<320000xf32, #tpu.memory_space<hbm>> -> memref<10000xf32, #tpu.memory_space<hbm>>
      %dma_wait3A_12 = tpu.memref_slice %arg4[%mul3A_8] : memref<320000xf32, #tpu.memory_space<hbm>> -> memref<10000xf32, #tpu.memory_space<hbm>>
      tpu.wait_dma2 semaphore(%run_scoped3A : memref<!tpu.dma_semaphore, #tpu.memory_space<semaphore_mem>>) src(%dma_wait3A_12 : memref<10000xf32, #tpu.memory_space<hbm>>) dst(%arg9 : memref<10000xf32, #tpu.memory_space<vmem>>)
      tpu.yield
    }) : () -> ()
    "tpu.region"() ({
      %run_scoped3A = tpu.sem_alloc : memref<!tpu.dma_semaphore, #tpu.memory_space<semaphore_mem>>
      tpu.enqueue_dma source(%arg5 : memref<10000xf32, #tpu.memory_space<hbm>>) target(%arg10 : memref<10000xf32, #tpu.memory_space<vmem>>) target_semaphore(%run_scoped3A : memref<!tpu.dma_semaphore, #tpu.memory_space<semaphore_mem>>)
      tpu.wait_dma2 semaphore(%run_scoped3A : memref<!tpu.dma_semaphore, #tpu.memory_space<semaphore_mem>>) src(%arg5 : memref<10000xf32, #tpu.memory_space<hbm>>) dst(%arg10 : memref<10000xf32, #tpu.memory_space<vmem>>)
      tpu.yield
    }) : () -> ()
    %parallel_loop3A = arith.constant 0 : i32
    %parallel_loop3A_9 = arith.constant 625 : i32
    %parallel_loop3A_10 = arith.constant 1 : i32
    scf.for %parallel_loop3A_11 = %parallel_loop3A to %parallel_loop3A_9 step %parallel_loop3A_10  : i32 {
      %parallel_loop3A_12 = arith.constant 16 : i32
      %parallel_loop3A_13 = arith.muli %parallel_loop3A_11, %parallel_loop3A_12 : i32
      %parallel_loop3A_14 = arith.index_cast %parallel_loop3A_13 : i32 to index
      %parallel_loop3A_15 = tpu.vector_load %arg7[%parallel_loop3A_14] {strides = array<i32>} : memref<10000xi32, #tpu.memory_space<vmem>>, vector<16xi32>,
      %parallel_loop3A_16 = arith.constant 16 : i32
      %parallel_loop3A_17 = arith.muli %parallel_loop3A_11, %parallel_loop3A_16 : i32
      %parallel_loop3A_18 = arith.index_cast %parallel_loop3A_17 : i32 to index
      %parallel_loop3A_19 = tpu.vector_load %arg8[%parallel_loop3A_18] {strides = array<i32>} : memref<10000xi32, #tpu.memory_space<vmem>>, vector<16xi32>,
      %parallel_loop3A_20 = arith.constant 16 : i32
      %parallel_loop3A_21 = arith.muli %parallel_loop3A_11, %parallel_loop3A_20 : i32
      %parallel_loop3A_22 = arith.index_cast %parallel_loop3A_21 : i32 to index
      %parallel_loop3A_23 = tpu.vector_load %arg9[%parallel_loop3A_22] {strides = array<i32>} : memref<10000xf32, #tpu.memory_space<vmem>>, vector<16xf32>,
      %parallel_loop3A_24 = tpu.vector_load_idx %arg10[%parallel_loop3A_15] : memref<10000xf32, #tpu.memory_space<vmem>>[vector<16xi32>], vector<16xf32>,
      %parallel_loop3A_25 = arith.mulf %parallel_loop3A_23, %parallel_loop3A_24 : vector<16xf32>
      tpu.vector_store_idx %arg11[%parallel_loop3A_19], %parallel_loop3A_25 {add = true} : memref<10240xf32, #tpu.memory_space<vmem>>[vector<16xi32>], vector<16xf32>,
    } {sc.loop_unroll_factor = 8 : i64, sc.parallel_access}
    "tpu.region"() ({
      %run_scoped3A = tpu.sem_alloc : memref<!tpu.dma_semaphore, #tpu.memory_space<semaphore_mem>>
      %dma_start3A = arith.constant 0 : i32
      %dma_start3A_11 = tpu.memref_slice %arg6[%add3A, %dma_start3A] : memref<32x10240xf32, #tpu.memory_space<hbm>> -> memref<1x10240xf32, #tpu.memory_space<hbm>>
      %dma_start3A_12 = tpu.memref_squeeze %dma_start3A_11 : memref<1x10240xf32, #tpu.memory_space<hbm>> -> memref<10240xf32, #tpu.memory_space<hbm>>
      %dma_start3A_13 = arith.constant 0 : i32
      %dma_start3A_14 = tpu.memref_slice %arg6[%add3A, %dma_start3A_13] : memref<32x10240xf32, #tpu.memory_space<hbm>> -> memref<1x10240xf32, #tpu.memory_space<hbm>>
      %dma_start3A_15 = tpu.memref_squeeze %dma_start3A_14 : memref<1x10240xf32, #tpu.memory_space<hbm>> -> memref<10240xf32, #tpu.memory_space<hbm>>
      tpu.enqueue_dma source(%arg11 : memref<10240xf32, #tpu.memory_space<vmem>>) target(%dma_start3A_15 : memref<10240xf32, #tpu.memory_space<hbm>>) target_semaphore(%run_scoped3A : memref<!tpu.dma_semaphore, #tpu.memory_space<semaphore_mem>>)
      %dma_wait3A = arith.constant 0 : i32
      %dma_wait3A_16 = tpu.memref_slice %arg6[%add3A, %dma_wait3A] : memref<32x10240xf32, #tpu.memory_space<hbm>> -> memref<1x10240xf32, #tpu.memory_space<hbm>>
      %dma_wait3A_17 = tpu.memref_squeeze %dma_wait3A_16 : memref<1x10240xf32, #tpu.memory_space<hbm>> -> memref<10240xf32, #tpu.memory_space<hbm>>
      %dma_wait3A_18 = arith.constant 0 : i32
      %dma_wait3A_19 = tpu.memref_slice %arg6[%add3A, %dma_wait3A_18] : memref<32x10240xf32, #tpu.memory_space<hbm>> -> memref<1x10240xf32, #tpu.memory_space<hbm>>
      %dma_wait3A_20 = tpu.memref_squeeze %dma_wait3A_19 : memref<1x10240xf32, #tpu.memory_space<hbm>> -> memref<10240xf32, #tpu.memory_space<hbm>>
      tpu.wait_dma2 semaphore(%run_scoped3A : memref<!tpu.dma_semaphore, #tpu.memory_space<semaphore_mem>>) src(%arg11 : memref<10240xf32, #tpu.memory_space<vmem>>) dst(%dma_wait3A_20 : memref<10240xf32, #tpu.memory_space<hbm>>)
      tpu.yield
    }) : () -> ()
    return
  }
}

#map = affine_map<(d0, d1) -> (0, 0)>
#map1 = affine_map<(d0, d1) -> (0, 0, 0)>
module attributes {stable_mosaic.version = 14 : i64} {
  func.func @_l1_kernel(%arg0: i32, %arg1: i32, %arg2: memref<10000x64xf32, #tpu.memory_space<hbm>>, %arg3: memref<2560x128xi32, #tpu.memory_space<hbm>>, %arg4: memref<2560x128xi32, #tpu.memory_space<hbm>>, %arg5: memref<2560x128xf32, #tpu.memory_space<hbm>>, %arg6: memref<2x10240x64xf32, #tpu.memory_space<hbm>>, %arg7: memref<80x128xi32, #tpu.memory_space<vmem>>, %arg8: memref<80x128xi32, #tpu.memory_space<vmem>>, %arg9: memref<80x128xf32, #tpu.memory_space<vmem>>, %arg10: memref<3x2x128x64xf32, #tpu.memory_space<vmem>>, %arg11: memref<10240x64xf32, #tpu.memory_space<vmem_shared>>, %arg12: memref<!tpu.dma_semaphore, #tpu.memory_space<semaphore_mem>>, %arg13: memref<!tpu.dma_semaphore, #tpu.memory_space<semaphore_mem>>, %arg14: memref<!tpu.dma_semaphore, #tpu.memory_space<semaphore_mem>>, %arg15: memref<!tpu.dma_semaphore, #tpu.memory_space<semaphore_mem>>, %arg16: memref<!tpu.dma_semaphore, #tpu.memory_space<semaphore_mem>>, %arg17: memref<!tpu.dma_semaphore, #tpu.memory_space<semaphore_mem>>) attributes {dimension_semantics = [#tpu.dimension_semantics<core_parallel>, #tpu.dimension_semantics<subcore_parallel>], iteration_bounds = array<i64: 2, 16>, scalar_prefetch = 0 : i64, scratch_operands = 11 : i64, tpu.core_type = #tpu.core_type<sc_vector_subcore>, window_params = [{transform_indices = #map}, {transform_indices = #map}, {transform_indices = #map}, {transform_indices = #map}, {transform_indices = #map1}]} {
    %mul3A = arith.constant 16 : i32
    %mul3A_0 = arith.muli %arg0, %mul3A : i32
    %add3A = arith.addi %mul3A_0, %arg1 : i32
    %mul3A_1 = arith.constant 80 : i32
    %mul3A_2 = arith.muli %add3A, %mul3A_1 : i32
    %dma_start3A = arith.constant 0 : i32
    %dma_start3A_3 = tpu.memref_slice %arg3[%mul3A_2, %dma_start3A] : memref<2560x128xi32, #tpu.memory_space<hbm>> -> memref<80x128xi32, #tpu.memory_space<hbm>>
    %dma_start3A_4 = arith.constant 0 : i32
    %dma_start3A_5 = tpu.memref_slice %arg3[%mul3A_2, %dma_start3A_4] : memref<2560x128xi32, #tpu.memory_space<hbm>> -> memref<80x128xi32, #tpu.memory_space<hbm>>
    tpu.enqueue_dma source(%dma_start3A_5 : memref<80x128xi32, #tpu.memory_space<hbm>>) target(%arg7 : memref<80x128xi32, #tpu.memory_space<vmem>>) target_semaphore(%arg12 : memref<!tpu.dma_semaphore, #tpu.memory_space<semaphore_mem>>)
    %dma_start3A_6 = arith.constant 0 : i32
    %dma_start3A_7 = tpu.memref_slice %arg4[%mul3A_2, %dma_start3A_6] : memref<2560x128xi32, #tpu.memory_space<hbm>> -> memref<80x128xi32, #tpu.memory_space<hbm>>
    %dma_start3A_8 = arith.constant 0 : i32
    %dma_start3A_9 = tpu.memref_slice %arg4[%mul3A_2, %dma_start3A_8] : memref<2560x128xi32, #tpu.memory_space<hbm>> -> memref<80x128xi32, #tpu.memory_space<hbm>>
    tpu.enqueue_dma source(%dma_start3A_9 : memref<80x128xi32, #tpu.memory_space<hbm>>) target(%arg8 : memref<80x128xi32, #tpu.memory_space<vmem>>) target_semaphore(%arg12 : memref<!tpu.dma_semaphore, #tpu.memory_space<semaphore_mem>>)
    %dma_start3A_10 = arith.constant 0 : i32
    %dma_start3A_11 = tpu.memref_slice %arg5[%mul3A_2, %dma_start3A_10] : memref<2560x128xf32, #tpu.memory_space<hbm>> -> memref<80x128xf32, #tpu.memory_space<hbm>>
    %dma_start3A_12 = arith.constant 0 : i32
    %dma_start3A_13 = tpu.memref_slice %arg5[%mul3A_2, %dma_start3A_12] : memref<2560x128xf32, #tpu.memory_space<hbm>> -> memref<80x128xf32, #tpu.memory_space<hbm>>
    tpu.enqueue_dma source(%dma_start3A_13 : memref<80x128xf32, #tpu.memory_space<hbm>>) target(%arg9 : memref<80x128xf32, #tpu.memory_space<vmem>>) target_semaphore(%arg12 : memref<!tpu.dma_semaphore, #tpu.memory_space<semaphore_mem>>)
    %broadcast_in_dim3A = arith.constant 0.000000e+00 : f32
    %broadcast_in_dim3A_14 = vector.broadcast %broadcast_in_dim3A : f32 to vector<16xf32>
    %scan3A = arith.constant 0 : i32
    %scan3A_15 = arith.constant 0 : i32
    %scan3A_16 = arith.constant 128 : i32
    %scan3A_17 = arith.addi %scan3A_15, %scan3A_16 : i32
    %scan3A_18 = arith.constant 1 : i32
    scf.for %scan3A_128 = %scan3A_15 to %scan3A_17 step %scan3A_18  : i32 {
      %swap3A = arith.constant 0 : i32
      %swap3A_129 = arith.constant 0 : i32
      %swap3A_130 = arith.index_cast %swap3A : i32 to index
      %swap3A_131 = arith.index_cast %swap3A_129 : i32 to index
      %swap3A_132 = arith.index_cast %scan3A_128 : i32 to index
      %swap3A_133 = arith.constant 0 : index
      %swap3A_134 = tpu.vector_load %arg10[%swap3A_130, %swap3A_131, %swap3A_132, %swap3A_133] {strides = array<i32>} : memref<3x2x128x64xf32, #tpu.memory_space<vmem>>, vector<16xf32>,
      tpu.vector_store %arg10[%swap3A_130, %swap3A_131, %swap3A_132, %swap3A_133], %broadcast_in_dim3A_14 {strides = array<i32>} : memref<3x2x128x64xf32, #tpu.memory_space<vmem>>, vector<16xf32>,
      %swap3A_135 = arith.constant 0 : i32
      %swap3A_136 = arith.constant 0 : i32
      %swap3A_137 = arith.index_cast %swap3A_135 : i32 to index
      %swap3A_138 = arith.index_cast %swap3A_136 : i32 to index
      %swap3A_139 = arith.index_cast %scan3A_128 : i32 to index
      %swap3A_140 = arith.constant 16 : index
      %swap3A_141 = tpu.vector_load %arg10[%swap3A_137, %swap3A_138, %swap3A_139, %swap3A_140] {strides = array<i32>} : memref<3x2x128x64xf32, #tpu.memory_space<vmem>>, vector<16xf32>,
      tpu.vector_store %arg10[%swap3A_137, %swap3A_138, %swap3A_139, %swap3A_140], %broadcast_in_dim3A_14 {strides = array<i32>} : memref<3x2x128x64xf32, #tpu.memory_space<vmem>>, vector<16xf32>,
      %swap3A_142 = arith.constant 0 : i32
      %swap3A_143 = arith.constant 0 : i32
      %swap3A_144 = arith.index_cast %swap3A_142 : i32 to index
      %swap3A_145 = arith.index_cast %swap3A_143 : i32 to index
      %swap3A_146 = arith.index_cast %scan3A_128 : i32 to index
      %swap3A_147 = arith.constant 32 : index
      %swap3A_148 = tpu.vector_load %arg10[%swap3A_144, %swap3A_145, %swap3A_146, %swap3A_147] {strides = array<i32>} : memref<3x2x128x64xf32, #tpu.memory_space<vmem>>, vector<16xf32>,
      tpu.vector_store %arg10[%swap3A_144, %swap3A_145, %swap3A_146, %swap3A_147], %broadcast_in_dim3A_14 {strides = array<i32>} : memref<3x2x128x64xf32, #tpu.memory_space<vmem>>, vector<16xf32>,
      %swap3A_149 = arith.constant 0 : i32
      %swap3A_150 = arith.constant 0 : i32
      %swap3A_151 = arith.index_cast %swap3A_149 : i32 to index
      %swap3A_152 = arith.index_cast %swap3A_150 : i32 to index
      %swap3A_153 = arith.index_cast %scan3A_128 : i32 to index
      %swap3A_154 = arith.constant 48 : index
      %swap3A_155 = tpu.vector_load %arg10[%swap3A_151, %swap3A_152, %swap3A_153, %swap3A_154] {strides = array<i32>} : memref<3x2x128x64xf32, #tpu.memory_space<vmem>>, vector<16xf32>,
      tpu.vector_store %arg10[%swap3A_151, %swap3A_152, %swap3A_153, %swap3A_154], %broadcast_in_dim3A_14 {strides = array<i32>} : memref<3x2x128x64xf32, #tpu.memory_space<vmem>>, vector<16xf32>,
    }
    %scan3A_19 = arith.constant 128 : i32
    %scan3A_20 = arith.constant 0 : i32
    %scan3A_21 = arith.constant 0 : i32
    %scan3A_22 = arith.constant 5 : i32
    %scan3A_23 = arith.addi %scan3A_21, %scan3A_22 : i32
    %scan3A_24 = arith.constant 1 : i32
    scf.for %scan3A_128 = %scan3A_21 to %scan3A_23 step %scan3A_24  : i32 {
      %mul3A_129 = arith.constant 640 : i32
      %mul3A_130 = arith.muli %arg1, %mul3A_129 : i32
      %mul3A_131 = arith.constant 128 : i32
      %mul3A_132 = arith.muli %scan3A_128, %mul3A_131 : i32
      %add3A_133 = arith.addi %mul3A_130, %mul3A_132 : i32
      %run_scoped3A = arith.constant 0 : i32
      %run_scoped3A_134 = arith.constant 0 : i32
      "tpu.region"() ({
        %run_scoped3A_135 = tpu.sem_alloc : memref<!tpu.dma_semaphore, #tpu.memory_space<semaphore_mem>>
        %dma_start3A_136 = arith.constant 0 : i32
        %dma_start3A_137 = arith.constant 0 : i32
        %dma_start3A_138 = tpu.memref_slice %arg10[%run_scoped3A, %run_scoped3A_134, %dma_start3A_136, %dma_start3A_137] : memref<3x2x128x64xf32, #tpu.memory_space<vmem>> -> memref<1x1x128x64xf32, #tpu.memory_space<vmem>>
        %dma_start3A_139 = tpu.memref_squeeze %dma_start3A_138 : memref<1x1x128x64xf32, #tpu.memory_space<vmem>> -> memref<128x64xf32, #tpu.memory_space<vmem>>
        %dma_start3A_140 = arith.constant 0 : i32
        %dma_start3A_141 = tpu.memref_slice %arg11[%add3A_133, %dma_start3A_140] : memref<10240x64xf32, #tpu.memory_space<vmem_shared>> -> memref<128x64xf32, #tpu.memory_space<vmem_shared>>
        %dma_start3A_142 = arith.constant 0 : i32
        %dma_start3A_143 = tpu.memref_slice %arg11[%add3A_133, %dma_start3A_142] : memref<10240x64xf32, #tpu.memory_space<vmem_shared>> -> memref<128x64xf32, #tpu.memory_space<vmem_shared>>
        %dma_start3A_144 = arith.constant 0 : i32
        %dma_start3A_145 = arith.constant 0 : i32
        %dma_start3A_146 = tpu.memref_slice %arg10[%run_scoped3A, %run_scoped3A_134, %dma_start3A_144, %dma_start3A_145] : memref<3x2x128x64xf32, #tpu.memory_space<vmem>> -> memref<1x1x128x64xf32, #tpu.memory_space<vmem>>
        %dma_start3A_147 = tpu.memref_squeeze %dma_start3A_146 : memref<1x1x128x64xf32, #tpu.memory_space<vmem>> -> memref<128x64xf32, #tpu.memory_space<vmem>>
        tpu.enqueue_dma source(%dma_start3A_147 : memref<128x64xf32, #tpu.memory_space<vmem>>) target(%dma_start3A_143 : memref<128x64xf32, #tpu.memory_space<vmem_shared>>) target_semaphore(%run_scoped3A_135 : memref<!tpu.dma_semaphore, #tpu.memory_space<semaphore_mem>>)
        %dma_wait3A_148 = arith.constant 0 : i32
        %dma_wait3A_149 = arith.constant 0 : i32
        %dma_wait3A_150 = tpu.memref_slice %arg10[%run_scoped3A, %run_scoped3A_134, %dma_wait3A_148, %dma_wait3A_149] : memref<3x2x128x64xf32, #tpu.memory_space<vmem>> -> memref<1x1x128x64xf32, #tpu.memory_space<vmem>>
        %dma_wait3A_151 = tpu.memref_squeeze %dma_wait3A_150 : memref<1x1x128x64xf32, #tpu.memory_space<vmem>> -> memref<128x64xf32, #tpu.memory_space<vmem>>
        %dma_wait3A_152 = arith.constant 0 : i32
        %dma_wait3A_153 = tpu.memref_slice %arg11[%add3A_133, %dma_wait3A_152] : memref<10240x64xf32, #tpu.memory_space<vmem_shared>> -> memref<128x64xf32, #tpu.memory_space<vmem_shared>>
        %dma_wait3A_154 = arith.constant 0 : i32
        %dma_wait3A_155 = tpu.memref_slice %arg11[%add3A_133, %dma_wait3A_154] : memref<10240x64xf32, #tpu.memory_space<vmem_shared>> -> memref<128x64xf32, #tpu.memory_space<vmem_shared>>
        %dma_wait3A_156 = arith.constant 0 : i32
        %dma_wait3A_157 = arith.constant 0 : i32
        %dma_wait3A_158 = tpu.memref_slice %arg10[%run_scoped3A, %run_scoped3A_134, %dma_wait3A_156, %dma_wait3A_157] : memref<3x2x128x64xf32, #tpu.memory_space<vmem>> -> memref<1x1x128x64xf32, #tpu.memory_space<vmem>>
        %dma_wait3A_159 = tpu.memref_squeeze %dma_wait3A_158 : memref<1x1x128x64xf32, #tpu.memory_space<vmem>> -> memref<128x64xf32, #tpu.memory_space<vmem>>
        tpu.wait_dma2 semaphore(%run_scoped3A_135 : memref<!tpu.dma_semaphore, #tpu.memory_space<semaphore_mem>>) src(%dma_wait3A_159 : memref<128x64xf32, #tpu.memory_space<vmem>>) dst(%dma_wait3A_155 : memref<128x64xf32, #tpu.memory_space<vmem_shared>>)
        tpu.yield
      }) : () -> ()
    }
    %scan3A_25 = arith.constant 5 : i32
    %barrier3A = arith.constant 0 : index
    tpu.barrier barrier_id(%barrier3A)
    %dma_wait3A = arith.constant 0 : i32
    %dma_wait3A_26 = tpu.memref_slice %arg3[%mul3A_2, %dma_wait3A] : memref<2560x128xi32, #tpu.memory_space<hbm>> -> memref<80x128xi32, #tpu.memory_space<hbm>>
    %dma_wait3A_27 = arith.constant 0 : i32
    %dma_wait3A_28 = tpu.memref_slice %arg3[%mul3A_2, %dma_wait3A_27] : memref<2560x128xi32, #tpu.memory_space<hbm>> -> memref<80x128xi32, #tpu.memory_space<hbm>>
    tpu.wait_dma2 semaphore(%arg12 : memref<!tpu.dma_semaphore, #tpu.memory_space<semaphore_mem>>) src(%dma_wait3A_28 : memref<80x128xi32, #tpu.memory_space<hbm>>) dst(%arg7 : memref<80x128xi32, #tpu.memory_space<vmem>>)
    %dma_wait3A_29 = arith.constant 0 : i32
    %dma_wait3A_30 = tpu.memref_slice %arg4[%mul3A_2, %dma_wait3A_29] : memref<2560x128xi32, #tpu.memory_space<hbm>> -> memref<80x128xi32, #tpu.memory_space<hbm>>
    %dma_wait3A_31 = arith.constant 0 : i32
    %dma_wait3A_32 = tpu.memref_slice %arg4[%mul3A_2, %dma_wait3A_31] : memref<2560x128xi32, #tpu.memory_space<hbm>> -> memref<80x128xi32, #tpu.memory_space<hbm>>
    tpu.wait_dma2 semaphore(%arg12 : memref<!tpu.dma_semaphore, #tpu.memory_space<semaphore_mem>>) src(%dma_wait3A_32 : memref<80x128xi32, #tpu.memory_space<hbm>>) dst(%arg8 : memref<80x128xi32, #tpu.memory_space<vmem>>)
    %dma_wait3A_33 = arith.constant 0 : i32
    %dma_wait3A_34 = tpu.memref_slice %arg5[%mul3A_2, %dma_wait3A_33] : memref<2560x128xf32, #tpu.memory_space<hbm>> -> memref<80x128xf32, #tpu.memory_space<hbm>>
    %dma_wait3A_35 = arith.constant 0 : i32
    %dma_wait3A_36 = tpu.memref_slice %arg5[%mul3A_2, %dma_wait3A_35] : memref<2560x128xf32, #tpu.memory_space<hbm>> -> memref<80x128xf32, #tpu.memory_space<hbm>>
    tpu.wait_dma2 semaphore(%arg12 : memref<!tpu.dma_semaphore, #tpu.memory_space<semaphore_mem>>) src(%dma_wait3A_36 : memref<80x128xf32, #tpu.memory_space<hbm>>) dst(%arg9 : memref<80x128xf32, #tpu.memory_space<vmem>>)
    %dma_start3A_37 = arith.constant 0 : i32
    %dma_start3A_38 = arith.constant 0 : i32
    %dma_start3A_39 = arith.constant 0 : i32
    %dma_start3A_40 = arith.constant 0 : i32
    %dma_start3A_41 = arith.constant 0 : i32
    %dma_start3A_42 = tpu.memref_slice %arg10[%dma_start3A_38, %dma_start3A_39, %dma_start3A_40, %dma_start3A_41] : memref<3x2x128x64xf32, #tpu.memory_space<vmem>> -> memref<1x1x128x64xf32, #tpu.memory_space<vmem>>
    %dma_start3A_43 = tpu.memref_squeeze %dma_start3A_42 : memref<1x1x128x64xf32, #tpu.memory_space<vmem>> -> memref<128x64xf32, #tpu.memory_space<vmem>>
    %dma_start3A_44 = arith.constant 0 : i32
    %dma_start3A_45 = tpu.memref_slice %arg7[%dma_start3A_37, %dma_start3A_44] : memref<80x128xi32, #tpu.memory_space<vmem>> -> memref<1x128xi32, #tpu.memory_space<vmem>>
    %dma_start3A_46 = tpu.memref_squeeze %dma_start3A_45 : memref<1x128xi32, #tpu.memory_space<vmem>> -> memref<128xi32, #tpu.memory_space<vmem>>
    %dma_start3A_47 = arith.constant 0 : i32
    %dma_start3A_48 = arith.constant 0 : i32
    %dma_start3A_49 = tpu.memref_slice %arg2[%dma_start3A_47, %dma_start3A_48] : memref<10000x64xf32, #tpu.memory_space<hbm>> -> memref<10000x64xf32, #tpu.memory_space<hbm>>
    tpu.enqueue_indirect_dma source(%dma_start3A_49 : memref<10000x64xf32, #tpu.memory_space<hbm>>) target(%dma_start3A_43 : memref<128x64xf32, #tpu.memory_space<vmem>>) offsets(%dma_start3A_46 : memref<128xi32, #tpu.memory_space<vmem>>) semaphore(%arg12 : memref<!tpu.dma_semaphore, #tpu.memory_space<semaphore_mem>>)
    %dma_start3A_50 = arith.constant 1 : i32
    %dma_start3A_51 = arith.constant 0 : i32
    %dma_start3A_52 = arith.constant 1 : i32
    %dma_start3A_53 = arith.constant 0 : i32
    %dma_start3A_54 = arith.constant 0 : i32
    %dma_start3A_55 = tpu.memref_slice %arg10[%dma_start3A_51, %dma_start3A_52, %dma_start3A_53, %dma_start3A_54] : memref<3x2x128x64xf32, #tpu.memory_space<vmem>> -> memref<1x1x128x64xf32, #tpu.memory_space<vmem>>
    %dma_start3A_56 = tpu.memref_squeeze %dma_start3A_55 : memref<1x1x128x64xf32, #tpu.memory_space<vmem>> -> memref<128x64xf32, #tpu.memory_space<vmem>>
    %dma_start3A_57 = arith.constant 0 : i32
    %dma_start3A_58 = tpu.memref_slice %arg7[%dma_start3A_50, %dma_start3A_57] : memref<80x128xi32, #tpu.memory_space<vmem>> -> memref<1x128xi32, #tpu.memory_space<vmem>>
    %dma_start3A_59 = tpu.memref_squeeze %dma_start3A_58 : memref<1x128xi32, #tpu.memory_space<vmem>> -> memref<128xi32, #tpu.memory_space<vmem>>
    %dma_start3A_60 = arith.constant 0 : i32
    %dma_start3A_61 = arith.constant 0 : i32
    %dma_start3A_62 = tpu.memref_slice %arg2[%dma_start3A_60, %dma_start3A_61] : memref<10000x64xf32, #tpu.memory_space<hbm>> -> memref<10000x64xf32, #tpu.memory_space<hbm>>
    tpu.enqueue_indirect_dma source(%dma_start3A_62 : memref<10000x64xf32, #tpu.memory_space<hbm>>) target(%dma_start3A_56 : memref<128x64xf32, #tpu.memory_space<vmem>>) offsets(%dma_start3A_59 : memref<128xi32, #tpu.memory_space<vmem>>) semaphore(%arg12 : memref<!tpu.dma_semaphore, #tpu.memory_space<semaphore_mem>>)
    %scan3A_63 = arith.constant 0 : i32
    %scan3A_64 = arith.constant 0 : i32
    %scan3A_65 = arith.constant 14 : i32
    %scan3A_66 = arith.addi %scan3A_64, %scan3A_65 : i32
    %scan3A_67 = arith.constant 1 : i32
    scf.for %scan3A_128 = %scan3A_64 to %scan3A_66 step %scan3A_67  : i32 {
      %mul3A_129 = arith.constant 3 : i32
      %mul3A_130 = arith.muli %scan3A_128, %mul3A_129 : i32
      %add3A_131 = arith.constant 0 : i32
      %add3A_132 = arith.addi %mul3A_130, %add3A_131 : i32
      %lt3A = arith.constant 40 : i32
      %lt3A_133 = arith.cmpi slt, %add3A_132, %lt3A : i32
      %convert_element_type3A = arith.extui %lt3A_133 : i1 to i32
      %cond3A = arith.constant 0 : i32
      %cond3A_134 = arith.cmpi ne, %convert_element_type3A, %cond3A : i32
      scf.if %cond3A_134 {
        %ge3A = arith.constant 2 : i32
        %ge3A_153 = arith.cmpi sge, %add3A_132, %ge3A : i32
        %convert_element_type3A_154 = arith.extui %ge3A_153 : i1 to i32
        %cond3A_155 = arith.constant 0 : i32
        %cond3A_156 = arith.cmpi ne, %convert_element_type3A_154, %cond3A_155 : i32
        scf.if %cond3A_156 {
          %sub3A = arith.constant 2 : i32
          %sub3A_230 = arith.subi %add3A_132, %sub3A : i32
          %mul3A_231 = arith.constant 2 : i32
          %mul3A_232 = arith.muli %sub3A_230, %mul3A_231 : i32
          %add3A_233 = arith.constant 0 : i32
          %add3A_234 = arith.addi %mul3A_232, %add3A_233 : i32
          %dma_wait3A_235 = arith.constant 1 : i32
          %dma_wait3A_236 = arith.constant 0 : i32
          %dma_wait3A_237 = arith.constant 0 : i32
          %dma_wait3A_238 = arith.constant 0 : i32
          %dma_wait3A_239 = tpu.memref_slice %arg10[%dma_wait3A_235, %dma_wait3A_236, %dma_wait3A_237, %dma_wait3A_238] : memref<3x2x128x64xf32, #tpu.memory_space<vmem>> -> memref<1x1x128x64xf32, #tpu.memory_space<vmem>>
          %dma_wait3A_240 = tpu.memref_squeeze %dma_wait3A_239 : memref<1x1x128x64xf32, #tpu.memory_space<vmem>> -> memref<128x64xf32, #tpu.memory_space<vmem>>
          %dma_wait3A_241 = arith.constant 0 : i32
          %dma_wait3A_242 = tpu.memref_slice %arg8[%add3A_234, %dma_wait3A_241] : memref<80x128xi32, #tpu.memory_space<vmem>> -> memref<1x128xi32, #tpu.memory_space<vmem>>
          %dma_wait3A_243 = tpu.memref_squeeze %dma_wait3A_242 : memref<1x128xi32, #tpu.memory_space<vmem>> -> memref<128xi32, #tpu.memory_space<vmem>>
          %dma_wait3A_244 = arith.constant 0 : i32
          %dma_wait3A_245 = arith.constant 0 : i32
          %dma_wait3A_246 = tpu.memref_slice %arg11[%dma_wait3A_244, %dma_wait3A_245] : memref<10240x64xf32, #tpu.memory_space<vmem_shared>> -> memref<10240x64xf32, #tpu.memory_space<vmem_shared>>
          tpu.wait_indirect_dma semaphore(%arg16 : memref<!tpu.dma_semaphore, #tpu.memory_space<semaphore_mem>>) src(%dma_wait3A_240 : memref<128x64xf32, #tpu.memory_space<vmem>>) dst(%dma_wait3A_246 : memref<10240x64xf32, #tpu.memory_space<vmem_shared>>)
          %mul3A_247 = arith.constant 2 : i32
          %mul3A_248 = arith.muli %sub3A_230, %mul3A_247 : i32
          %add3A_249 = arith.constant 1 : i32
          %add3A_250 = arith.addi %mul3A_248, %add3A_249 : i32
          %dma_wait3A_251 = arith.constant 1 : i32
          %dma_wait3A_252 = arith.constant 1 : i32
          %dma_wait3A_253 = arith.constant 0 : i32
          %dma_wait3A_254 = arith.constant 0 : i32
          %dma_wait3A_255 = tpu.memref_slice %arg10[%dma_wait3A_251, %dma_wait3A_252, %dma_wait3A_253, %dma_wait3A_254] : memref<3x2x128x64xf32, #tpu.memory_space<vmem>> -> memref<1x1x128x64xf32, #tpu.memory_space<vmem>>
          %dma_wait3A_256 = tpu.memref_squeeze %dma_wait3A_255 : memref<1x1x128x64xf32, #tpu.memory_space<vmem>> -> memref<128x64xf32, #tpu.memory_space<vmem>>
          %dma_wait3A_257 = arith.constant 0 : i32
          %dma_wait3A_258 = tpu.memref_slice %arg8[%add3A_250, %dma_wait3A_257] : memref<80x128xi32, #tpu.memory_space<vmem>> -> memref<1x128xi32, #tpu.memory_space<vmem>>
          %dma_wait3A_259 = tpu.memref_squeeze %dma_wait3A_258 : memref<1x128xi32, #tpu.memory_space<vmem>> -> memref<128xi32, #tpu.memory_space<vmem>>
          %dma_wait3A_260 = arith.constant 0 : i32
          %dma_wait3A_261 = arith.constant 0 : i32
          %dma_wait3A_262 = tpu.memref_slice %arg11[%dma_wait3A_260, %dma_wait3A_261] : memref<10240x64xf32, #tpu.memory_space<vmem_shared>> -> memref<10240x64xf32, #tpu.memory_space<vmem_shared>>
          tpu.wait_indirect_dma semaphore(%arg16 : memref<!tpu.dma_semaphore, #tpu.memory_space<semaphore_mem>>) src(%dma_wait3A_256 : memref<128x64xf32, #tpu.memory_space<vmem>>) dst(%dma_wait3A_262 : memref<10240x64xf32, #tpu.memory_space<vmem_shared>>)
        } else {
        }
        %add3A_157 = arith.constant 1 : i32
        %add3A_158 = arith.addi %add3A_132, %add3A_157 : i32
        %lt3A_159 = arith.constant 40 : i32
        %lt3A_160 = arith.cmpi slt, %add3A_158, %lt3A_159 : i32
        %convert_element_type3A_161 = arith.extui %lt3A_160 : i1 to i32
        %cond3A_162 = arith.constant 0 : i32
        %cond3A_163 = arith.cmpi ne, %convert_element_type3A_161, %cond3A_162 : i32
        scf.if %cond3A_163 {
          %add3A_230 = arith.constant 1 : i32
          %add3A_231 = arith.addi %add3A_132, %add3A_230 : i32
          %mul3A_232 = arith.constant 2 : i32
          %mul3A_233 = arith.muli %add3A_231, %mul3A_232 : i32
          %add3A_234 = arith.constant 0 : i32
          %add3A_235 = arith.addi %mul3A_233, %add3A_234 : i32
          %dma_start3A_236 = arith.constant 1 : i32
          %dma_start3A_237 = arith.constant 0 : i32
          %dma_start3A_238 = arith.constant 0 : i32
          %dma_start3A_239 = arith.constant 0 : i32
          %dma_start3A_240 = tpu.memref_slice %arg10[%dma_start3A_236, %dma_start3A_237, %dma_start3A_238, %dma_start3A_239] : memref<3x2x128x64xf32, #tpu.memory_space<vmem>> -> memref<1x1x128x64xf32, #tpu.memory_space<vmem>>
          %dma_start3A_241 = tpu.memref_squeeze %dma_start3A_240 : memref<1x1x128x64xf32, #tpu.memory_space<vmem>> -> memref<128x64xf32, #tpu.memory_space<vmem>>
          %dma_start3A_242 = arith.constant 0 : i32
          %dma_start3A_243 = tpu.memref_slice %arg7[%add3A_235, %dma_start3A_242] : memref<80x128xi32, #tpu.memory_space<vmem>> -> memref<1x128xi32, #tpu.memory_space<vmem>>
          %dma_start3A_244 = tpu.memref_squeeze %dma_start3A_243 : memref<1x128xi32, #tpu.memory_space<vmem>> -> memref<128xi32, #tpu.memory_space<vmem>>
          %dma_start3A_245 = arith.constant 0 : i32
          %dma_start3A_246 = arith.constant 0 : i32
          %dma_start3A_247 = tpu.memref_slice %arg2[%dma_start3A_245, %dma_start3A_246] : memref<10000x64xf32, #tpu.memory_space<hbm>> -> memref<10000x64xf32, #tpu.memory_space<hbm>>
          tpu.enqueue_indirect_dma source(%dma_start3A_247 : memref<10000x64xf32, #tpu.memory_space<hbm>>) target(%dma_start3A_241 : memref<128x64xf32, #tpu.memory_space<vmem>>) offsets(%dma_start3A_244 : memref<128xi32, #tpu.memory_space<vmem>>) semaphore(%arg13 : memref<!tpu.dma_semaphore, #tpu.memory_space<semaphore_mem>>)
          %mul3A_248 = arith.constant 2 : i32
          %mul3A_249 = arith.muli %add3A_231, %mul3A_248 : i32
          %add3A_250 = arith.constant 1 : i32
          %add3A_251 = arith.addi %mul3A_249, %add3A_250 : i32
          %dma_start3A_252 = arith.constant 1 : i32
          %dma_start3A_253 = arith.constant 1 : i32
          %dma_start3A_254 = arith.constant 0 : i32
          %dma_start3A_255 = arith.constant 0 : i32
          %dma_start3A_256 = tpu.memref_slice %arg10[%dma_start3A_252, %dma_start3A_253, %dma_start3A_254, %dma_start3A_255] : memref<3x2x128x64xf32, #tpu.memory_space<vmem>> -> memref<1x1x128x64xf32, #tpu.memory_space<vmem>>
          %dma_start3A_257 = tpu.memref_squeeze %dma_start3A_256 : memref<1x1x128x64xf32, #tpu.memory_space<vmem>> -> memref<128x64xf32, #tpu.memory_space<vmem>>
          %dma_start3A_258 = arith.constant 0 : i32
          %dma_start3A_259 = tpu.memref_slice %arg7[%add3A_251, %dma_start3A_258] : memref<80x128xi32, #tpu.memory_space<vmem>> -> memref<1x128xi32, #tpu.memory_space<vmem>>
          %dma_start3A_260 = tpu.memref_squeeze %dma_start3A_259 : memref<1x128xi32, #tpu.memory_space<vmem>> -> memref<128xi32, #tpu.memory_space<vmem>>
          %dma_start3A_261 = arith.constant 0 : i32
          %dma_start3A_262 = arith.constant 0 : i32
          %dma_start3A_263 = tpu.memref_slice %arg2[%dma_start3A_261, %dma_start3A_262] : memref<10000x64xf32, #tpu.memory_space<hbm>> -> memref<10000x64xf32, #tpu.memory_space<hbm>>
          tpu.enqueue_indirect_dma source(%dma_start3A_263 : memref<10000x64xf32, #tpu.memory_space<hbm>>) target(%dma_start3A_257 : memref<128x64xf32, #tpu.memory_space<vmem>>) offsets(%dma_start3A_260 : memref<128xi32, #tpu.memory_space<vmem>>) semaphore(%arg13 : memref<!tpu.dma_semaphore, #tpu.memory_space<semaphore_mem>>)
        } else {
        }
        %mul3A_164 = arith.constant 2 : i32
        %mul3A_165 = arith.muli %add3A_132, %mul3A_164 : i32
        %add3A_166 = arith.constant 0 : i32
        %add3A_167 = arith.addi %mul3A_165, %add3A_166 : i32
        %dma_wait3A_168 = arith.constant 0 : i32
        %dma_wait3A_169 = arith.constant 0 : i32
        %dma_wait3A_170 = arith.constant 0 : i32
        %dma_wait3A_171 = arith.constant 0 : i32
        %dma_wait3A_172 = tpu.memref_slice %arg10[%dma_wait3A_168, %dma_wait3A_169, %dma_wait3A_170, %dma_wait3A_171] : memref<3x2x128x64xf32, #tpu.memory_space<vmem>> -> memref<1x1x128x64xf32, #tpu.memory_space<vmem>>
        %dma_wait3A_173 = tpu.memref_squeeze %dma_wait3A_172 : memref<1x1x128x64xf32, #tpu.memory_space<vmem>> -> memref<128x64xf32, #tpu.memory_space<vmem>>
        %dma_wait3A_174 = arith.constant 0 : i32
        %dma_wait3A_175 = tpu.memref_slice %arg7[%add3A_167, %dma_wait3A_174] : memref<80x128xi32, #tpu.memory_space<vmem>> -> memref<1x128xi32, #tpu.memory_space<vmem>>
        %dma_wait3A_176 = tpu.memref_squeeze %dma_wait3A_175 : memref<1x128xi32, #tpu.memory_space<vmem>> -> memref<128xi32, #tpu.memory_space<vmem>>
        %dma_wait3A_177 = arith.constant 0 : i32
        %dma_wait3A_178 = arith.constant 0 : i32
        %dma_wait3A_179 = tpu.memref_slice %arg2[%dma_wait3A_177, %dma_wait3A_178] : memref<10000x64xf32, #tpu.memory_space<hbm>> -> memref<10000x64xf32, #tpu.memory_space<hbm>>
        tpu.wait_indirect_dma semaphore(%arg12 : memref<!tpu.dma_semaphore, #tpu.memory_space<semaphore_mem>>) src(%dma_wait3A_179 : memref<10000x64xf32, #tpu.memory_space<hbm>>) dst(%dma_wait3A_173 : memref<128x64xf32, #tpu.memory_space<vmem>>)
        %mul3A_180 = arith.constant 2 : i32
        %mul3A_181 = arith.muli %add3A_132, %mul3A_180 : i32
        %add3A_182 = arith.constant 1 : i32
        %add3A_183 = arith.addi %mul3A_181, %add3A_182 : i32
        %dma_wait3A_184 = arith.constant 0 : i32
        %dma_wait3A_185 = arith.constant 1 : i32
        %dma_wait3A_186 = arith.constant 0 : i32
        %dma_wait3A_187 = arith.constant 0 : i32
        %dma_wait3A_188 = tpu.memref_slice %arg10[%dma_wait3A_184, %dma_wait3A_185, %dma_wait3A_186, %dma_wait3A_187] : memref<3x2x128x64xf32, #tpu.memory_space<vmem>> -> memref<1x1x128x64xf32, #tpu.memory_space<vmem>>
        %dma_wait3A_189 = tpu.memref_squeeze %dma_wait3A_188 : memref<1x1x128x64xf32, #tpu.memory_space<vmem>> -> memref<128x64xf32, #tpu.memory_space<vmem>>
        %dma_wait3A_190 = arith.constant 0 : i32
        %dma_wait3A_191 = tpu.memref_slice %arg7[%add3A_183, %dma_wait3A_190] : memref<80x128xi32, #tpu.memory_space<vmem>> -> memref<1x128xi32, #tpu.memory_space<vmem>>
        %dma_wait3A_192 = tpu.memref_squeeze %dma_wait3A_191 : memref<1x128xi32, #tpu.memory_space<vmem>> -> memref<128xi32, #tpu.memory_space<vmem>>
        %dma_wait3A_193 = arith.constant 0 : i32
        %dma_wait3A_194 = arith.constant 0 : i32
        %dma_wait3A_195 = tpu.memref_slice %arg2[%dma_wait3A_193, %dma_wait3A_194] : memref<10000x64xf32, #tpu.memory_space<hbm>> -> memref<10000x64xf32, #tpu.memory_space<hbm>>
        tpu.wait_indirect_dma semaphore(%arg12 : memref<!tpu.dma_semaphore, #tpu.memory_space<semaphore_mem>>) src(%dma_wait3A_195 : memref<10000x64xf32, #tpu.memory_space<hbm>>) dst(%dma_wait3A_189 : memref<128x64xf32, #tpu.memory_space<vmem>>)
        %parallel_loop3A = arith.constant 0 : i32
        %parallel_loop3A_196 = arith.constant 128 : i32
        %parallel_loop3A_197 = arith.constant 1 : i32
        scf.for %parallel_loop3A_230 = %parallel_loop3A to %parallel_loop3A_196 step %parallel_loop3A_197  : i32 {
          %parallel_loop3A_231 = vector.broadcast %parallel_loop3A_230 : i32 to vector<16xi32>
          %parallel_loop3A_232 = arith.constant 2 : i32
          %parallel_loop3A_233 = arith.muli %add3A_132, %parallel_loop3A_232 : i32
          %parallel_loop3A_234 = arith.constant 0 : i32
          %parallel_loop3A_235 = arith.addi %parallel_loop3A_233, %parallel_loop3A_234 : i32
          %parallel_loop3A_236 = arith.constant 0 : i32
          %parallel_loop3A_237 = tpu.memref_slice %arg9[%parallel_loop3A_235, %parallel_loop3A_236] : memref<80x128xf32, #tpu.memory_space<vmem>> -> memref<1x128xf32, #tpu.memory_space<vmem>>
          %parallel_loop3A_238 = tpu.memref_squeeze %parallel_loop3A_237 : memref<1x128xf32, #tpu.memory_space<vmem>> -> memref<128xf32, #tpu.memory_space<vmem>>
          %parallel_loop3A_239 = tpu.vector_load_idx %parallel_loop3A_238[%parallel_loop3A_231] : memref<128xf32, #tpu.memory_space<vmem>>[vector<16xi32>], vector<16xf32>,
          %parallel_loop3A_240 = arith.constant 0 : i32
          %parallel_loop3A_241 = arith.constant 0 : i32
          %parallel_loop3A_242 = arith.index_cast %parallel_loop3A_240 : i32 to index
          %parallel_loop3A_243 = arith.index_cast %parallel_loop3A_241 : i32 to index
          %parallel_loop3A_244 = arith.index_cast %parallel_loop3A_230 : i32 to index
          %parallel_loop3A_245 = arith.constant 0 : index
          %parallel_loop3A_246 = tpu.vector_load %arg10[%parallel_loop3A_242, %parallel_loop3A_243, %parallel_loop3A_244, %parallel_loop3A_245] {strides = array<i32>} : memref<3x2x128x64xf32, #tpu.memory_space<vmem>>, vector<16xf32>,
          %parallel_loop3A_247 = arith.mulf %parallel_loop3A_246, %parallel_loop3A_239 : vector<16xf32>
          %parallel_loop3A_248 = arith.constant 0 : i32
          %parallel_loop3A_249 = arith.constant 0 : i32
          %parallel_loop3A_250 = arith.index_cast %parallel_loop3A_248 : i32 to index
          %parallel_loop3A_251 = arith.index_cast %parallel_loop3A_249 : i32 to index
          %parallel_loop3A_252 = arith.index_cast %parallel_loop3A_230 : i32 to index
          %parallel_loop3A_253 = arith.constant 0 : index
          %parallel_loop3A_254 = tpu.vector_load %arg10[%parallel_loop3A_250, %parallel_loop3A_251, %parallel_loop3A_252, %parallel_loop3A_253] {strides = array<i32>} : memref<3x2x128x64xf32, #tpu.memory_space<vmem>>, vector<16xf32>,
          tpu.vector_store %arg10[%parallel_loop3A_250, %parallel_loop3A_251, %parallel_loop3A_252, %parallel_loop3A_253], %parallel_loop3A_247 {strides = array<i32>} : memref<3x2x128x64xf32, #tpu.memory_space<vmem>>, vector<16xf32>,
          %parallel_loop3A_255 = arith.constant 0 : i32
          %parallel_loop3A_256 = arith.constant 0 : i32
          %parallel_loop3A_257 = arith.index_cast %parallel_loop3A_255 : i32 to index
          %parallel_loop3A_258 = arith.index_cast %parallel_loop3A_256 : i32 to index
          %parallel_loop3A_259 = arith.index_cast %parallel_loop3A_230 : i32 to index
          %parallel_loop3A_260 = arith.constant 16 : index
          %parallel_loop3A_261 = tpu.vector_load %arg10[%parallel_loop3A_257, %parallel_loop3A_258, %parallel_loop3A_259, %parallel_loop3A_260] {strides = array<i32>} : memref<3x2x128x64xf32, #tpu.memory_space<vmem>>, vector<16xf32>,
          %parallel_loop3A_262 = arith.mulf %parallel_loop3A_261, %parallel_loop3A_239 : vector<16xf32>
          %parallel_loop3A_263 = arith.constant 0 : i32
          %parallel_loop3A_264 = arith.constant 0 : i32
          %parallel_loop3A_265 = arith.index_cast %parallel_loop3A_263 : i32 to index
          %parallel_loop3A_266 = arith.index_cast %parallel_loop3A_264 : i32 to index
          %parallel_loop3A_267 = arith.index_cast %parallel_loop3A_230 : i32 to index
          %parallel_loop3A_268 = arith.constant 16 : index
          %parallel_loop3A_269 = tpu.vector_load %arg10[%parallel_loop3A_265, %parallel_loop3A_266, %parallel_loop3A_267, %parallel_loop3A_268] {strides = array<i32>} : memref<3x2x128x64xf32, #tpu.memory_space<vmem>>, vector<16xf32>,
          tpu.vector_store %arg10[%parallel_loop3A_265, %parallel_loop3A_266, %parallel_loop3A_267, %parallel_loop3A_268], %parallel_loop3A_262 {strides = array<i32>} : memref<3x2x128x64xf32, #tpu.memory_space<vmem>>, vector<16xf32>,
          %parallel_loop3A_270 = arith.constant 0 : i32
          %parallel_loop3A_271 = arith.constant 0 : i32
          %parallel_loop3A_272 = arith.index_cast %parallel_loop3A_270 : i32 to index
          %parallel_loop3A_273 = arith.index_cast %parallel_loop3A_271 : i32 to index
          %parallel_loop3A_274 = arith.index_cast %parallel_loop3A_230 : i32 to index
          %parallel_loop3A_275 = arith.constant 32 : index
          %parallel_loop3A_276 = tpu.vector_load %arg10[%parallel_loop3A_272, %parallel_loop3A_273, %parallel_loop3A_274, %parallel_loop3A_275] {strides = array<i32>} : memref<3x2x128x64xf32, #tpu.memory_space<vmem>>, vector<16xf32>,
          %parallel_loop3A_277 = arith.mulf %parallel_loop3A_276, %parallel_loop3A_239 : vector<16xf32>
          %parallel_loop3A_278 = arith.constant 0 : i32
          %parallel_loop3A_279 = arith.constant 0 : i32
          %parallel_loop3A_280 = arith.index_cast %parallel_loop3A_278 : i32 to index
          %parallel_loop3A_281 = arith.index_cast %parallel_loop3A_279 : i32 to index
          %parallel_loop3A_282 = arith.index_cast %parallel_loop3A_230 : i32 to index
          %parallel_loop3A_283 = arith.constant 32 : index
          %parallel_loop3A_284 = tpu.vector_load %arg10[%parallel_loop3A_280, %parallel_loop3A_281, %parallel_loop3A_282, %parallel_loop3A_283] {strides = array<i32>} : memref<3x2x128x64xf32, #tpu.memory_space<vmem>>, vector<16xf32>,
          tpu.vector_store %arg10[%parallel_loop3A_280, %parallel_loop3A_281, %parallel_loop3A_282, %parallel_loop3A_283], %parallel_loop3A_277 {strides = array<i32>} : memref<3x2x128x64xf32, #tpu.memory_space<vmem>>, vector<16xf32>,
          %parallel_loop3A_285 = arith.constant 0 : i32
          %parallel_loop3A_286 = arith.constant 0 : i32
          %parallel_loop3A_287 = arith.index_cast %parallel_loop3A_285 : i32 to index
          %parallel_loop3A_288 = arith.index_cast %parallel_loop3A_286 : i32 to index
          %parallel_loop3A_289 = arith.index_cast %parallel_loop3A_230 : i32 to index
          %parallel_loop3A_290 = arith.constant 48 : index
          %parallel_loop3A_291 = tpu.vector_load %arg10[%parallel_loop3A_287, %parallel_loop3A_288, %parallel_loop3A_289, %parallel_loop3A_290] {strides = array<i32>} : memref<3x2x128x64xf32, #tpu.memory_space<vmem>>, vector<16xf32>,
          %parallel_loop3A_292 = arith.mulf %parallel_loop3A_291, %parallel_loop3A_239 : vector<16xf32>
          %parallel_loop3A_293 = arith.constant 0 : i32
          %parallel_loop3A_294 = arith.constant 0 : i32
          %parallel_loop3A_295 = arith.index_cast %parallel_loop3A_293 : i32 to index
          %parallel_loop3A_296 = arith.index_cast %parallel_loop3A_294 : i32 to index
          %parallel_loop3A_297 = arith.index_cast %parallel_loop3A_230 : i32 to index
          %parallel_loop3A_298 = arith.constant 48 : index
          %parallel_loop3A_299 = tpu.vector_load %arg10[%parallel_loop3A_295, %parallel_loop3A_296, %parallel_loop3A_297, %parallel_loop3A_298] {strides = array<i32>} : memref<3x2x128x64xf32, #tpu.memory_space<vmem>>, vector<16xf32>,
          tpu.vector_store %arg10[%parallel_loop3A_295, %parallel_loop3A_296, %parallel_loop3A_297, %parallel_loop3A_298], %parallel_loop3A_292 {strides = array<i32>} : memref<3x2x128x64xf32, #tpu.memory_space<vmem>>, vector<16xf32>,
          %parallel_loop3A_300 = arith.constant 2 : i32
          %parallel_loop3A_301 = arith.muli %add3A_132, %parallel_loop3A_300 : i32
          %parallel_loop3A_302 = arith.constant 1 : i32
          %parallel_loop3A_303 = arith.addi %parallel_loop3A_301, %parallel_loop3A_302 : i32
          %parallel_loop3A_304 = arith.constant 0 : i32
          %parallel_loop3A_305 = tpu.memref_slice %arg9[%parallel_loop3A_303, %parallel_loop3A_304] : memref<80x128xf32, #tpu.memory_space<vmem>> -> memref<1x128xf32, #tpu.memory_space<vmem>>
          %parallel_loop3A_306 = tpu.memref_squeeze %parallel_loop3A_305 : memref<1x128xf32, #tpu.memory_space<vmem>> -> memref<128xf32, #tpu.memory_space<vmem>>
          %parallel_loop3A_307 = tpu.vector_load_idx %parallel_loop3A_306[%parallel_loop3A_231] : memref<128xf32, #tpu.memory_space<vmem>>[vector<16xi32>], vector<16xf32>,
          %parallel_loop3A_308 = arith.constant 0 : i32
          %parallel_loop3A_309 = arith.constant 1 : i32
          %parallel_loop3A_310 = arith.index_cast %parallel_loop3A_308 : i32 to index
          %parallel_loop3A_311 = arith.index_cast %parallel_loop3A_309 : i32 to index
          %parallel_loop3A_312 = arith.index_cast %parallel_loop3A_230 : i32 to index
          %parallel_loop3A_313 = arith.constant 0 : index
          %parallel_loop3A_314 = tpu.vector_load %arg10[%parallel_loop3A_310, %parallel_loop3A_311, %parallel_loop3A_312, %parallel_loop3A_313] {strides = array<i32>} : memref<3x2x128x64xf32, #tpu.memory_space<vmem>>, vector<16xf32>,
          %parallel_loop3A_315 = arith.mulf %parallel_loop3A_314, %parallel_loop3A_307 : vector<16xf32>
          %parallel_loop3A_316 = arith.constant 0 : i32
          %parallel_loop3A_317 = arith.constant 1 : i32
          %parallel_loop3A_318 = arith.index_cast %parallel_loop3A_316 : i32 to index
          %parallel_loop3A_319 = arith.index_cast %parallel_loop3A_317 : i32 to index
          %parallel_loop3A_320 = arith.index_cast %parallel_loop3A_230 : i32 to index
          %parallel_loop3A_321 = arith.constant 0 : index
          %parallel_loop3A_322 = tpu.vector_load %arg10[%parallel_loop3A_318, %parallel_loop3A_319, %parallel_loop3A_320, %parallel_loop3A_321] {strides = array<i32>} : memref<3x2x128x64xf32, #tpu.memory_space<vmem>>, vector<16xf32>,
          tpu.vector_store %arg10[%parallel_loop3A_318, %parallel_loop3A_319, %parallel_loop3A_320, %parallel_loop3A_321], %parallel_loop3A_315 {strides = array<i32>} : memref<3x2x128x64xf32, #tpu.memory_space<vmem>>, vector<16xf32>,
          %parallel_loop3A_323 = arith.constant 0 : i32
          %parallel_loop3A_324 = arith.constant 1 : i32
          %parallel_loop3A_325 = arith.index_cast %parallel_loop3A_323 : i32 to index
          %parallel_loop3A_326 = arith.index_cast %parallel_loop3A_324 : i32 to index
          %parallel_loop3A_327 = arith.index_cast %parallel_loop3A_230 : i32 to index
          %parallel_loop3A_328 = arith.constant 16 : index
          %parallel_loop3A_329 = tpu.vector_load %arg10[%parallel_loop3A_325, %parallel_loop3A_326, %parallel_loop3A_327, %parallel_loop3A_328] {strides = array<i32>} : memref<3x2x128x64xf32, #tpu.memory_space<vmem>>, vector<16xf32>,
          %parallel_loop3A_330 = arith.mulf %parallel_loop3A_329, %parallel_loop3A_307 : vector<16xf32>
          %parallel_loop3A_331 = arith.constant 0 : i32
          %parallel_loop3A_332 = arith.constant 1 : i32
          %parallel_loop3A_333 = arith.index_cast %parallel_loop3A_331 : i32 to index
          %parallel_loop3A_334 = arith.index_cast %parallel_loop3A_332 : i32 to index
          %parallel_loop3A_335 = arith.index_cast %parallel_loop3A_230 : i32 to index
          %parallel_loop3A_336 = arith.constant 16 : index
          %parallel_loop3A_337 = tpu.vector_load %arg10[%parallel_loop3A_333, %parallel_loop3A_334, %parallel_loop3A_335, %parallel_loop3A_336] {strides = array<i32>} : memref<3x2x128x64xf32, #tpu.memory_space<vmem>>, vector<16xf32>,
          tpu.vector_store %arg10[%parallel_loop3A_333, %parallel_loop3A_334, %parallel_loop3A_335, %parallel_loop3A_336], %parallel_loop3A_330 {strides = array<i32>} : memref<3x2x128x64xf32, #tpu.memory_space<vmem>>, vector<16xf32>,
          %parallel_loop3A_338 = arith.constant 0 : i32
          %parallel_loop3A_339 = arith.constant 1 : i32
          %parallel_loop3A_340 = arith.index_cast %parallel_loop3A_338 : i32 to index
          %parallel_loop3A_341 = arith.index_cast %parallel_loop3A_339 : i32 to index
          %parallel_loop3A_342 = arith.index_cast %parallel_loop3A_230 : i32 to index
          %parallel_loop3A_343 = arith.constant 32 : index
          %parallel_loop3A_344 = tpu.vector_load %arg10[%parallel_loop3A_340, %parallel_loop3A_341, %parallel_loop3A_342, %parallel_loop3A_343] {strides = array<i32>} : memref<3x2x128x64xf32, #tpu.memory_space<vmem>>, vector<16xf32>,
          %parallel_loop3A_345 = arith.mulf %parallel_loop3A_344, %parallel_loop3A_307 : vector<16xf32>
          %parallel_loop3A_346 = arith.constant 0 : i32
          %parallel_loop3A_347 = arith.constant 1 : i32
          %parallel_loop3A_348 = arith.index_cast %parallel_loop3A_346 : i32 to index
          %parallel_loop3A_349 = arith.index_cast %parallel_loop3A_347 : i32 to index
          %parallel_loop3A_350 = arith.index_cast %parallel_loop3A_230 : i32 to index
          %parallel_loop3A_351 = arith.constant 32 : index
          %parallel_loop3A_352 = tpu.vector_load %arg10[%parallel_loop3A_348, %parallel_loop3A_349, %parallel_loop3A_350, %parallel_loop3A_351] {strides = array<i32>} : memref<3x2x128x64xf32, #tpu.memory_space<vmem>>, vector<16xf32>,
          tpu.vector_store %arg10[%parallel_loop3A_348, %parallel_loop3A_349, %parallel_loop3A_350, %parallel_loop3A_351], %parallel_loop3A_345 {strides = array<i32>} : memref<3x2x128x64xf32, #tpu.memory_space<vmem>>, vector<16xf32>,
          %parallel_loop3A_353 = arith.constant 0 : i32
          %parallel_loop3A_354 = arith.constant 1 : i32
          %parallel_loop3A_355 = arith.index_cast %parallel_loop3A_353 : i32 to index
          %parallel_loop3A_356 = arith.index_cast %parallel_loop3A_354 : i32 to index
          %parallel_loop3A_357 = arith.index_cast %parallel_loop3A_230 : i32 to index
          %parallel_loop3A_358 = arith.constant 48 : index
          %parallel_loop3A_359 = tpu.vector_load %arg10[%parallel_loop3A_355, %parallel_loop3A_356, %parallel_loop3A_357, %parallel_loop3A_358] {strides = array<i32>} : memref<3x2x128x64xf32, #tpu.memory_space<vmem>>, vector<16xf32>,
          %parallel_loop3A_360 = arith.mulf %parallel_loop3A_359, %parallel_loop3A_307 : vector<16xf32>
          %parallel_loop3A_361 = arith.constant 0 : i32
          %parallel_loop3A_362 = arith.constant 1 : i32
          %parallel_loop3A_363 = arith.index_cast %parallel_loop3A_361 : i32 to index
          %parallel_loop3A_364 = arith.index_cast %parallel_loop3A_362 : i32 to index
          %parallel_loop3A_365 = arith.index_cast %parallel_loop3A_230 : i32 to index
          %parallel_loop3A_366 = arith.constant 48 : index
          %parallel_loop3A_367 = tpu.vector_load %arg10[%parallel_loop3A_363, %parallel_loop3A_364, %parallel_loop3A_365, %parallel_loop3A_366] {strides = array<i32>} : memref<3x2x128x64xf32, #tpu.memory_space<vmem>>, vector<16xf32>,
          tpu.vector_store %arg10[%parallel_loop3A_363, %parallel_loop3A_364, %parallel_loop3A_365, %parallel_loop3A_366], %parallel_loop3A_360 {strides = array<i32>} : memref<3x2x128x64xf32, #tpu.memory_space<vmem>>, vector<16xf32>,
        } {sc.loop_unroll_factor = 4 : i64, sc.parallel_access}
        %mul3A_198 = arith.constant 2 : i32
        %mul3A_199 = arith.muli %add3A_132, %mul3A_198 : i32
        %add3A_200 = arith.constant 0 : i32
        %add3A_201 = arith.addi %mul3A_199, %add3A_200 : i32
        %dma_start3A_202 = arith.constant 0 : i32
        %dma_start3A_203 = arith.constant 0 : i32
        %dma_start3A_204 = arith.constant 0 : i32
        %dma_start3A_205 = arith.constant 0 : i32
        %dma_start3A_206 = tpu.memref_slice %arg10[%dma_start3A_202, %dma_start3A_203, %dma_start3A_204, %dma_start3A_205] : memref<3x2x128x64xf32, #tpu.memory_space<vmem>> -> memref<1x1x128x64xf32, #tpu.memory_space<vmem>>
        %dma_start3A_207 = tpu.memref_squeeze %dma_start3A_206 : memref<1x1x128x64xf32, #tpu.memory_space<vmem>> -> memref<128x64xf32, #tpu.memory_space<vmem>>
        %dma_start3A_208 = arith.constant 0 : i32
        %dma_start3A_209 = tpu.memref_slice %arg8[%add3A_201, %dma_start3A_208] : memref<80x128xi32, #tpu.memory_space<vmem>> -> memref<1x128xi32, #tpu.memory_space<vmem>>
        %dma_start3A_210 = tpu.memref_squeeze %dma_start3A_209 : memref<1x128xi32, #tpu.memory_space<vmem>> -> memref<128xi32, #tpu.memory_space<vmem>>
        %dma_start3A_211 = arith.constant 0 : i32
        %dma_start3A_212 = arith.constant 0 : i32
        %dma_start3A_213 = tpu.memref_slice %arg11[%dma_start3A_211, %dma_start3A_212] : memref<10240x64xf32, #tpu.memory_space<vmem_shared>> -> memref<10240x64xf32, #tpu.memory_space<vmem_shared>>
        tpu.enqueue_indirect_dma source(%dma_start3A_207 : memref<128x64xf32, #tpu.memory_space<vmem>>) target(%dma_start3A_213 : memref<10240x64xf32, #tpu.memory_space<vmem_shared>>) offsets(%dma_start3A_210 : memref<128xi32, #tpu.memory_space<vmem>>) semaphore(%arg15 : memref<!tpu.dma_semaphore, #tpu.memory_space<semaphore_mem>>) {add = true}
        %mul3A_214 = arith.constant 2 : i32
        %mul3A_215 = arith.muli %add3A_132, %mul3A_214 : i32
        %add3A_216 = arith.constant 1 : i32
        %add3A_217 = arith.addi %mul3A_215, %add3A_216 : i32
        %dma_start3A_218 = arith.constant 0 : i32
        %dma_start3A_219 = arith.constant 1 : i32
        %dma_start3A_220 = arith.constant 0 : i32
        %dma_start3A_221 = arith.constant 0 : i32
        %dma_start3A_222 = tpu.memref_slice %arg10[%dma_start3A_218, %dma_start3A_219, %dma_start3A_220, %dma_start3A_221] : memref<3x2x128x64xf32, #tpu.memory_space<vmem>> -> memref<1x1x128x64xf32, #tpu.memory_space<vmem>>
        %dma_start3A_223 = tpu.memref_squeeze %dma_start3A_222 : memref<1x1x128x64xf32, #tpu.memory_space<vmem>> -> memref<128x64xf32, #tpu.memory_space<vmem>>
        %dma_start3A_224 = arith.constant 0 : i32
        %dma_start3A_225 = tpu.memref_slice %arg8[%add3A_217, %dma_start3A_224] : memref<80x128xi32, #tpu.memory_space<vmem>> -> memref<1x128xi32, #tpu.memory_space<vmem>>
        %dma_start3A_226 = tpu.memref_squeeze %dma_start3A_225 : memref<1x128xi32, #tpu.memory_space<vmem>> -> memref<128xi32, #tpu.memory_space<vmem>>
        %dma_start3A_227 = arith.constant 0 : i32
        %dma_start3A_228 = arith.constant 0 : i32
        %dma_start3A_229 = tpu.memref_slice %arg11[%dma_start3A_227, %dma_start3A_228] : memref<10240x64xf32, #tpu.memory_space<vmem_shared>> -> memref<10240x64xf32, #tpu.memory_space<vmem_shared>>
        tpu.enqueue_indirect_dma source(%dma_start3A_223 : memref<128x64xf32, #tpu.memory_space<vmem>>) target(%dma_start3A_229 : memref<10240x64xf32, #tpu.memory_space<vmem_shared>>) offsets(%dma_start3A_226 : memref<128xi32, #tpu.memory_space<vmem>>) semaphore(%arg15 : memref<!tpu.dma_semaphore, #tpu.memory_space<semaphore_mem>>) {add = true}
      } else {
      }
      %mul3A_135 = arith.constant 3 : i32
      %mul3A_136 = arith.muli %scan3A_128, %mul3A_135 : i32
      %add3A_137 = arith.constant 1 : i32
      %add3A_138 = arith.addi %mul3A_136, %add3A_137 : i32
      %lt3A_139 = arith.constant 40 : i32
      %lt3A_140 = arith.cmpi slt, %add3A_138, %lt3A_139 : i32
      %convert_element_type3A_141 = arith.extui %lt3A_140 : i1 to i32
      %cond3A_142 = arith.constant 0 : i32
      %cond3A_143 = arith.cmpi ne, %convert_element_type3A_141, %cond3A_142 : i32
      scf.if %cond3A_143 {
        %ge3A = arith.constant 2 : i32
        %ge3A_153 = arith.cmpi sge, %add3A_138, %ge3A : i32
        %convert_element_type3A_154 = arith.extui %ge3A_153 : i1 to i32
        %cond3A_155 = arith.constant 0 : i32
        %cond3A_156 = arith.cmpi ne, %convert_element_type3A_154, %cond3A_155 : i32
        scf.if %cond3A_156 {
          %sub3A = arith.constant 2 : i32
          %sub3A_230 = arith.subi %add3A_138, %sub3A : i32
          %mul3A_231 = arith.constant 2 : i32
          %mul3A_232 = arith.muli %sub3A_230, %mul3A_231 : i32
          %add3A_233 = arith.constant 0 : i32
          %add3A_234 = arith.addi %mul3A_232, %add3A_233 : i32
          %dma_wait3A_235 = arith.constant 2 : i32
          %dma_wait3A_236 = arith.constant 0 : i32
          %dma_wait3A_237 = arith.constant 0 : i32
          %dma_wait3A_238 = arith.constant 0 : i32
          %dma_wait3A_239 = tpu.memref_slice %arg10[%dma_wait3A_235, %dma_wait3A_236, %dma_wait3A_237, %dma_wait3A_238] : memref<3x2x128x64xf32, #tpu.memory_space<vmem>> -> memref<1x1x128x64xf32, #tpu.memory_space<vmem>>
          %dma_wait3A_240 = tpu.memref_squeeze %dma_wait3A_239 : memref<1x1x128x64xf32, #tpu.memory_space<vmem>> -> memref<128x64xf32, #tpu.memory_space<vmem>>
          %dma_wait3A_241 = arith.constant 0 : i32
          %dma_wait3A_242 = tpu.memref_slice %arg8[%add3A_234, %dma_wait3A_241] : memref<80x128xi32, #tpu.memory_space<vmem>> -> memref<1x128xi32, #tpu.memory_space<vmem>>
          %dma_wait3A_243 = tpu.memref_squeeze %dma_wait3A_242 : memref<1x128xi32, #tpu.memory_space<vmem>> -> memref<128xi32, #tpu.memory_space<vmem>>
          %dma_wait3A_244 = arith.constant 0 : i32
          %dma_wait3A_245 = arith.constant 0 : i32
          %dma_wait3A_246 = tpu.memref_slice %arg11[%dma_wait3A_244, %dma_wait3A_245] : memref<10240x64xf32, #tpu.memory_space<vmem_shared>> -> memref<10240x64xf32, #tpu.memory_space<vmem_shared>>
          tpu.wait_indirect_dma semaphore(%arg17 : memref<!tpu.dma_semaphore, #tpu.memory_space<semaphore_mem>>) src(%dma_wait3A_240 : memref<128x64xf32, #tpu.memory_space<vmem>>) dst(%dma_wait3A_246 : memref<10240x64xf32, #tpu.memory_space<vmem_shared>>)
          %mul3A_247 = arith.constant 2 : i32
          %mul3A_248 = arith.muli %sub3A_230, %mul3A_247 : i32
          %add3A_249 = arith.constant 1 : i32
          %add3A_250 = arith.addi %mul3A_248, %add3A_249 : i32
          %dma_wait3A_251 = arith.constant 2 : i32
          %dma_wait3A_252 = arith.constant 1 : i32
          %dma_wait3A_253 = arith.constant 0 : i32
          %dma_wait3A_254 = arith.constant 0 : i32
          %dma_wait3A_255 = tpu.memref_slice %arg10[%dma_wait3A_251, %dma_wait3A_252, %dma_wait3A_253, %dma_wait3A_254] : memref<3x2x128x64xf32, #tpu.memory_space<vmem>> -> memref<1x1x128x64xf32, #tpu.memory_space<vmem>>
          %dma_wait3A_256 = tpu.memref_squeeze %dma_wait3A_255 : memref<1x1x128x64xf32, #tpu.memory_space<vmem>> -> memref<128x64xf32, #tpu.memory_space<vmem>>
          %dma_wait3A_257 = arith.constant 0 : i32
          %dma_wait3A_258 = tpu.memref_slice %arg8[%add3A_250, %dma_wait3A_257] : memref<80x128xi32, #tpu.memory_space<vmem>> -> memref<1x128xi32, #tpu.memory_space<vmem>>
          %dma_wait3A_259 = tpu.memref_squeeze %dma_wait3A_258 : memref<1x128xi32, #tpu.memory_space<vmem>> -> memref<128xi32, #tpu.memory_space<vmem>>
          %dma_wait3A_260 = arith.constant 0 : i32
          %dma_wait3A_261 = arith.constant 0 : i32
          %dma_wait3A_262 = tpu.memref_slice %arg11[%dma_wait3A_260, %dma_wait3A_261] : memref<10240x64xf32, #tpu.memory_space<vmem_shared>> -> memref<10240x64xf32, #tpu.memory_space<vmem_shared>>
          tpu.wait_indirect_dma semaphore(%arg17 : memref<!tpu.dma_semaphore, #tpu.memory_space<semaphore_mem>>) src(%dma_wait3A_256 : memref<128x64xf32, #tpu.memory_space<vmem>>) dst(%dma_wait3A_262 : memref<10240x64xf32, #tpu.memory_space<vmem_shared>>)
        } else {
        }
        %add3A_157 = arith.constant 1 : i32
        %add3A_158 = arith.addi %add3A_138, %add3A_157 : i32
        %lt3A_159 = arith.constant 40 : i32
        %lt3A_160 = arith.cmpi slt, %add3A_158, %lt3A_159 : i32
        %convert_element_type3A_161 = arith.extui %lt3A_160 : i1 to i32
        %cond3A_162 = arith.constant 0 : i32
        %cond3A_163 = arith.cmpi ne, %convert_element_type3A_161, %cond3A_162 : i32
        scf.if %cond3A_163 {
          %add3A_230 = arith.constant 1 : i32
          %add3A_231 = arith.addi %add3A_138, %add3A_230 : i32
          %mul3A_232 = arith.constant 2 : i32
          %mul3A_233 = arith.muli %add3A_231, %mul3A_232 : i32
          %add3A_234 = arith.constant 0 : i32
          %add3A_235 = arith.addi %mul3A_233, %add3A_234 : i32
          %dma_start3A_236 = arith.constant 2 : i32
          %dma_start3A_237 = arith.constant 0 : i32
          %dma_start3A_238 = arith.constant 0 : i32
          %dma_start3A_239 = arith.constant 0 : i32
          %dma_start3A_240 = tpu.memref_slice %arg10[%dma_start3A_236, %dma_start3A_237, %dma_start3A_238, %dma_start3A_239] : memref<3x2x128x64xf32, #tpu.memory_space<vmem>> -> memref<1x1x128x64xf32, #tpu.memory_space<vmem>>
          %dma_start3A_241 = tpu.memref_squeeze %dma_start3A_240 : memref<1x1x128x64xf32, #tpu.memory_space<vmem>> -> memref<128x64xf32, #tpu.memory_space<vmem>>
          %dma_start3A_242 = arith.constant 0 : i32
          %dma_start3A_243 = tpu.memref_slice %arg7[%add3A_235, %dma_start3A_242] : memref<80x128xi32, #tpu.memory_space<vmem>> -> memref<1x128xi32, #tpu.memory_space<vmem>>
          %dma_start3A_244 = tpu.memref_squeeze %dma_start3A_243 : memref<1x128xi32, #tpu.memory_space<vmem>> -> memref<128xi32, #tpu.memory_space<vmem>>
          %dma_start3A_245 = arith.constant 0 : i32
          %dma_start3A_246 = arith.constant 0 : i32
          %dma_start3A_247 = tpu.memref_slice %arg2[%dma_start3A_245, %dma_start3A_246] : memref<10000x64xf32, #tpu.memory_space<hbm>> -> memref<10000x64xf32, #tpu.memory_space<hbm>>
          tpu.enqueue_indirect_dma source(%dma_start3A_247 : memref<10000x64xf32, #tpu.memory_space<hbm>>) target(%dma_start3A_241 : memref<128x64xf32, #tpu.memory_space<vmem>>) offsets(%dma_start3A_244 : memref<128xi32, #tpu.memory_space<vmem>>) semaphore(%arg14 : memref<!tpu.dma_semaphore, #tpu.memory_space<semaphore_mem>>)
          %mul3A_248 = arith.constant 2 : i32
          %mul3A_249 = arith.muli %add3A_231, %mul3A_248 : i32
          %add3A_250 = arith.constant 1 : i32
          %add3A_251 = arith.addi %mul3A_249, %add3A_250 : i32
          %dma_start3A_252 = arith.constant 2 : i32
          %dma_start3A_253 = arith.constant 1 : i32
          %dma_start3A_254 = arith.constant 0 : i32
          %dma_start3A_255 = arith.constant 0 : i32
          %dma_start3A_256 = tpu.memref_slice %arg10[%dma_start3A_252, %dma_start3A_253, %dma_start3A_254, %dma_start3A_255] : memref<3x2x128x64xf32, #tpu.memory_space<vmem>> -> memref<1x1x128x64xf32, #tpu.memory_space<vmem>>
          %dma_start3A_257 = tpu.memref_squeeze %dma_start3A_256 : memref<1x1x128x64xf32, #tpu.memory_space<vmem>> -> memref<128x64xf32, #tpu.memory_space<vmem>>
          %dma_start3A_258 = arith.constant 0 : i32
          %dma_start3A_259 = tpu.memref_slice %arg7[%add3A_251, %dma_start3A_258] : memref<80x128xi32, #tpu.memory_space<vmem>> -> memref<1x128xi32, #tpu.memory_space<vmem>>
          %dma_start3A_260 = tpu.memref_squeeze %dma_start3A_259 : memref<1x128xi32, #tpu.memory_space<vmem>> -> memref<128xi32, #tpu.memory_space<vmem>>
          %dma_start3A_261 = arith.constant 0 : i32
          %dma_start3A_262 = arith.constant 0 : i32
          %dma_start3A_263 = tpu.memref_slice %arg2[%dma_start3A_261, %dma_start3A_262] : memref<10000x64xf32, #tpu.memory_space<hbm>> -> memref<10000x64xf32, #tpu.memory_space<hbm>>
          tpu.enqueue_indirect_dma source(%dma_start3A_263 : memref<10000x64xf32, #tpu.memory_space<hbm>>) target(%dma_start3A_257 : memref<128x64xf32, #tpu.memory_space<vmem>>) offsets(%dma_start3A_260 : memref<128xi32, #tpu.memory_space<vmem>>) semaphore(%arg14 : memref<!tpu.dma_semaphore, #tpu.memory_space<semaphore_mem>>)
        } else {
        }
        %mul3A_164 = arith.constant 2 : i32
        %mul3A_165 = arith.muli %add3A_138, %mul3A_164 : i32
        %add3A_166 = arith.constant 0 : i32
        %add3A_167 = arith.addi %mul3A_165, %add3A_166 : i32
        %dma_wait3A_168 = arith.constant 1 : i32
        %dma_wait3A_169 = arith.constant 0 : i32
        %dma_wait3A_170 = arith.constant 0 : i32
        %dma_wait3A_171 = arith.constant 0 : i32
        %dma_wait3A_172 = tpu.memref_slice %arg10[%dma_wait3A_168, %dma_wait3A_169, %dma_wait3A_170, %dma_wait3A_171] : memref<3x2x128x64xf32, #tpu.memory_space<vmem>> -> memref<1x1x128x64xf32, #tpu.memory_space<vmem>>
        %dma_wait3A_173 = tpu.memref_squeeze %dma_wait3A_172 : memref<1x1x128x64xf32, #tpu.memory_space<vmem>> -> memref<128x64xf32, #tpu.memory_space<vmem>>
        %dma_wait3A_174 = arith.constant 0 : i32
        %dma_wait3A_175 = tpu.memref_slice %arg7[%add3A_167, %dma_wait3A_174] : memref<80x128xi32, #tpu.memory_space<vmem>> -> memref<1x128xi32, #tpu.memory_space<vmem>>
        %dma_wait3A_176 = tpu.memref_squeeze %dma_wait3A_175 : memref<1x128xi32, #tpu.memory_space<vmem>> -> memref<128xi32, #tpu.memory_space<vmem>>
        %dma_wait3A_177 = arith.constant 0 : i32
        %dma_wait3A_178 = arith.constant 0 : i32
        %dma_wait3A_179 = tpu.memref_slice %arg2[%dma_wait3A_177, %dma_wait3A_178] : memref<10000x64xf32, #tpu.memory_space<hbm>> -> memref<10000x64xf32, #tpu.memory_space<hbm>>
        tpu.wait_indirect_dma semaphore(%arg13 : memref<!tpu.dma_semaphore, #tpu.memory_space<semaphore_mem>>) src(%dma_wait3A_179 : memref<10000x64xf32, #tpu.memory_space<hbm>>) dst(%dma_wait3A_173 : memref<128x64xf32, #tpu.memory_space<vmem>>)
        %mul3A_180 = arith.constant 2 : i32
        %mul3A_181 = arith.muli %add3A_138, %mul3A_180 : i32
        %add3A_182 = arith.constant 1 : i32
        %add3A_183 = arith.addi %mul3A_181, %add3A_182 : i32
        %dma_wait3A_184 = arith.constant 1 : i32
        %dma_wait3A_185 = arith.constant 1 : i32
        %dma_wait3A_186 = arith.constant 0 : i32
        %dma_wait3A_187 = arith.constant 0 : i32
        %dma_wait3A_188 = tpu.memref_slice %arg10[%dma_wait3A_184, %dma_wait3A_185, %dma_wait3A_186, %dma_wait3A_187] : memref<3x2x128x64xf32, #tpu.memory_space<vmem>> -> memref<1x1x128x64xf32, #tpu.memory_space<vmem>>
        %dma_wait3A_189 = tpu.memref_squeeze %dma_wait3A_188 : memref<1x1x128x64xf32, #tpu.memory_space<vmem>> -> memref<128x64xf32, #tpu.memory_space<vmem>>
        %dma_wait3A_190 = arith.constant 0 : i32
        %dma_wait3A_191 = tpu.memref_slice %arg7[%add3A_183, %dma_wait3A_190] : memref<80x128xi32, #tpu.memory_space<vmem>> -> memref<1x128xi32, #tpu.memory_space<vmem>>
        %dma_wait3A_192 = tpu.memref_squeeze %dma_wait3A_191 : memref<1x128xi32, #tpu.memory_space<vmem>> -> memref<128xi32, #tpu.memory_space<vmem>>
        %dma_wait3A_193 = arith.constant 0 : i32
        %dma_wait3A_194 = arith.constant 0 : i32
        %dma_wait3A_195 = tpu.memref_slice %arg2[%dma_wait3A_193, %dma_wait3A_194] : memref<10000x64xf32, #tpu.memory_space<hbm>> -> memref<10000x64xf32, #tpu.memory_space<hbm>>
        tpu.wait_indirect_dma semaphore(%arg13 : memref<!tpu.dma_semaphore, #tpu.memory_space<semaphore_mem>>) src(%dma_wait3A_195 : memref<10000x64xf32, #tpu.memory_space<hbm>>) dst(%dma_wait3A_189 : memref<128x64xf32, #tpu.memory_space<vmem>>)
        %parallel_loop3A = arith.constant 0 : i32
        %parallel_loop3A_196 = arith.constant 128 : i32
        %parallel_loop3A_197 = arith.constant 1 : i32
        scf.for %parallel_loop3A_230 = %parallel_loop3A to %parallel_loop3A_196 step %parallel_loop3A_197  : i32 {
          %parallel_loop3A_231 = vector.broadcast %parallel_loop3A_230 : i32 to vector<16xi32>
          %parallel_loop3A_232 = arith.constant 2 : i32
          %parallel_loop3A_233 = arith.muli %add3A_138, %parallel_loop3A_232 : i32
          %parallel_loop3A_234 = arith.constant 0 : i32
          %parallel_loop3A_235 = arith.addi %parallel_loop3A_233, %parallel_loop3A_234 : i32
          %parallel_loop3A_236 = arith.constant 0 : i32
          %parallel_loop3A_237 = tpu.memref_slice %arg9[%parallel_loop3A_235, %parallel_loop3A_236] : memref<80x128xf32, #tpu.memory_space<vmem>> -> memref<1x128xf32, #tpu.memory_space<vmem>>
          %parallel_loop3A_238 = tpu.memref_squeeze %parallel_loop3A_237 : memref<1x128xf32, #tpu.memory_space<vmem>> -> memref<128xf32, #tpu.memory_space<vmem>>
          %parallel_loop3A_239 = tpu.vector_load_idx %parallel_loop3A_238[%parallel_loop3A_231] : memref<128xf32, #tpu.memory_space<vmem>>[vector<16xi32>], vector<16xf32>,
          %parallel_loop3A_240 = arith.constant 1 : i32
          %parallel_loop3A_241 = arith.constant 0 : i32
          %parallel_loop3A_242 = arith.index_cast %parallel_loop3A_240 : i32 to index
          %parallel_loop3A_243 = arith.index_cast %parallel_loop3A_241 : i32 to index
          %parallel_loop3A_244 = arith.index_cast %parallel_loop3A_230 : i32 to index
          %parallel_loop3A_245 = arith.constant 0 : index
          %parallel_loop3A_246 = tpu.vector_load %arg10[%parallel_loop3A_242, %parallel_loop3A_243, %parallel_loop3A_244, %parallel_loop3A_245] {strides = array<i32>} : memref<3x2x128x64xf32, #tpu.memory_space<vmem>>, vector<16xf32>,
          %parallel_loop3A_247 = arith.mulf %parallel_loop3A_246, %parallel_loop3A_239 : vector<16xf32>
          %parallel_loop3A_248 = arith.constant 1 : i32
          %parallel_loop3A_249 = arith.constant 0 : i32
          %parallel_loop3A_250 = arith.index_cast %parallel_loop3A_248 : i32 to index
          %parallel_loop3A_251 = arith.index_cast %parallel_loop3A_249 : i32 to index
          %parallel_loop3A_252 = arith.index_cast %parallel_loop3A_230 : i32 to index
          %parallel_loop3A_253 = arith.constant 0 : index
          %parallel_loop3A_254 = tpu.vector_load %arg10[%parallel_loop3A_250, %parallel_loop3A_251, %parallel_loop3A_252, %parallel_loop3A_253] {strides = array<i32>} : memref<3x2x128x64xf32, #tpu.memory_space<vmem>>, vector<16xf32>,
          tpu.vector_store %arg10[%parallel_loop3A_250, %parallel_loop3A_251, %parallel_loop3A_252, %parallel_loop3A_253], %parallel_loop3A_247 {strides = array<i32>} : memref<3x2x128x64xf32, #tpu.memory_space<vmem>>, vector<16xf32>,
          %parallel_loop3A_255 = arith.constant 1 : i32
          %parallel_loop3A_256 = arith.constant 0 : i32
          %parallel_loop3A_257 = arith.index_cast %parallel_loop3A_255 : i32 to index
          %parallel_loop3A_258 = arith.index_cast %parallel_loop3A_256 : i32 to index
          %parallel_loop3A_259 = arith.index_cast %parallel_loop3A_230 : i32 to index
          %parallel_loop3A_260 = arith.constant 16 : index
          %parallel_loop3A_261 = tpu.vector_load %arg10[%parallel_loop3A_257, %parallel_loop3A_258, %parallel_loop3A_259, %parallel_loop3A_260] {strides = array<i32>} : memref<3x2x128x64xf32, #tpu.memory_space<vmem>>, vector<16xf32>,
          %parallel_loop3A_262 = arith.mulf %parallel_loop3A_261, %parallel_loop3A_239 : vector<16xf32>
          %parallel_loop3A_263 = arith.constant 1 : i32
          %parallel_loop3A_264 = arith.constant 0 : i32
          %parallel_loop3A_265 = arith.index_cast %parallel_loop3A_263 : i32 to index
          %parallel_loop3A_266 = arith.index_cast %parallel_loop3A_264 : i32 to index
          %parallel_loop3A_267 = arith.index_cast %parallel_loop3A_230 : i32 to index
          %parallel_loop3A_268 = arith.constant 16 : index
          %parallel_loop3A_269 = tpu.vector_load %arg10[%parallel_loop3A_265, %parallel_loop3A_266, %parallel_loop3A_267, %parallel_loop3A_268] {strides = array<i32>} : memref<3x2x128x64xf32, #tpu.memory_space<vmem>>, vector<16xf32>,
          tpu.vector_store %arg10[%parallel_loop3A_265, %parallel_loop3A_266, %parallel_loop3A_267, %parallel_loop3A_268], %parallel_loop3A_262 {strides = array<i32>} : memref<3x2x128x64xf32, #tpu.memory_space<vmem>>, vector<16xf32>,
          %parallel_loop3A_270 = arith.constant 1 : i32
          %parallel_loop3A_271 = arith.constant 0 : i32
          %parallel_loop3A_272 = arith.index_cast %parallel_loop3A_270 : i32 to index
          %parallel_loop3A_273 = arith.index_cast %parallel_loop3A_271 : i32 to index
          %parallel_loop3A_274 = arith.index_cast %parallel_loop3A_230 : i32 to index
          %parallel_loop3A_275 = arith.constant 32 : index
          %parallel_loop3A_276 = tpu.vector_load %arg10[%parallel_loop3A_272, %parallel_loop3A_273, %parallel_loop3A_274, %parallel_loop3A_275] {strides = array<i32>} : memref<3x2x128x64xf32, #tpu.memory_space<vmem>>, vector<16xf32>,
          %parallel_loop3A_277 = arith.mulf %parallel_loop3A_276, %parallel_loop3A_239 : vector<16xf32>
          %parallel_loop3A_278 = arith.constant 1 : i32
          %parallel_loop3A_279 = arith.constant 0 : i32
          %parallel_loop3A_280 = arith.index_cast %parallel_loop3A_278 : i32 to index
          %parallel_loop3A_281 = arith.index_cast %parallel_loop3A_279 : i32 to index
          %parallel_loop3A_282 = arith.index_cast %parallel_loop3A_230 : i32 to index
          %parallel_loop3A_283 = arith.constant 32 : index
          %parallel_loop3A_284 = tpu.vector_load %arg10[%parallel_loop3A_280, %parallel_loop3A_281, %parallel_loop3A_282, %parallel_loop3A_283] {strides = array<i32>} : memref<3x2x128x64xf32, #tpu.memory_space<vmem>>, vector<16xf32>,
          tpu.vector_store %arg10[%parallel_loop3A_280, %parallel_loop3A_281, %parallel_loop3A_282, %parallel_loop3A_283], %parallel_loop3A_277 {strides = array<i32>} : memref<3x2x128x64xf32, #tpu.memory_space<vmem>>, vector<16xf32>,
          %parallel_loop3A_285 = arith.constant 1 : i32
          %parallel_loop3A_286 = arith.constant 0 : i32
          %parallel_loop3A_287 = arith.index_cast %parallel_loop3A_285 : i32 to index
          %parallel_loop3A_288 = arith.index_cast %parallel_loop3A_286 : i32 to index
          %parallel_loop3A_289 = arith.index_cast %parallel_loop3A_230 : i32 to index
          %parallel_loop3A_290 = arith.constant 48 : index
          %parallel_loop3A_291 = tpu.vector_load %arg10[%parallel_loop3A_287, %parallel_loop3A_288, %parallel_loop3A_289, %parallel_loop3A_290] {strides = array<i32>} : memref<3x2x128x64xf32, #tpu.memory_space<vmem>>, vector<16xf32>,
          %parallel_loop3A_292 = arith.mulf %parallel_loop3A_291, %parallel_loop3A_239 : vector<16xf32>
          %parallel_loop3A_293 = arith.constant 1 : i32
          %parallel_loop3A_294 = arith.constant 0 : i32
          %parallel_loop3A_295 = arith.index_cast %parallel_loop3A_293 : i32 to index
          %parallel_loop3A_296 = arith.index_cast %parallel_loop3A_294 : i32 to index
          %parallel_loop3A_297 = arith.index_cast %parallel_loop3A_230 : i32 to index
          %parallel_loop3A_298 = arith.constant 48 : index
          %parallel_loop3A_299 = tpu.vector_load %arg10[%parallel_loop3A_295, %parallel_loop3A_296, %parallel_loop3A_297, %parallel_loop3A_298] {strides = array<i32>} : memref<3x2x128x64xf32, #tpu.memory_space<vmem>>, vector<16xf32>,
          tpu.vector_store %arg10[%parallel_loop3A_295, %parallel_loop3A_296, %parallel_loop3A_297, %parallel_loop3A_298], %parallel_loop3A_292 {strides = array<i32>} : memref<3x2x128x64xf32, #tpu.memory_space<vmem>>, vector<16xf32>,
          %parallel_loop3A_300 = arith.constant 2 : i32
          %parallel_loop3A_301 = arith.muli %add3A_138, %parallel_loop3A_300 : i32
          %parallel_loop3A_302 = arith.constant 1 : i32
          %parallel_loop3A_303 = arith.addi %parallel_loop3A_301, %parallel_loop3A_302 : i32
          %parallel_loop3A_304 = arith.constant 0 : i32
          %parallel_loop3A_305 = tpu.memref_slice %arg9[%parallel_loop3A_303, %parallel_loop3A_304] : memref<80x128xf32, #tpu.memory_space<vmem>> -> memref<1x128xf32, #tpu.memory_space<vmem>>
          %parallel_loop3A_306 = tpu.memref_squeeze %parallel_loop3A_305 : memref<1x128xf32, #tpu.memory_space<vmem>> -> memref<128xf32, #tpu.memory_space<vmem>>
          %parallel_loop3A_307 = tpu.vector_load_idx %parallel_loop3A_306[%parallel_loop3A_231] : memref<128xf32, #tpu.memory_space<vmem>>[vector<16xi32>], vector<16xf32>,
          %parallel_loop3A_308 = arith.constant 1 : i32
          %parallel_loop3A_309 = arith.constant 1 : i32
          %parallel_loop3A_310 = arith.index_cast %parallel_loop3A_308 : i32 to index
          %parallel_loop3A_311 = arith.index_cast %parallel_loop3A_309 : i32 to index
          %parallel_loop3A_312 = arith.index_cast %parallel_loop3A_230 : i32 to index
          %parallel_loop3A_313 = arith.constant 0 : index
          %parallel_loop3A_314 = tpu.vector_load %arg10[%parallel_loop3A_310, %parallel_loop3A_311, %parallel_loop3A_312, %parallel_loop3A_313] {strides = array<i32>} : memref<3x2x128x64xf32, #tpu.memory_space<vmem>>, vector<16xf32>,
          %parallel_loop3A_315 = arith.mulf %parallel_loop3A_314, %parallel_loop3A_307 : vector<16xf32>
          %parallel_loop3A_316 = arith.constant 1 : i32
          %parallel_loop3A_317 = arith.constant 1 : i32
          %parallel_loop3A_318 = arith.index_cast %parallel_loop3A_316 : i32 to index
          %parallel_loop3A_319 = arith.index_cast %parallel_loop3A_317 : i32 to index
          %parallel_loop3A_320 = arith.index_cast %parallel_loop3A_230 : i32 to index
          %parallel_loop3A_321 = arith.constant 0 : index
          %parallel_loop3A_322 = tpu.vector_load %arg10[%parallel_loop3A_318, %parallel_loop3A_319, %parallel_loop3A_320, %parallel_loop3A_321] {strides = array<i32>} : memref<3x2x128x64xf32, #tpu.memory_space<vmem>>, vector<16xf32>,
          tpu.vector_store %arg10[%parallel_loop3A_318, %parallel_loop3A_319, %parallel_loop3A_320, %parallel_loop3A_321], %parallel_loop3A_315 {strides = array<i32>} : memref<3x2x128x64xf32, #tpu.memory_space<vmem>>, vector<16xf32>,
          %parallel_loop3A_323 = arith.constant 1 : i32
          %parallel_loop3A_324 = arith.constant 1 : i32
          %parallel_loop3A_325 = arith.index_cast %parallel_loop3A_323 : i32 to index
          %parallel_loop3A_326 = arith.index_cast %parallel_loop3A_324 : i32 to index
          %parallel_loop3A_327 = arith.index_cast %parallel_loop3A_230 : i32 to index
          %parallel_loop3A_328 = arith.constant 16 : index
          %parallel_loop3A_329 = tpu.vector_load %arg10[%parallel_loop3A_325, %parallel_loop3A_326, %parallel_loop3A_327, %parallel_loop3A_328] {strides = array<i32>} : memref<3x2x128x64xf32, #tpu.memory_space<vmem>>, vector<16xf32>,
          %parallel_loop3A_330 = arith.mulf %parallel_loop3A_329, %parallel_loop3A_307 : vector<16xf32>
          %parallel_loop3A_331 = arith.constant 1 : i32
          %parallel_loop3A_332 = arith.constant 1 : i32
          %parallel_loop3A_333 = arith.index_cast %parallel_loop3A_331 : i32 to index
          %parallel_loop3A_334 = arith.index_cast %parallel_loop3A_332 : i32 to index
          %parallel_loop3A_335 = arith.index_cast %parallel_loop3A_230 : i32 to index
          %parallel_loop3A_336 = arith.constant 16 : index
          %parallel_loop3A_337 = tpu.vector_load %arg10[%parallel_loop3A_333, %parallel_loop3A_334, %parallel_loop3A_335, %parallel_loop3A_336] {strides = array<i32>} : memref<3x2x128x64xf32, #tpu.memory_space<vmem>>, vector<16xf32>,
          tpu.vector_store %arg10[%parallel_loop3A_333, %parallel_loop3A_334, %parallel_loop3A_335, %parallel_loop3A_336], %parallel_loop3A_330 {strides = array<i32>} : memref<3x2x128x64xf32, #tpu.memory_space<vmem>>, vector<16xf32>,
          %parallel_loop3A_338 = arith.constant 1 : i32
          %parallel_loop3A_339 = arith.constant 1 : i32
          %parallel_loop3A_340 = arith.index_cast %parallel_loop3A_338 : i32 to index
          %parallel_loop3A_341 = arith.index_cast %parallel_loop3A_339 : i32 to index
          %parallel_loop3A_342 = arith.index_cast %parallel_loop3A_230 : i32 to index
          %parallel_loop3A_343 = arith.constant 32 : index
          %parallel_loop3A_344 = tpu.vector_load %arg10[%parallel_loop3A_340, %parallel_loop3A_341, %parallel_loop3A_342, %parallel_loop3A_343] {strides = array<i32>} : memref<3x2x128x64xf32, #tpu.memory_space<vmem>>, vector<16xf32>,
          %parallel_loop3A_345 = arith.mulf %parallel_loop3A_344, %parallel_loop3A_307 : vector<16xf32>
          %parallel_loop3A_346 = arith.constant 1 : i32
          %parallel_loop3A_347 = arith.constant 1 : i32
          %parallel_loop3A_348 = arith.index_cast %parallel_loop3A_346 : i32 to index
          %parallel_loop3A_349 = arith.index_cast %parallel_loop3A_347 : i32 to index
          %parallel_loop3A_350 = arith.index_cast %parallel_loop3A_230 : i32 to index
          %parallel_loop3A_351 = arith.constant 32 : index
          %parallel_loop3A_352 = tpu.vector_load %arg10[%parallel_loop3A_348, %parallel_loop3A_349, %parallel_loop3A_350, %parallel_loop3A_351] {strides = array<i32>} : memref<3x2x128x64xf32, #tpu.memory_space<vmem>>, vector<16xf32>,
          tpu.vector_store %arg10[%parallel_loop3A_348, %parallel_loop3A_349, %parallel_loop3A_350, %parallel_loop3A_351], %parallel_loop3A_345 {strides = array<i32>} : memref<3x2x128x64xf32, #tpu.memory_space<vmem>>, vector<16xf32>,
          %parallel_loop3A_353 = arith.constant 1 : i32
          %parallel_loop3A_354 = arith.constant 1 : i32
          %parallel_loop3A_355 = arith.index_cast %parallel_loop3A_353 : i32 to index
          %parallel_loop3A_356 = arith.index_cast %parallel_loop3A_354 : i32 to index
          %parallel_loop3A_357 = arith.index_cast %parallel_loop3A_230 : i32 to index
          %parallel_loop3A_358 = arith.constant 48 : index
          %parallel_loop3A_359 = tpu.vector_load %arg10[%parallel_loop3A_355, %parallel_loop3A_356, %parallel_loop3A_357, %parallel_loop3A_358] {strides = array<i32>} : memref<3x2x128x64xf32, #tpu.memory_space<vmem>>, vector<16xf32>,
          %parallel_loop3A_360 = arith.mulf %parallel_loop3A_359, %parallel_loop3A_307 : vector<16xf32>
          %parallel_loop3A_361 = arith.constant 1 : i32
          %parallel_loop3A_362 = arith.constant 1 : i32
          %parallel_loop3A_363 = arith.index_cast %parallel_loop3A_361 : i32 to index
          %parallel_loop3A_364 = arith.index_cast %parallel_loop3A_362 : i32 to index
          %parallel_loop3A_365 = arith.index_cast %parallel_loop3A_230 : i32 to index
          %parallel_loop3A_366 = arith.constant 48 : index
          %parallel_loop3A_367 = tpu.vector_load %arg10[%parallel_loop3A_363, %parallel_loop3A_364, %parallel_loop3A_365, %parallel_loop3A_366] {strides = array<i32>} : memref<3x2x128x64xf32, #tpu.memory_space<vmem>>, vector<16xf32>,
          tpu.vector_store %arg10[%parallel_loop3A_363, %parallel_loop3A_364, %parallel_loop3A_365, %parallel_loop3A_366], %parallel_loop3A_360 {strides = array<i32>} : memref<3x2x128x64xf32, #tpu.memory_space<vmem>>, vector<16xf32>,
        } {sc.loop_unroll_factor = 4 : i64, sc.parallel_access}
        %mul3A_198 = arith.constant 2 : i32
        %mul3A_199 = arith.muli %add3A_138, %mul3A_198 : i32
        %add3A_200 = arith.constant 0 : i32
        %add3A_201 = arith.addi %mul3A_199, %add3A_200 : i32
        %dma_start3A_202 = arith.constant 1 : i32
        %dma_start3A_203 = arith.constant 0 : i32
        %dma_start3A_204 = arith.constant 0 : i32
        %dma_start3A_205 = arith.constant 0 : i32
        %dma_start3A_206 = tpu.memref_slice %arg10[%dma_start3A_202, %dma_start3A_203, %dma_start3A_204, %dma_start3A_205] : memref<3x2x128x64xf32, #tpu.memory_space<vmem>> -> memref<1x1x128x64xf32, #tpu.memory_space<vmem>>
        %dma_start3A_207 = tpu.memref_squeeze %dma_start3A_206 : memref<1x1x128x64xf32, #tpu.memory_space<vmem>> -> memref<128x64xf32, #tpu.memory_space<vmem>>
        %dma_start3A_208 = arith.constant 0 : i32
        %dma_start3A_209 = tpu.memref_slice %arg8[%add3A_201, %dma_start3A_208] : memref<80x128xi32, #tpu.memory_space<vmem>> -> memref<1x128xi32, #tpu.memory_space<vmem>>
        %dma_start3A_210 = tpu.memref_squeeze %dma_start3A_209 : memref<1x128xi32, #tpu.memory_space<vmem>> -> memref<128xi32, #tpu.memory_space<vmem>>
        %dma_start3A_211 = arith.constant 0 : i32
        %dma_start3A_212 = arith.constant 0 : i32
        %dma_start3A_213 = tpu.memref_slice %arg11[%dma_start3A_211, %dma_start3A_212] : memref<10240x64xf32, #tpu.memory_space<vmem_shared>> -> memref<10240x64xf32, #tpu.memory_space<vmem_shared>>
        tpu.enqueue_indirect_dma source(%dma_start3A_207 : memref<128x64xf32, #tpu.memory_space<vmem>>) target(%dma_start3A_213 : memref<10240x64xf32, #tpu.memory_space<vmem_shared>>) offsets(%dma_start3A_210 : memref<128xi32, #tpu.memory_space<vmem>>) semaphore(%arg16 : memref<!tpu.dma_semaphore, #tpu.memory_space<semaphore_mem>>) {add = true}
        %mul3A_214 = arith.constant 2 : i32
        %mul3A_215 = arith.muli %add3A_138, %mul3A_214 : i32
        %add3A_216 = arith.constant 1 : i32
        %add3A_217 = arith.addi %mul3A_215, %add3A_216 : i32
        %dma_start3A_218 = arith.constant 1 : i32
        %dma_start3A_219 = arith.constant 1 : i32
        %dma_start3A_220 = arith.constant 0 : i32
        %dma_start3A_221 = arith.constant 0 : i32
        %dma_start3A_222 = tpu.memref_slice %arg10[%dma_start3A_218, %dma_start3A_219, %dma_start3A_220, %dma_start3A_221] : memref<3x2x128x64xf32, #tpu.memory_space<vmem>> -> memref<1x1x128x64xf32, #tpu.memory_space<vmem>>
        %dma_start3A_223 = tpu.memref_squeeze %dma_start3A_222 : memref<1x1x128x64xf32, #tpu.memory_space<vmem>> -> memref<128x64xf32, #tpu.memory_space<vmem>>
        %dma_start3A_224 = arith.constant 0 : i32
        %dma_start3A_225 = tpu.memref_slice %arg8[%add3A_217, %dma_start3A_224] : memref<80x128xi32, #tpu.memory_space<vmem>> -> memref<1x128xi32, #tpu.memory_space<vmem>>
        %dma_start3A_226 = tpu.memref_squeeze %dma_start3A_225 : memref<1x128xi32, #tpu.memory_space<vmem>> -> memref<128xi32, #tpu.memory_space<vmem>>
        %dma_start3A_227 = arith.constant 0 : i32
        %dma_start3A_228 = arith.constant 0 : i32
        %dma_start3A_229 = tpu.memref_slice %arg11[%dma_start3A_227, %dma_start3A_228] : memref<10240x64xf32, #tpu.memory_space<vmem_shared>> -> memref<10240x64xf32, #tpu.memory_space<vmem_shared>>
        tpu.enqueue_indirect_dma source(%dma_start3A_223 : memref<128x64xf32, #tpu.memory_space<vmem>>) target(%dma_start3A_229 : memref<10240x64xf32, #tpu.memory_space<vmem_shared>>) offsets(%dma_start3A_226 : memref<128xi32, #tpu.memory_space<vmem>>) semaphore(%arg16 : memref<!tpu.dma_semaphore, #tpu.memory_space<semaphore_mem>>) {add = true}
      } else {
      }
      %mul3A_144 = arith.constant 3 : i32
      %mul3A_145 = arith.muli %scan3A_128, %mul3A_144 : i32
      %add3A_146 = arith.constant 2 : i32
      %add3A_147 = arith.addi %mul3A_145, %add3A_146 : i32
      %lt3A_148 = arith.constant 40 : i32
      %lt3A_149 = arith.cmpi slt, %add3A_147, %lt3A_148 : i32
      %convert_element_type3A_150 = arith.extui %lt3A_149 : i1 to i32
      %cond3A_151 = arith.constant 0 : i32
      %cond3A_152 = arith.cmpi ne, %convert_element_type3A_150, %cond3A_151 : i32
      scf.if %cond3A_152 {
        %ge3A = arith.constant 2 : i32
        %ge3A_153 = arith.cmpi sge, %add3A_147, %ge3A : i32
        %convert_element_type3A_154 = arith.extui %ge3A_153 : i1 to i32
        %cond3A_155 = arith.constant 0 : i32
        %cond3A_156 = arith.cmpi ne, %convert_element_type3A_154, %cond3A_155 : i32
        scf.if %cond3A_156 {
          %sub3A = arith.constant 2 : i32
          %sub3A_230 = arith.subi %add3A_147, %sub3A : i32
          %mul3A_231 = arith.constant 2 : i32
          %mul3A_232 = arith.muli %sub3A_230, %mul3A_231 : i32
          %add3A_233 = arith.constant 0 : i32
          %add3A_234 = arith.addi %mul3A_232, %add3A_233 : i32
          %dma_wait3A_235 = arith.constant 0 : i32
          %dma_wait3A_236 = arith.constant 0 : i32
          %dma_wait3A_237 = arith.constant 0 : i32
          %dma_wait3A_238 = arith.constant 0 : i32
          %dma_wait3A_239 = tpu.memref_slice %arg10[%dma_wait3A_235, %dma_wait3A_236, %dma_wait3A_237, %dma_wait3A_238] : memref<3x2x128x64xf32, #tpu.memory_space<vmem>> -> memref<1x1x128x64xf32, #tpu.memory_space<vmem>>
          %dma_wait3A_240 = tpu.memref_squeeze %dma_wait3A_239 : memref<1x1x128x64xf32, #tpu.memory_space<vmem>> -> memref<128x64xf32, #tpu.memory_space<vmem>>
          %dma_wait3A_241 = arith.constant 0 : i32
          %dma_wait3A_242 = tpu.memref_slice %arg8[%add3A_234, %dma_wait3A_241] : memref<80x128xi32, #tpu.memory_space<vmem>> -> memref<1x128xi32, #tpu.memory_space<vmem>>
          %dma_wait3A_243 = tpu.memref_squeeze %dma_wait3A_242 : memref<1x128xi32, #tpu.memory_space<vmem>> -> memref<128xi32, #tpu.memory_space<vmem>>
          %dma_wait3A_244 = arith.constant 0 : i32
          %dma_wait3A_245 = arith.constant 0 : i32
          %dma_wait3A_246 = tpu.memref_slice %arg11[%dma_wait3A_244, %dma_wait3A_245] : memref<10240x64xf32, #tpu.memory_space<vmem_shared>> -> memref<10240x64xf32, #tpu.memory_space<vmem_shared>>
          tpu.wait_indirect_dma semaphore(%arg15 : memref<!tpu.dma_semaphore, #tpu.memory_space<semaphore_mem>>) src(%dma_wait3A_240 : memref<128x64xf32, #tpu.memory_space<vmem>>) dst(%dma_wait3A_246 : memref<10240x64xf32, #tpu.memory_space<vmem_shared>>)
          %mul3A_247 = arith.constant 2 : i32
          %mul3A_248 = arith.muli %sub3A_230, %mul3A_247 : i32
          %add3A_249 = arith.constant 1 : i32
          %add3A_250 = arith.addi %mul3A_248, %add3A_249 : i32
          %dma_wait3A_251 = arith.constant 0 : i32
          %dma_wait3A_252 = arith.constant 1 : i32
          %dma_wait3A_253 = arith.constant 0 : i32
          %dma_wait3A_254 = arith.constant 0 : i32
          %dma_wait3A_255 = tpu.memref_slice %arg10[%dma_wait3A_251, %dma_wait3A_252, %dma_wait3A_253, %dma_wait3A_254] : memref<3x2x128x64xf32, #tpu.memory_space<vmem>> -> memref<1x1x128x64xf32, #tpu.memory_space<vmem>>
          %dma_wait3A_256 = tpu.memref_squeeze %dma_wait3A_255 : memref<1x1x128x64xf32, #tpu.memory_space<vmem>> -> memref<128x64xf32, #tpu.memory_space<vmem>>
          %dma_wait3A_257 = arith.constant 0 : i32
          %dma_wait3A_258 = tpu.memref_slice %arg8[%add3A_250, %dma_wait3A_257] : memref<80x128xi32, #tpu.memory_space<vmem>> -> memref<1x128xi32, #tpu.memory_space<vmem>>
          %dma_wait3A_259 = tpu.memref_squeeze %dma_wait3A_258 : memref<1x128xi32, #tpu.memory_space<vmem>> -> memref<128xi32, #tpu.memory_space<vmem>>
          %dma_wait3A_260 = arith.constant 0 : i32
          %dma_wait3A_261 = arith.constant 0 : i32
          %dma_wait3A_262 = tpu.memref_slice %arg11[%dma_wait3A_260, %dma_wait3A_261] : memref<10240x64xf32, #tpu.memory_space<vmem_shared>> -> memref<10240x64xf32, #tpu.memory_space<vmem_shared>>
          tpu.wait_indirect_dma semaphore(%arg15 : memref<!tpu.dma_semaphore, #tpu.memory_space<semaphore_mem>>) src(%dma_wait3A_256 : memref<128x64xf32, #tpu.memory_space<vmem>>) dst(%dma_wait3A_262 : memref<10240x64xf32, #tpu.memory_space<vmem_shared>>)
        } else {
        }
        %add3A_157 = arith.constant 1 : i32
        %add3A_158 = arith.addi %add3A_147, %add3A_157 : i32
        %lt3A_159 = arith.constant 40 : i32
        %lt3A_160 = arith.cmpi slt, %add3A_158, %lt3A_159 : i32
        %convert_element_type3A_161 = arith.extui %lt3A_160 : i1 to i32
        %cond3A_162 = arith.constant 0 : i32
        %cond3A_163 = arith.cmpi ne, %convert_element_type3A_161, %cond3A_162 : i32
        scf.if %cond3A_163 {
          %add3A_230 = arith.constant 1 : i32
          %add3A_231 = arith.addi %add3A_147, %add3A_230 : i32
          %mul3A_232 = arith.constant 2 : i32
          %mul3A_233 = arith.muli %add3A_231, %mul3A_232 : i32
          %add3A_234 = arith.constant 0 : i32
          %add3A_235 = arith.addi %mul3A_233, %add3A_234 : i32
          %dma_start3A_236 = arith.constant 0 : i32
          %dma_start3A_237 = arith.constant 0 : i32
          %dma_start3A_238 = arith.constant 0 : i32
          %dma_start3A_239 = arith.constant 0 : i32
          %dma_start3A_240 = tpu.memref_slice %arg10[%dma_start3A_236, %dma_start3A_237, %dma_start3A_238, %dma_start3A_239] : memref<3x2x128x64xf32, #tpu.memory_space<vmem>> -> memref<1x1x128x64xf32, #tpu.memory_space<vmem>>
          %dma_start3A_241 = tpu.memref_squeeze %dma_start3A_240 : memref<1x1x128x64xf32, #tpu.memory_space<vmem>> -> memref<128x64xf32, #tpu.memory_space<vmem>>
          %dma_start3A_242 = arith.constant 0 : i32
          %dma_start3A_243 = tpu.memref_slice %arg7[%add3A_235, %dma_start3A_242] : memref<80x128xi32, #tpu.memory_space<vmem>> -> memref<1x128xi32, #tpu.memory_space<vmem>>
          %dma_start3A_244 = tpu.memref_squeeze %dma_start3A_243 : memref<1x128xi32, #tpu.memory_space<vmem>> -> memref<128xi32, #tpu.memory_space<vmem>>
          %dma_start3A_245 = arith.constant 0 : i32
          %dma_start3A_246 = arith.constant 0 : i32
          %dma_start3A_247 = tpu.memref_slice %arg2[%dma_start3A_245, %dma_start3A_246] : memref<10000x64xf32, #tpu.memory_space<hbm>> -> memref<10000x64xf32, #tpu.memory_space<hbm>>
          tpu.enqueue_indirect_dma source(%dma_start3A_247 : memref<10000x64xf32, #tpu.memory_space<hbm>>) target(%dma_start3A_241 : memref<128x64xf32, #tpu.memory_space<vmem>>) offsets(%dma_start3A_244 : memref<128xi32, #tpu.memory_space<vmem>>) semaphore(%arg12 : memref<!tpu.dma_semaphore, #tpu.memory_space<semaphore_mem>>)
          %mul3A_248 = arith.constant 2 : i32
          %mul3A_249 = arith.muli %add3A_231, %mul3A_248 : i32
          %add3A_250 = arith.constant 1 : i32
          %add3A_251 = arith.addi %mul3A_249, %add3A_250 : i32
          %dma_start3A_252 = arith.constant 0 : i32
          %dma_start3A_253 = arith.constant 1 : i32
          %dma_start3A_254 = arith.constant 0 : i32
          %dma_start3A_255 = arith.constant 0 : i32
          %dma_start3A_256 = tpu.memref_slice %arg10[%dma_start3A_252, %dma_start3A_253, %dma_start3A_254, %dma_start3A_255] : memref<3x2x128x64xf32, #tpu.memory_space<vmem>> -> memref<1x1x128x64xf32, #tpu.memory_space<vmem>>
          %dma_start3A_257 = tpu.memref_squeeze %dma_start3A_256 : memref<1x1x128x64xf32, #tpu.memory_space<vmem>> -> memref<128x64xf32, #tpu.memory_space<vmem>>
          %dma_start3A_258 = arith.constant 0 : i32
          %dma_start3A_259 = tpu.memref_slice %arg7[%add3A_251, %dma_start3A_258] : memref<80x128xi32, #tpu.memory_space<vmem>> -> memref<1x128xi32, #tpu.memory_space<vmem>>
          %dma_start3A_260 = tpu.memref_squeeze %dma_start3A_259 : memref<1x128xi32, #tpu.memory_space<vmem>> -> memref<128xi32, #tpu.memory_space<vmem>>
          %dma_start3A_261 = arith.constant 0 : i32
          %dma_start3A_262 = arith.constant 0 : i32
          %dma_start3A_263 = tpu.memref_slice %arg2[%dma_start3A_261, %dma_start3A_262] : memref<10000x64xf32, #tpu.memory_space<hbm>> -> memref<10000x64xf32, #tpu.memory_space<hbm>>
          tpu.enqueue_indirect_dma source(%dma_start3A_263 : memref<10000x64xf32, #tpu.memory_space<hbm>>) target(%dma_start3A_257 : memref<128x64xf32, #tpu.memory_space<vmem>>) offsets(%dma_start3A_260 : memref<128xi32, #tpu.memory_space<vmem>>) semaphore(%arg12 : memref<!tpu.dma_semaphore, #tpu.memory_space<semaphore_mem>>)
        } else {
        }
        %mul3A_164 = arith.constant 2 : i32
        %mul3A_165 = arith.muli %add3A_147, %mul3A_164 : i32
        %add3A_166 = arith.constant 0 : i32
        %add3A_167 = arith.addi %mul3A_165, %add3A_166 : i32
        %dma_wait3A_168 = arith.constant 2 : i32
        %dma_wait3A_169 = arith.constant 0 : i32
        %dma_wait3A_170 = arith.constant 0 : i32
        %dma_wait3A_171 = arith.constant 0 : i32
        %dma_wait3A_172 = tpu.memref_slice %arg10[%dma_wait3A_168, %dma_wait3A_169, %dma_wait3A_170, %dma_wait3A_171] : memref<3x2x128x64xf32, #tpu.memory_space<vmem>> -> memref<1x1x128x64xf32, #tpu.memory_space<vmem>>
        %dma_wait3A_173 = tpu.memref_squeeze %dma_wait3A_172 : memref<1x1x128x64xf32, #tpu.memory_space<vmem>> -> memref<128x64xf32, #tpu.memory_space<vmem>>
        %dma_wait3A_174 = arith.constant 0 : i32
        %dma_wait3A_175 = tpu.memref_slice %arg7[%add3A_167, %dma_wait3A_174] : memref<80x128xi32, #tpu.memory_space<vmem>> -> memref<1x128xi32, #tpu.memory_space<vmem>>
        %dma_wait3A_176 = tpu.memref_squeeze %dma_wait3A_175 : memref<1x128xi32, #tpu.memory_space<vmem>> -> memref<128xi32, #tpu.memory_space<vmem>>
        %dma_wait3A_177 = arith.constant 0 : i32
        %dma_wait3A_178 = arith.constant 0 : i32
        %dma_wait3A_179 = tpu.memref_slice %arg2[%dma_wait3A_177, %dma_wait3A_178] : memref<10000x64xf32, #tpu.memory_space<hbm>> -> memref<10000x64xf32, #tpu.memory_space<hbm>>
        tpu.wait_indirect_dma semaphore(%arg14 : memref<!tpu.dma_semaphore, #tpu.memory_space<semaphore_mem>>) src(%dma_wait3A_179 : memref<10000x64xf32, #tpu.memory_space<hbm>>) dst(%dma_wait3A_173 : memref<128x64xf32, #tpu.memory_space<vmem>>)
        %mul3A_180 = arith.constant 2 : i32
        %mul3A_181 = arith.muli %add3A_147, %mul3A_180 : i32
        %add3A_182 = arith.constant 1 : i32
        %add3A_183 = arith.addi %mul3A_181, %add3A_182 : i32
        %dma_wait3A_184 = arith.constant 2 : i32
        %dma_wait3A_185 = arith.constant 1 : i32
        %dma_wait3A_186 = arith.constant 0 : i32
        %dma_wait3A_187 = arith.constant 0 : i32
        %dma_wait3A_188 = tpu.memref_slice %arg10[%dma_wait3A_184, %dma_wait3A_185, %dma_wait3A_186, %dma_wait3A_187] : memref<3x2x128x64xf32, #tpu.memory_space<vmem>> -> memref<1x1x128x64xf32, #tpu.memory_space<vmem>>
        %dma_wait3A_189 = tpu.memref_squeeze %dma_wait3A_188 : memref<1x1x128x64xf32, #tpu.memory_space<vmem>> -> memref<128x64xf32, #tpu.memory_space<vmem>>
        %dma_wait3A_190 = arith.constant 0 : i32
        %dma_wait3A_191 = tpu.memref_slice %arg7[%add3A_183, %dma_wait3A_190] : memref<80x128xi32, #tpu.memory_space<vmem>> -> memref<1x128xi32, #tpu.memory_space<vmem>>
        %dma_wait3A_192 = tpu.memref_squeeze %dma_wait3A_191 : memref<1x128xi32, #tpu.memory_space<vmem>> -> memref<128xi32, #tpu.memory_space<vmem>>
        %dma_wait3A_193 = arith.constant 0 : i32
        %dma_wait3A_194 = arith.constant 0 : i32
        %dma_wait3A_195 = tpu.memref_slice %arg2[%dma_wait3A_193, %dma_wait3A_194] : memref<10000x64xf32, #tpu.memory_space<hbm>> -> memref<10000x64xf32, #tpu.memory_space<hbm>>
        tpu.wait_indirect_dma semaphore(%arg14 : memref<!tpu.dma_semaphore, #tpu.memory_space<semaphore_mem>>) src(%dma_wait3A_195 : memref<10000x64xf32, #tpu.memory_space<hbm>>) dst(%dma_wait3A_189 : memref<128x64xf32, #tpu.memory_space<vmem>>)
        %parallel_loop3A = arith.constant 0 : i32
        %parallel_loop3A_196 = arith.constant 128 : i32
        %parallel_loop3A_197 = arith.constant 1 : i32
        scf.for %parallel_loop3A_230 = %parallel_loop3A to %parallel_loop3A_196 step %parallel_loop3A_197  : i32 {
          %parallel_loop3A_231 = vector.broadcast %parallel_loop3A_230 : i32 to vector<16xi32>
          %parallel_loop3A_232 = arith.constant 2 : i32
          %parallel_loop3A_233 = arith.muli %add3A_147, %parallel_loop3A_232 : i32
          %parallel_loop3A_234 = arith.constant 0 : i32
          %parallel_loop3A_235 = arith.addi %parallel_loop3A_233, %parallel_loop3A_234 : i32
          %parallel_loop3A_236 = arith.constant 0 : i32
          %parallel_loop3A_237 = tpu.memref_slice %arg9[%parallel_loop3A_235, %parallel_loop3A_236] : memref<80x128xf32, #tpu.memory_space<vmem>> -> memref<1x128xf32, #tpu.memory_space<vmem>>
          %parallel_loop3A_238 = tpu.memref_squeeze %parallel_loop3A_237 : memref<1x128xf32, #tpu.memory_space<vmem>> -> memref<128xf32, #tpu.memory_space<vmem>>
          %parallel_loop3A_239 = tpu.vector_load_idx %parallel_loop3A_238[%parallel_loop3A_231] : memref<128xf32, #tpu.memory_space<vmem>>[vector<16xi32>], vector<16xf32>,
          %parallel_loop3A_240 = arith.constant 2 : i32
          %parallel_loop3A_241 = arith.constant 0 : i32
          %parallel_loop3A_242 = arith.index_cast %parallel_loop3A_240 : i32 to index
          %parallel_loop3A_243 = arith.index_cast %parallel_loop3A_241 : i32 to index
          %parallel_loop3A_244 = arith.index_cast %parallel_loop3A_230 : i32 to index
          %parallel_loop3A_245 = arith.constant 0 : index
          %parallel_loop3A_246 = tpu.vector_load %arg10[%parallel_loop3A_242, %parallel_loop3A_243, %parallel_loop3A_244, %parallel_loop3A_245] {strides = array<i32>} : memref<3x2x128x64xf32, #tpu.memory_space<vmem>>, vector<16xf32>,
          %parallel_loop3A_247 = arith.mulf %parallel_loop3A_246, %parallel_loop3A_239 : vector<16xf32>
          %parallel_loop3A_248 = arith.constant 2 : i32
          %parallel_loop3A_249 = arith.constant 0 : i32
          %parallel_loop3A_250 = arith.index_cast %parallel_loop3A_248 : i32 to index
          %parallel_loop3A_251 = arith.index_cast %parallel_loop3A_249 : i32 to index
          %parallel_loop3A_252 = arith.index_cast %parallel_loop3A_230 : i32 to index
          %parallel_loop3A_253 = arith.constant 0 : index
          %parallel_loop3A_254 = tpu.vector_load %arg10[%parallel_loop3A_250, %parallel_loop3A_251, %parallel_loop3A_252, %parallel_loop3A_253] {strides = array<i32>} : memref<3x2x128x64xf32, #tpu.memory_space<vmem>>, vector<16xf32>,
          tpu.vector_store %arg10[%parallel_loop3A_250, %parallel_loop3A_251, %parallel_loop3A_252, %parallel_loop3A_253], %parallel_loop3A_247 {strides = array<i32>} : memref<3x2x128x64xf32, #tpu.memory_space<vmem>>, vector<16xf32>,
          %parallel_loop3A_255 = arith.constant 2 : i32
          %parallel_loop3A_256 = arith.constant 0 : i32
          %parallel_loop3A_257 = arith.index_cast %parallel_loop3A_255 : i32 to index
          %parallel_loop3A_258 = arith.index_cast %parallel_loop3A_256 : i32 to index
          %parallel_loop3A_259 = arith.index_cast %parallel_loop3A_230 : i32 to index
          %parallel_loop3A_260 = arith.constant 16 : index
          %parallel_loop3A_261 = tpu.vector_load %arg10[%parallel_loop3A_257, %parallel_loop3A_258, %parallel_loop3A_259, %parallel_loop3A_260] {strides = array<i32>} : memref<3x2x128x64xf32, #tpu.memory_space<vmem>>, vector<16xf32>,
          %parallel_loop3A_262 = arith.mulf %parallel_loop3A_261, %parallel_loop3A_239 : vector<16xf32>
          %parallel_loop3A_263 = arith.constant 2 : i32
          %parallel_loop3A_264 = arith.constant 0 : i32
          %parallel_loop3A_265 = arith.index_cast %parallel_loop3A_263 : i32 to index
          %parallel_loop3A_266 = arith.index_cast %parallel_loop3A_264 : i32 to index
          %parallel_loop3A_267 = arith.index_cast %parallel_loop3A_230 : i32 to index
          %parallel_loop3A_268 = arith.constant 16 : index
          %parallel_loop3A_269 = tpu.vector_load %arg10[%parallel_loop3A_265, %parallel_loop3A_266, %parallel_loop3A_267, %parallel_loop3A_268] {strides = array<i32>} : memref<3x2x128x64xf32, #tpu.memory_space<vmem>>, vector<16xf32>,
          tpu.vector_store %arg10[%parallel_loop3A_265, %parallel_loop3A_266, %parallel_loop3A_267, %parallel_loop3A_268], %parallel_loop3A_262 {strides = array<i32>} : memref<3x2x128x64xf32, #tpu.memory_space<vmem>>, vector<16xf32>,
          %parallel_loop3A_270 = arith.constant 2 : i32
          %parallel_loop3A_271 = arith.constant 0 : i32
          %parallel_loop3A_272 = arith.index_cast %parallel_loop3A_270 : i32 to index
          %parallel_loop3A_273 = arith.index_cast %parallel_loop3A_271 : i32 to index
          %parallel_loop3A_274 = arith.index_cast %parallel_loop3A_230 : i32 to index
          %parallel_loop3A_275 = arith.constant 32 : index
          %parallel_loop3A_276 = tpu.vector_load %arg10[%parallel_loop3A_272, %parallel_loop3A_273, %parallel_loop3A_274, %parallel_loop3A_275] {strides = array<i32>} : memref<3x2x128x64xf32, #tpu.memory_space<vmem>>, vector<16xf32>,
          %parallel_loop3A_277 = arith.mulf %parallel_loop3A_276, %parallel_loop3A_239 : vector<16xf32>
          %parallel_loop3A_278 = arith.constant 2 : i32
          %parallel_loop3A_279 = arith.constant 0 : i32
          %parallel_loop3A_280 = arith.index_cast %parallel_loop3A_278 : i32 to index
          %parallel_loop3A_281 = arith.index_cast %parallel_loop3A_279 : i32 to index
          %parallel_loop3A_282 = arith.index_cast %parallel_loop3A_230 : i32 to index
          %parallel_loop3A_283 = arith.constant 32 : index
          %parallel_loop3A_284 = tpu.vector_load %arg10[%parallel_loop3A_280, %parallel_loop3A_281, %parallel_loop3A_282, %parallel_loop3A_283] {strides = array<i32>} : memref<3x2x128x64xf32, #tpu.memory_space<vmem>>, vector<16xf32>,
          tpu.vector_store %arg10[%parallel_loop3A_280, %parallel_loop3A_281, %parallel_loop3A_282, %parallel_loop3A_283], %parallel_loop3A_277 {strides = array<i32>} : memref<3x2x128x64xf32, #tpu.memory_space<vmem>>, vector<16xf32>,
          %parallel_loop3A_285 = arith.constant 2 : i32
          %parallel_loop3A_286 = arith.constant 0 : i32
          %parallel_loop3A_287 = arith.index_cast %parallel_loop3A_285 : i32 to index
          %parallel_loop3A_288 = arith.index_cast %parallel_loop3A_286 : i32 to index
          %parallel_loop3A_289 = arith.index_cast %parallel_loop3A_230 : i32 to index
          %parallel_loop3A_290 = arith.constant 48 : index
          %parallel_loop3A_291 = tpu.vector_load %arg10[%parallel_loop3A_287, %parallel_loop3A_288, %parallel_loop3A_289, %parallel_loop3A_290] {strides = array<i32>} : memref<3x2x128x64xf32, #tpu.memory_space<vmem>>, vector<16xf32>,
          %parallel_loop3A_292 = arith.mulf %parallel_loop3A_291, %parallel_loop3A_239 : vector<16xf32>
          %parallel_loop3A_293 = arith.constant 2 : i32
          %parallel_loop3A_294 = arith.constant 0 : i32
          %parallel_loop3A_295 = arith.index_cast %parallel_loop3A_293 : i32 to index
          %parallel_loop3A_296 = arith.index_cast %parallel_loop3A_294 : i32 to index
          %parallel_loop3A_297 = arith.index_cast %parallel_loop3A_230 : i32 to index
          %parallel_loop3A_298 = arith.constant 48 : index
          %parallel_loop3A_299 = tpu.vector_load %arg10[%parallel_loop3A_295, %parallel_loop3A_296, %parallel_loop3A_297, %parallel_loop3A_298] {strides = array<i32>} : memref<3x2x128x64xf32, #tpu.memory_space<vmem>>, vector<16xf32>,
          tpu.vector_store %arg10[%parallel_loop3A_295, %parallel_loop3A_296, %parallel_loop3A_297, %parallel_loop3A_298], %parallel_loop3A_292 {strides = array<i32>} : memref<3x2x128x64xf32, #tpu.memory_space<vmem>>, vector<16xf32>,
          %parallel_loop3A_300 = arith.constant 2 : i32
          %parallel_loop3A_301 = arith.muli %add3A_147, %parallel_loop3A_300 : i32
          %parallel_loop3A_302 = arith.constant 1 : i32
          %parallel_loop3A_303 = arith.addi %parallel_loop3A_301, %parallel_loop3A_302 : i32
          %parallel_loop3A_304 = arith.constant 0 : i32
          %parallel_loop3A_305 = tpu.memref_slice %arg9[%parallel_loop3A_303, %parallel_loop3A_304] : memref<80x128xf32, #tpu.memory_space<vmem>> -> memref<1x128xf32, #tpu.memory_space<vmem>>
          %parallel_loop3A_306 = tpu.memref_squeeze %parallel_loop3A_305 : memref<1x128xf32, #tpu.memory_space<vmem>> -> memref<128xf32, #tpu.memory_space<vmem>>
          %parallel_loop3A_307 = tpu.vector_load_idx %parallel_loop3A_306[%parallel_loop3A_231] : memref<128xf32, #tpu.memory_space<vmem>>[vector<16xi32>], vector<16xf32>,
          %parallel_loop3A_308 = arith.constant 2 : i32
          %parallel_loop3A_309 = arith.constant 1 : i32
          %parallel_loop3A_310 = arith.index_cast %parallel_loop3A_308 : i32 to index
          %parallel_loop3A_311 = arith.index_cast %parallel_loop3A_309 : i32 to index
          %parallel_loop3A_312 = arith.index_cast %parallel_loop3A_230 : i32 to index
          %parallel_loop3A_313 = arith.constant 0 : index
          %parallel_loop3A_314 = tpu.vector_load %arg10[%parallel_loop3A_310, %parallel_loop3A_311, %parallel_loop3A_312, %parallel_loop3A_313] {strides = array<i32>} : memref<3x2x128x64xf32, #tpu.memory_space<vmem>>, vector<16xf32>,
          %parallel_loop3A_315 = arith.mulf %parallel_loop3A_314, %parallel_loop3A_307 : vector<16xf32>
          %parallel_loop3A_316 = arith.constant 2 : i32
          %parallel_loop3A_317 = arith.constant 1 : i32
          %parallel_loop3A_318 = arith.index_cast %parallel_loop3A_316 : i32 to index
          %parallel_loop3A_319 = arith.index_cast %parallel_loop3A_317 : i32 to index
          %parallel_loop3A_320 = arith.index_cast %parallel_loop3A_230 : i32 to index
          %parallel_loop3A_321 = arith.constant 0 : index
          %parallel_loop3A_322 = tpu.vector_load %arg10[%parallel_loop3A_318, %parallel_loop3A_319, %parallel_loop3A_320, %parallel_loop3A_321] {strides = array<i32>} : memref<3x2x128x64xf32, #tpu.memory_space<vmem>>, vector<16xf32>,
          tpu.vector_store %arg10[%parallel_loop3A_318, %parallel_loop3A_319, %parallel_loop3A_320, %parallel_loop3A_321], %parallel_loop3A_315 {strides = array<i32>} : memref<3x2x128x64xf32, #tpu.memory_space<vmem>>, vector<16xf32>,
          %parallel_loop3A_323 = arith.constant 2 : i32
          %parallel_loop3A_324 = arith.constant 1 : i32
          %parallel_loop3A_325 = arith.index_cast %parallel_loop3A_323 : i32 to index
          %parallel_loop3A_326 = arith.index_cast %parallel_loop3A_324 : i32 to index
          %parallel_loop3A_327 = arith.index_cast %parallel_loop3A_230 : i32 to index
          %parallel_loop3A_328 = arith.constant 16 : index
          %parallel_loop3A_329 = tpu.vector_load %arg10[%parallel_loop3A_325, %parallel_loop3A_326, %parallel_loop3A_327, %parallel_loop3A_328] {strides = array<i32>} : memref<3x2x128x64xf32, #tpu.memory_space<vmem>>, vector<16xf32>,
          %parallel_loop3A_330 = arith.mulf %parallel_loop3A_329, %parallel_loop3A_307 : vector<16xf32>
          %parallel_loop3A_331 = arith.constant 2 : i32
          %parallel_loop3A_332 = arith.constant 1 : i32
          %parallel_loop3A_333 = arith.index_cast %parallel_loop3A_331 : i32 to index
          %parallel_loop3A_334 = arith.index_cast %parallel_loop3A_332 : i32 to index
          %parallel_loop3A_335 = arith.index_cast %parallel_loop3A_230 : i32 to index
          %parallel_loop3A_336 = arith.constant 16 : index
          %parallel_loop3A_337 = tpu.vector_load %arg10[%parallel_loop3A_333, %parallel_loop3A_334, %parallel_loop3A_335, %parallel_loop3A_336] {strides = array<i32>} : memref<3x2x128x64xf32, #tpu.memory_space<vmem>>, vector<16xf32>,
          tpu.vector_store %arg10[%parallel_loop3A_333, %parallel_loop3A_334, %parallel_loop3A_335, %parallel_loop3A_336], %parallel_loop3A_330 {strides = array<i32>} : memref<3x2x128x64xf32, #tpu.memory_space<vmem>>, vector<16xf32>,
          %parallel_loop3A_338 = arith.constant 2 : i32
          %parallel_loop3A_339 = arith.constant 1 : i32
          %parallel_loop3A_340 = arith.index_cast %parallel_loop3A_338 : i32 to index
          %parallel_loop3A_341 = arith.index_cast %parallel_loop3A_339 : i32 to index
          %parallel_loop3A_342 = arith.index_cast %parallel_loop3A_230 : i32 to index
          %parallel_loop3A_343 = arith.constant 32 : index
          %parallel_loop3A_344 = tpu.vector_load %arg10[%parallel_loop3A_340, %parallel_loop3A_341, %parallel_loop3A_342, %parallel_loop3A_343] {strides = array<i32>} : memref<3x2x128x64xf32, #tpu.memory_space<vmem>>, vector<16xf32>,
          %parallel_loop3A_345 = arith.mulf %parallel_loop3A_344, %parallel_loop3A_307 : vector<16xf32>
          %parallel_loop3A_346 = arith.constant 2 : i32
          %parallel_loop3A_347 = arith.constant 1 : i32
          %parallel_loop3A_348 = arith.index_cast %parallel_loop3A_346 : i32 to index
          %parallel_loop3A_349 = arith.index_cast %parallel_loop3A_347 : i32 to index
          %parallel_loop3A_350 = arith.index_cast %parallel_loop3A_230 : i32 to index
          %parallel_loop3A_351 = arith.constant 32 : index
          %parallel_loop3A_352 = tpu.vector_load %arg10[%parallel_loop3A_348, %parallel_loop3A_349, %parallel_loop3A_350, %parallel_loop3A_351] {strides = array<i32>} : memref<3x2x128x64xf32, #tpu.memory_space<vmem>>, vector<16xf32>,
          tpu.vector_store %arg10[%parallel_loop3A_348, %parallel_loop3A_349, %parallel_loop3A_350, %parallel_loop3A_351], %parallel_loop3A_345 {strides = array<i32>} : memref<3x2x128x64xf32, #tpu.memory_space<vmem>>, vector<16xf32>,
          %parallel_loop3A_353 = arith.constant 2 : i32
          %parallel_loop3A_354 = arith.constant 1 : i32
          %parallel_loop3A_355 = arith.index_cast %parallel_loop3A_353 : i32 to index
          %parallel_loop3A_356 = arith.index_cast %parallel_loop3A_354 : i32 to index
          %parallel_loop3A_357 = arith.index_cast %parallel_loop3A_230 : i32 to index
          %parallel_loop3A_358 = arith.constant 48 : index
          %parallel_loop3A_359 = tpu.vector_load %arg10[%parallel_loop3A_355, %parallel_loop3A_356, %parallel_loop3A_357, %parallel_loop3A_358] {strides = array<i32>} : memref<3x2x128x64xf32, #tpu.memory_space<vmem>>, vector<16xf32>,
          %parallel_loop3A_360 = arith.mulf %parallel_loop3A_359, %parallel_loop3A_307 : vector<16xf32>
          %parallel_loop3A_361 = arith.constant 2 : i32
          %parallel_loop3A_362 = arith.constant 1 : i32
          %parallel_loop3A_363 = arith.index_cast %parallel_loop3A_361 : i32 to index
          %parallel_loop3A_364 = arith.index_cast %parallel_loop3A_362 : i32 to index
          %parallel_loop3A_365 = arith.index_cast %parallel_loop3A_230 : i32 to index
          %parallel_loop3A_366 = arith.constant 48 : index
          %parallel_loop3A_367 = tpu.vector_load %arg10[%parallel_loop3A_363, %parallel_loop3A_364, %parallel_loop3A_365, %parallel_loop3A_366] {strides = array<i32>} : memref<3x2x128x64xf32, #tpu.memory_space<vmem>>, vector<16xf32>,
          tpu.vector_store %arg10[%parallel_loop3A_363, %parallel_loop3A_364, %parallel_loop3A_365, %parallel_loop3A_366], %parallel_loop3A_360 {strides = array<i32>} : memref<3x2x128x64xf32, #tpu.memory_space<vmem>>, vector<16xf32>,
        } {sc.loop_unroll_factor = 4 : i64, sc.parallel_access}
        %mul3A_198 = arith.constant 2 : i32
        %mul3A_199 = arith.muli %add3A_147, %mul3A_198 : i32
        %add3A_200 = arith.constant 0 : i32
        %add3A_201 = arith.addi %mul3A_199, %add3A_200 : i32
        %dma_start3A_202 = arith.constant 2 : i32
        %dma_start3A_203 = arith.constant 0 : i32
        %dma_start3A_204 = arith.constant 0 : i32
        %dma_start3A_205 = arith.constant 0 : i32
        %dma_start3A_206 = tpu.memref_slice %arg10[%dma_start3A_202, %dma_start3A_203, %dma_start3A_204, %dma_start3A_205] : memref<3x2x128x64xf32, #tpu.memory_space<vmem>> -> memref<1x1x128x64xf32, #tpu.memory_space<vmem>>
        %dma_start3A_207 = tpu.memref_squeeze %dma_start3A_206 : memref<1x1x128x64xf32, #tpu.memory_space<vmem>> -> memref<128x64xf32, #tpu.memory_space<vmem>>
        %dma_start3A_208 = arith.constant 0 : i32
        %dma_start3A_209 = tpu.memref_slice %arg8[%add3A_201, %dma_start3A_208] : memref<80x128xi32, #tpu.memory_space<vmem>> -> memref<1x128xi32, #tpu.memory_space<vmem>>
        %dma_start3A_210 = tpu.memref_squeeze %dma_start3A_209 : memref<1x128xi32, #tpu.memory_space<vmem>> -> memref<128xi32, #tpu.memory_space<vmem>>
        %dma_start3A_211 = arith.constant 0 : i32
        %dma_start3A_212 = arith.constant 0 : i32
        %dma_start3A_213 = tpu.memref_slice %arg11[%dma_start3A_211, %dma_start3A_212] : memref<10240x64xf32, #tpu.memory_space<vmem_shared>> -> memref<10240x64xf32, #tpu.memory_space<vmem_shared>>
        tpu.enqueue_indirect_dma source(%dma_start3A_207 : memref<128x64xf32, #tpu.memory_space<vmem>>) target(%dma_start3A_213 : memref<10240x64xf32, #tpu.memory_space<vmem_shared>>) offsets(%dma_start3A_210 : memref<128xi32, #tpu.memory_space<vmem>>) semaphore(%arg17 : memref<!tpu.dma_semaphore, #tpu.memory_space<semaphore_mem>>) {add = true}
        %mul3A_214 = arith.constant 2 : i32
        %mul3A_215 = arith.muli %add3A_147, %mul3A_214 : i32
        %add3A_216 = arith.constant 1 : i32
        %add3A_217 = arith.addi %mul3A_215, %add3A_216 : i32
        %dma_start3A_218 = arith.constant 2 : i32
        %dma_start3A_219 = arith.constant 1 : i32
        %dma_start3A_220 = arith.constant 0 : i32
        %dma_start3A_221 = arith.constant 0 : i32
        %dma_start3A_222 = tpu.memref_slice %arg10[%dma_start3A_218, %dma_start3A_219, %dma_start3A_220, %dma_start3A_221] : memref<3x2x128x64xf32, #tpu.memory_space<vmem>> -> memref<1x1x128x64xf32, #tpu.memory_space<vmem>>
        %dma_start3A_223 = tpu.memref_squeeze %dma_start3A_222 : memref<1x1x128x64xf32, #tpu.memory_space<vmem>> -> memref<128x64xf32, #tpu.memory_space<vmem>>
        %dma_start3A_224 = arith.constant 0 : i32
        %dma_start3A_225 = tpu.memref_slice %arg8[%add3A_217, %dma_start3A_224] : memref<80x128xi32, #tpu.memory_space<vmem>> -> memref<1x128xi32, #tpu.memory_space<vmem>>
        %dma_start3A_226 = tpu.memref_squeeze %dma_start3A_225 : memref<1x128xi32, #tpu.memory_space<vmem>> -> memref<128xi32, #tpu.memory_space<vmem>>
        %dma_start3A_227 = arith.constant 0 : i32
        %dma_start3A_228 = arith.constant 0 : i32
        %dma_start3A_229 = tpu.memref_slice %arg11[%dma_start3A_227, %dma_start3A_228] : memref<10240x64xf32, #tpu.memory_space<vmem_shared>> -> memref<10240x64xf32, #tpu.memory_space<vmem_shared>>
        tpu.enqueue_indirect_dma source(%dma_start3A_223 : memref<128x64xf32, #tpu.memory_space<vmem>>) target(%dma_start3A_229 : memref<10240x64xf32, #tpu.memory_space<vmem_shared>>) offsets(%dma_start3A_226 : memref<128xi32, #tpu.memory_space<vmem>>) semaphore(%arg17 : memref<!tpu.dma_semaphore, #tpu.memory_space<semaphore_mem>>) {add = true}
      } else {
      }
    }
    %scan3A_68 = arith.constant 14 : i32
    %dma_wait3A_69 = arith.constant 2 : i32
    %dma_wait3A_70 = arith.constant 0 : i32
    %dma_wait3A_71 = arith.constant 76 : i32
    %dma_wait3A_72 = arith.constant 0 : i32
    %dma_wait3A_73 = arith.constant 0 : i32
    %dma_wait3A_74 = tpu.memref_slice %arg10[%dma_wait3A_69, %dma_wait3A_70, %dma_wait3A_72, %dma_wait3A_73] : memref<3x2x128x64xf32, #tpu.memory_space<vmem>> -> memref<1x1x128x64xf32, #tpu.memory_space<vmem>>
    %dma_wait3A_75 = tpu.memref_squeeze %dma_wait3A_74 : memref<1x1x128x64xf32, #tpu.memory_space<vmem>> -> memref<128x64xf32, #tpu.memory_space<vmem>>
    %dma_wait3A_76 = arith.constant 0 : i32
    %dma_wait3A_77 = tpu.memref_slice %arg8[%dma_wait3A_71, %dma_wait3A_76] : memref<80x128xi32, #tpu.memory_space<vmem>> -> memref<1x128xi32, #tpu.memory_space<vmem>>
    %dma_wait3A_78 = tpu.memref_squeeze %dma_wait3A_77 : memref<1x128xi32, #tpu.memory_space<vmem>> -> memref<128xi32, #tpu.memory_space<vmem>>
    %dma_wait3A_79 = arith.constant 0 : i32
    %dma_wait3A_80 = arith.constant 0 : i32
    %dma_wait3A_81 = tpu.memref_slice %arg11[%dma_wait3A_79, %dma_wait3A_80] : memref<10240x64xf32, #tpu.memory_space<vmem_shared>> -> memref<10240x64xf32, #tpu.memory_space<vmem_shared>>
    tpu.wait_indirect_dma semaphore(%arg17 : memref<!tpu.dma_semaphore, #tpu.memory_space<semaphore_mem>>) src(%dma_wait3A_75 : memref<128x64xf32, #tpu.memory_space<vmem>>) dst(%dma_wait3A_81 : memref<10240x64xf32, #tpu.memory_space<vmem_shared>>)
    %dma_wait3A_82 = arith.constant 2 : i32
    %dma_wait3A_83 = arith.constant 1 : i32
    %dma_wait3A_84 = arith.constant 77 : i32
    %dma_wait3A_85 = arith.constant 0 : i32
    %dma_wait3A_86 = arith.constant 0 : i32
    %dma_wait3A_87 = tpu.memref_slice %arg10[%dma_wait3A_82, %dma_wait3A_83, %dma_wait3A_85, %dma_wait3A_86] : memref<3x2x128x64xf32, #tpu.memory_space<vmem>> -> memref<1x1x128x64xf32, #tpu.memory_space<vmem>>
    %dma_wait3A_88 = tpu.memref_squeeze %dma_wait3A_87 : memref<1x1x128x64xf32, #tpu.memory_space<vmem>> -> memref<128x64xf32, #tpu.memory_space<vmem>>
    %dma_wait3A_89 = arith.constant 0 : i32
    %dma_wait3A_90 = tpu.memref_slice %arg8[%dma_wait3A_84, %dma_wait3A_89] : memref<80x128xi32, #tpu.memory_space<vmem>> -> memref<1x128xi32, #tpu.memory_space<vmem>>
    %dma_wait3A_91 = tpu.memref_squeeze %dma_wait3A_90 : memref<1x128xi32, #tpu.memory_space<vmem>> -> memref<128xi32, #tpu.memory_space<vmem>>
    %dma_wait3A_92 = arith.constant 0 : i32
    %dma_wait3A_93 = arith.constant 0 : i32
    %dma_wait3A_94 = tpu.memref_slice %arg11[%dma_wait3A_92, %dma_wait3A_93] : memref<10240x64xf32, #tpu.memory_space<vmem_shared>> -> memref<10240x64xf32, #tpu.memory_space<vmem_shared>>
    tpu.wait_indirect_dma semaphore(%arg17 : memref<!tpu.dma_semaphore, #tpu.memory_space<semaphore_mem>>) src(%dma_wait3A_88 : memref<128x64xf32, #tpu.memory_space<vmem>>) dst(%dma_wait3A_94 : memref<10240x64xf32, #tpu.memory_space<vmem_shared>>)
    %dma_wait3A_95 = arith.constant 0 : i32
    %dma_wait3A_96 = arith.constant 0 : i32
    %dma_wait3A_97 = arith.constant 78 : i32
    %dma_wait3A_98 = arith.constant 0 : i32
    %dma_wait3A_99 = arith.constant 0 : i32
    %dma_wait3A_100 = tpu.memref_slice %arg10[%dma_wait3A_95, %dma_wait3A_96, %dma_wait3A_98, %dma_wait3A_99] : memref<3x2x128x64xf32, #tpu.memory_space<vmem>> -> memref<1x1x128x64xf32, #tpu.memory_space<vmem>>
    %dma_wait3A_101 = tpu.memref_squeeze %dma_wait3A_100 : memref<1x1x128x64xf32, #tpu.memory_space<vmem>> -> memref<128x64xf32, #tpu.memory_space<vmem>>
    %dma_wait3A_102 = arith.constant 0 : i32
    %dma_wait3A_103 = tpu.memref_slice %arg8[%dma_wait3A_97, %dma_wait3A_102] : memref<80x128xi32, #tpu.memory_space<vmem>> -> memref<1x128xi32, #tpu.memory_space<vmem>>
    %dma_wait3A_104 = tpu.memref_squeeze %dma_wait3A_103 : memref<1x128xi32, #tpu.memory_space<vmem>> -> memref<128xi32, #tpu.memory_space<vmem>>
    %dma_wait3A_105 = arith.constant 0 : i32
    %dma_wait3A_106 = arith.constant 0 : i32
    %dma_wait3A_107 = tpu.memref_slice %arg11[%dma_wait3A_105, %dma_wait3A_106] : memref<10240x64xf32, #tpu.memory_space<vmem_shared>> -> memref<10240x64xf32, #tpu.memory_space<vmem_shared>>
    tpu.wait_indirect_dma semaphore(%arg15 : memref<!tpu.dma_semaphore, #tpu.memory_space<semaphore_mem>>) src(%dma_wait3A_101 : memref<128x64xf32, #tpu.memory_space<vmem>>) dst(%dma_wait3A_107 : memref<10240x64xf32, #tpu.memory_space<vmem_shared>>)
    %dma_wait3A_108 = arith.constant 0 : i32
    %dma_wait3A_109 = arith.constant 1 : i32
    %dma_wait3A_110 = arith.constant 79 : i32
    %dma_wait3A_111 = arith.constant 0 : i32
    %dma_wait3A_112 = arith.constant 0 : i32
    %dma_wait3A_113 = tpu.memref_slice %arg10[%dma_wait3A_108, %dma_wait3A_109, %dma_wait3A_111, %dma_wait3A_112] : memref<3x2x128x64xf32, #tpu.memory_space<vmem>> -> memref<1x1x128x64xf32, #tpu.memory_space<vmem>>
    %dma_wait3A_114 = tpu.memref_squeeze %dma_wait3A_113 : memref<1x1x128x64xf32, #tpu.memory_space<vmem>> -> memref<128x64xf32, #tpu.memory_space<vmem>>
    %dma_wait3A_115 = arith.constant 0 : i32
    %dma_wait3A_116 = tpu.memref_slice %arg8[%dma_wait3A_110, %dma_wait3A_115] : memref<80x128xi32, #tpu.memory_space<vmem>> -> memref<1x128xi32, #tpu.memory_space<vmem>>
    %dma_wait3A_117 = tpu.memref_squeeze %dma_wait3A_116 : memref<1x128xi32, #tpu.memory_space<vmem>> -> memref<128xi32, #tpu.memory_space<vmem>>
    %dma_wait3A_118 = arith.constant 0 : i32
    %dma_wait3A_119 = arith.constant 0 : i32
    %dma_wait3A_120 = tpu.memref_slice %arg11[%dma_wait3A_118, %dma_wait3A_119] : memref<10240x64xf32, #tpu.memory_space<vmem_shared>> -> memref<10240x64xf32, #tpu.memory_space<vmem_shared>>
    tpu.wait_indirect_dma semaphore(%arg15 : memref<!tpu.dma_semaphore, #tpu.memory_space<semaphore_mem>>) src(%dma_wait3A_114 : memref<128x64xf32, #tpu.memory_space<vmem>>) dst(%dma_wait3A_120 : memref<10240x64xf32, #tpu.memory_space<vmem_shared>>)
    %barrier3A_121 = arith.constant 0 : index
    tpu.barrier barrier_id(%barrier3A_121)
    %scan3A_122 = arith.constant 0 : i32
    %scan3A_123 = arith.constant 0 : i32
    %scan3A_124 = arith.constant 5 : i32
    %scan3A_125 = arith.addi %scan3A_123, %scan3A_124 : i32
    %scan3A_126 = arith.constant 1 : i32
    scf.for %scan3A_128 = %scan3A_123 to %scan3A_125 step %scan3A_126  : i32 {
      %mul3A_129 = arith.constant 640 : i32
      %mul3A_130 = arith.muli %arg1, %mul3A_129 : i32
      %mul3A_131 = arith.constant 128 : i32
      %mul3A_132 = arith.muli %scan3A_128, %mul3A_131 : i32
      %add3A_133 = arith.addi %mul3A_130, %mul3A_132 : i32
      "tpu.region"() ({
        %run_scoped3A = tpu.sem_alloc : memref<!tpu.dma_semaphore, #tpu.memory_space<semaphore_mem>>
        %dma_start3A_134 = arith.constant 0 : i32
        %dma_start3A_135 = tpu.memref_slice %arg6[%arg0, %add3A_133, %dma_start3A_134] : memref<2x10240x64xf32, #tpu.memory_space<hbm>> -> memref<1x128x64xf32, #tpu.memory_space<hbm>>
        %dma_start3A_136 = tpu.memref_squeeze %dma_start3A_135 : memref<1x128x64xf32, #tpu.memory_space<hbm>> -> memref<128x64xf32, #tpu.memory_space<hbm>>
        %dma_start3A_137 = arith.constant 0 : i32
        %dma_start3A_138 = tpu.memref_slice %arg11[%add3A_133, %dma_start3A_137] : memref<10240x64xf32, #tpu.memory_space<vmem_shared>> -> memref<128x64xf32, #tpu.memory_space<vmem_shared>>
        tpu.enqueue_dma source(%dma_start3A_138 : memref<128x64xf32, #tpu.memory_space<vmem_shared>>) target(%dma_start3A_136 : memref<128x64xf32, #tpu.memory_space<hbm>>) target_semaphore(%run_scoped3A : memref<!tpu.dma_semaphore, #tpu.memory_space<semaphore_mem>>)
        %dma_wait3A_139 = arith.constant 0 : i32
        %dma_wait3A_140 = tpu.memref_slice %arg6[%arg0, %add3A_133, %dma_wait3A_139] : memref<2x10240x64xf32, #tpu.memory_space<hbm>> -> memref<1x128x64xf32, #tpu.memory_space<hbm>>
        %dma_wait3A_141 = tpu.memref_squeeze %dma_wait3A_140 : memref<1x128x64xf32, #tpu.memory_space<hbm>> -> memref<128x64xf32, #tpu.memory_space<hbm>>
        %dma_wait3A_142 = arith.constant 0 : i32
        %dma_wait3A_143 = tpu.memref_slice %arg11[%add3A_133, %dma_wait3A_142] : memref<10240x64xf32, #tpu.memory_space<vmem_shared>> -> memref<128x64xf32, #tpu.memory_space<vmem_shared>>
        tpu.wait_dma2 semaphore(%run_scoped3A : memref<!tpu.dma_semaphore, #tpu.memory_space<semaphore_mem>>) src(%dma_wait3A_143 : memref<128x64xf32, #tpu.memory_space<vmem_shared>>) dst(%dma_wait3A_141 : memref<128x64xf32, #tpu.memory_space<hbm>>)
        tpu.yield
      }) : () -> ()
    }
    %scan3A_127 = arith.constant 5 : i32
    return
  }
}

module attributes {stable_mosaic.version = 14 : i64} {
  func.func @_xw_body(%arg0: memref<10000x128xf32, #tpu.memory_space<vmem>>, %arg1: memref<128x64xf32, #tpu.memory_space<vmem>>, %arg2: memref<10000x64xf32, #tpu.memory_space<vmem>>) attributes {dimension_semantics = [], scalar_prefetch = 0 : i64, scratch_operands = 0 : i64, tpu.core_type = #tpu.core_type<tc>} {
    %get3A = arith.constant 0 : index
    %get3A_0 = arith.constant 0 : index
    %get3A_1 = vector.load %arg0[%get3A, %get3A_0] : memref<10000x128xf32, #tpu.memory_space<vmem>>, vector<10000x128xf32>
    %get3A_2 = arith.constant 0 : index
    %get3A_3 = arith.constant 0 : index
    %get3A_4 = vector.load %arg1[%get3A_2, %get3A_3] : memref<128x64xf32, #tpu.memory_space<vmem>>, vector<128x64xf32>
    %dot_general3A = arith.constant dense<0.000000e+00> : vector<10000x64xf32>
    %dot_general3A_5 = tpu.matmul %get3A_1, %get3A_4, %dot_general3A {dimension_numbers = #tpu.dot_dimension_numbers<[1], [0], [0], [1], [0, 0, 1, 1], [], []>, transpose_lhs_hint = false} : vector<10000x128xf32>, vector<128x64xf32>, vector<10000x64xf32> -> vector<10000x64xf32>
    %swap3A = arith.constant 0 : index
    %swap3A_6 = arith.constant 0 : index
    %swap3A_7 = vector.load %arg2[%swap3A, %swap3A_6] : memref<10000x64xf32, #tpu.memory_space<vmem>>, vector<10000x64xf32>
    tpu.vector_store %arg2[%swap3A, %swap3A_6], %dot_general3A_5 {strides = array<i32>} : memref<10000x64xf32, #tpu.memory_space<vmem>>, vector<10000x64xf32>,
    return
  }
}

module attributes {stable_mosaic.version = 14 : i64} {
  func.func @_prep_body(%arg0: memref<10240x32xf32, #tpu.memory_space<vmem>>, %arg1: memref<10000x64xf32, #tpu.memory_space<vmem>>, %arg2: memref<10000x64xf32, #tpu.memory_space<vmem>>, %arg3: memref<10000x1xf32, #tpu.memory_space<vmem>>) attributes {dimension_semantics = [], scalar_prefetch = 0 : i64, scratch_operands = 0 : i64, tpu.core_type = #tpu.core_type<tc>} {
    %get3A = arith.constant 0 : index
    %get3A_0 = arith.constant 0 : index
    %get3A_1 = vector.load %arg0[%get3A, %get3A_0] : memref<10240x32xf32, #tpu.memory_space<vmem>>, vector<10240x32xf32>
    %reduce_sum3A = arith.constant dense<0.000000e+00> : vector<10240xf32>
    %reduce_sum3A_2 = vector.multi_reduction <add>, %get3A_1, %reduce_sum3A [1] : vector<10240x32xf32> to vector<10240xf32>
    %broadcast_in_dim3A = vector.shape_cast %reduce_sum3A_2 : vector<10240xf32> to vector<10240x1xf32>
    %add3A = arith.constant 1.000000e+00 : f32
    %add3A_3 = vector.broadcast %add3A : f32 to vector<10240x1xf32>
    %add3A_4 = arith.addf %add3A_3, %broadcast_in_dim3A : vector<10240x1xf32>
    %gt3A = arith.constant 0.000000e+00 : f32
    %gt3A_5 = vector.broadcast %gt3A : f32 to vector<10240x1xf32>
    %gt3A_6 = arith.cmpf ogt, %add3A_4, %gt3A_5 : vector<10240x1xf32>
    %rsqrt3A = math.rsqrt %add3A_4 : vector<10240x1xf32>
    %jit3A = arith.constant 0.000000e+00 : f32
    %broadcast_in_dim3A_7 = vector.broadcast %jit3A : f32 to vector<10240x1xf32>
    %select_n3A = arith.select %gt3A_6, %rsqrt3A, %broadcast_in_dim3A_7 : vector<10240x1xi1>, vector<10240x1xf32>
    %slice3A = vector.extract_strided_slice %select_n3A {offsets = [0, 0], sizes = [10000, 1], strides = [1, 1]} : vector<10240x1xf32> to vector<10000x1xf32>
    %get3A_8 = arith.constant 0 : index
    %get3A_9 = arith.constant 0 : index
    %get3A_10 = vector.load %arg1[%get3A_8, %get3A_9] : memref<10000x64xf32, #tpu.memory_space<vmem>>, vector<10000x64xf32>
    %mul3A = vector.broadcast %slice3A : vector<10000x1xf32> to vector<10000x64xf32>
    %mul3A_11 = arith.mulf %get3A_10, %mul3A : vector<10000x64xf32>
    %swap3A = arith.constant 0 : index
    %swap3A_12 = arith.constant 0 : index
    %swap3A_13 = vector.load %arg2[%swap3A, %swap3A_12] : memref<10000x64xf32, #tpu.memory_space<vmem>>, vector<10000x64xf32>
    tpu.vector_store %arg2[%swap3A, %swap3A_12], %mul3A_11 {strides = array<i32>} : memref<10000x64xf32, #tpu.memory_space<vmem>>, vector<10000x64xf32>,
    %swap3A_14 = arith.constant 0 : index
    %swap3A_15 = arith.constant 0 : index
    %swap3A_16 = vector.load %arg3[%swap3A_14, %swap3A_15] : memref<10000x1xf32, #tpu.memory_space<vmem>>, vector<10000x1xf32>
    tpu.vector_store %arg3[%swap3A_14, %swap3A_15], %slice3A {strides = array<i32>} : memref<10000x1xf32, #tpu.memory_space<vmem>>, vector<10000x1xf32>,
    return
  }
}

module attributes {stable_mosaic.version = 14 : i64} {
  func.func @_mid_body(%arg0: memref<2x10240x64xf32, #tpu.memory_space<vmem>>, %arg1: memref<10000x64xf32, #tpu.memory_space<vmem>>, %arg2: memref<10000x1xf32, #tpu.memory_space<vmem>>, %arg3: memref<1x64xf32, #tpu.memory_space<vmem>>, %arg4: memref<64x1xf32, #tpu.memory_space<vmem>>, %arg5: memref<10000x1xf32, #tpu.memory_space<vmem>>) attributes {dimension_semantics = [], scalar_prefetch = 0 : i64, scratch_operands = 0 : i64, tpu.core_type = #tpu.core_type<tc>} {
    %get3A = arith.constant 0 : index
    %get3A_0 = arith.constant 0 : index
    %get3A_1 = arith.constant 0 : index
    %get3A_2 = vector.load %arg0[%get3A, %get3A_0, %get3A_1] : memref<2x10240x64xf32, #tpu.memory_space<vmem>>, vector<1x10000x64xf32>
    %get3A_3 = vector.shape_cast %get3A_2 : vector<1x10000x64xf32> to vector<10000x64xf32>
    %get3A_4 = arith.constant 1 : index
    %get3A_5 = arith.constant 0 : index
    %get3A_6 = arith.constant 0 : index
    %get3A_7 = vector.load %arg0[%get3A_4, %get3A_5, %get3A_6] : memref<2x10240x64xf32, #tpu.memory_space<vmem>>, vector<1x10000x64xf32>
    %get3A_8 = vector.shape_cast %get3A_7 : vector<1x10000x64xf32> to vector<10000x64xf32>
    %add3A = arith.addf %get3A_3, %get3A_8 : vector<10000x64xf32>
    %get3A_9 = arith.constant 0 : index
    %get3A_10 = arith.constant 0 : index
    %get3A_11 = vector.load %arg2[%get3A_9, %get3A_10] : memref<10000x1xf32, #tpu.memory_space<vmem>>, vector<10000x1xf32>
    %get3A_12 = arith.constant 0 : index
    %get3A_13 = arith.constant 0 : index
    %get3A_14 = vector.load %arg1[%get3A_12, %get3A_13] : memref<10000x64xf32, #tpu.memory_space<vmem>>, vector<10000x64xf32>
    %add3A_15 = arith.addf %add3A, %get3A_14 : vector<10000x64xf32>
    %mul3A = vector.broadcast %get3A_11 : vector<10000x1xf32> to vector<10000x64xf32>
    %mul3A_16 = arith.mulf %mul3A, %add3A_15 : vector<10000x64xf32>
    %get3A_17 = arith.constant 0 : index
    %get3A_18 = arith.constant 0 : index
    %get3A_19 = vector.load %arg3[%get3A_17, %get3A_18] : memref<1x64xf32, #tpu.memory_space<vmem>>, vector<1x64xf32>
    %add3A_20 = vector.broadcast %get3A_19 : vector<1x64xf32> to vector<10000x64xf32>
    %add3A_21 = arith.addf %mul3A_16, %add3A_20 : vector<10000x64xf32>
    %ge3A = arith.constant 0.000000e+00 : f32
    %ge3A_22 = vector.broadcast %ge3A : f32 to vector<10000x64xf32>
    %ge3A_23 = arith.cmpf oge, %add3A_21, %ge3A_22 : vector<10000x64xf32>
    %mul3A_24 = arith.constant 0.00999999977 : f32
    %mul3A_25 = vector.broadcast %mul3A_24 : f32 to vector<10000x64xf32>
    %mul3A_26 = arith.mulf %mul3A_25, %add3A_21 : vector<10000x64xf32>
    %select_n3A = arith.select %ge3A_23, %add3A_21, %mul3A_26 : vector<10000x64xi1>, vector<10000x64xf32>
    %get3A_27 = arith.constant 0 : index
    %get3A_28 = arith.constant 0 : index
    %get3A_29 = vector.load %arg4[%get3A_27, %get3A_28] : memref<64x1xf32, #tpu.memory_space<vmem>>, vector<64x1xf32>
    %dot_general3A = arith.constant dense<0.000000e+00> : vector<10000x1xf32>
    %dot_general3A_30 = tpu.matmul %select_n3A, %get3A_29, %dot_general3A {dimension_numbers = #tpu.dot_dimension_numbers<[1], [0], [0], [1], [0, 0, 1, 1], [], []>, transpose_lhs_hint = false} : vector<10000x64xf32>, vector<64x1xf32>, vector<10000x1xf32> -> vector<10000x1xf32>
    %mul3A_31 = arith.mulf %get3A_11, %dot_general3A_30 : vector<10000x1xf32>
    %swap3A = arith.constant 0 : index
    %swap3A_32 = arith.constant 0 : index
    %swap3A_33 = vector.load %arg5[%swap3A, %swap3A_32] : memref<10000x1xf32, #tpu.memory_space<vmem>>, vector<10000x1xf32>
    tpu.vector_store %arg5[%swap3A, %swap3A_32], %mul3A_31 {strides = array<i32>} : memref<10000x1xf32, #tpu.memory_space<vmem>>, vector<10000x1xf32>,
    return
  }
}

module attributes {stable_mosaic.version = 14 : i64} {
  func.func @_fin_body(%arg0: memref<10000x32xf32, #tpu.memory_space<vmem>>, %arg1: memref<10000x1xf32, #tpu.memory_space<vmem>>, %arg2: memref<10000x1xf32, #tpu.memory_space<vmem>>, %arg3: memref<1x1xf32, #tpu.memory_space<vmem>>, %arg4: memref<128x10000xf32, #tpu.memory_space<vmem>>, %arg5: memref<128x1xf32, #tpu.memory_space<vmem>>, %arg6: memref<10x128xf32, #tpu.memory_space<vmem>>, %arg7: memref<10x1xf32, #tpu.memory_space<vmem>>, %arg8: memref<10x1xf32, #tpu.memory_space<vmem>>) attributes {dimension_semantics = [], scalar_prefetch = 0 : i64, scratch_operands = 0 : i64, tpu.core_type = #tpu.core_type<tc>} {
    %get3A = arith.constant 0 : index
    %get3A_0 = arith.constant 0 : index
    %get3A_1 = vector.load %arg0[%get3A, %get3A_0] : memref<10000x32xf32, #tpu.memory_space<vmem>>, vector<10000x32xf32>
    %reduce_sum3A = arith.constant dense<0.000000e+00> : vector<10000xf32>
    %reduce_sum3A_2 = vector.multi_reduction <add>, %get3A_1, %reduce_sum3A [1] : vector<10000x32xf32> to vector<10000xf32>
    %broadcast_in_dim3A = vector.shape_cast %reduce_sum3A_2 : vector<10000xf32> to vector<10000x1xf32>
    %get3A_3 = arith.constant 0 : index
    %get3A_4 = arith.constant 0 : index
    %get3A_5 = vector.load %arg2[%get3A_3, %get3A_4] : memref<10000x1xf32, #tpu.memory_space<vmem>>, vector<10000x1xf32>
    %get3A_6 = arith.constant 0 : index
    %get3A_7 = arith.constant 0 : index
    %get3A_8 = vector.load %arg1[%get3A_6, %get3A_7] : memref<10000x1xf32, #tpu.memory_space<vmem>>, vector<10000x1xf32>
    %add3A = arith.addf %broadcast_in_dim3A, %get3A_8 : vector<10000x1xf32>
    %mul3A = arith.mulf %get3A_5, %add3A : vector<10000x1xf32>
    %get3A_9 = arith.constant 0 : index
    %get3A_10 = arith.constant 0 : index
    %get3A_11 = vector.load %arg3[%get3A_9, %get3A_10] : memref<1x1xf32, #tpu.memory_space<vmem>>, vector<1x1xf32>
    %add3A_12 = vector.broadcast %get3A_11 : vector<1x1xf32> to vector<10000x1xf32>
    %add3A_13 = arith.addf %mul3A, %add3A_12 : vector<10000x1xf32>
    %ge3A = arith.constant 0.000000e+00 : f32
    %ge3A_14 = vector.broadcast %ge3A : f32 to vector<10000x1xf32>
    %ge3A_15 = arith.cmpf oge, %add3A_13, %ge3A_14 : vector<10000x1xf32>
    %mul3A_16 = arith.constant 0.00999999977 : f32
    %mul3A_17 = vector.broadcast %mul3A_16 : f32 to vector<10000x1xf32>
    %mul3A_18 = arith.mulf %mul3A_17, %add3A_13 : vector<10000x1xf32>
    %select_n3A = arith.select %ge3A_15, %add3A_13, %mul3A_18 : vector<10000x1xi1>, vector<10000x1xf32>
    %get3A_19 = arith.constant 0 : index
    %get3A_20 = arith.constant 0 : index
    %get3A_21 = vector.load %arg4[%get3A_19, %get3A_20] : memref<128x10000xf32, #tpu.memory_space<vmem>>, vector<128x10000xf32>
    %dot_general3A = arith.constant dense<0.000000e+00> : vector<128x1xf32>
    %dot_general3A_22 = tpu.matmul %get3A_21, %select_n3A, %dot_general3A {dimension_numbers = #tpu.dot_dimension_numbers<[1], [0], [0], [1], [0, 0, 1, 1], [], []>, transpose_lhs_hint = false} : vector<128x10000xf32>, vector<10000x1xf32>, vector<128x1xf32> -> vector<128x1xf32>
    %get3A_23 = arith.constant 0 : index
    %get3A_24 = arith.constant 0 : index
    %get3A_25 = vector.load %arg5[%get3A_23, %get3A_24] : memref<128x1xf32, #tpu.memory_space<vmem>>, vector<128x1xf32>
    %add3A_26 = arith.addf %dot_general3A_22, %get3A_25 : vector<128x1xf32>
    %ge3A_27 = arith.constant 0.000000e+00 : f32
    %ge3A_28 = vector.broadcast %ge3A_27 : f32 to vector<128x1xf32>
    %ge3A_29 = arith.cmpf oge, %add3A_26, %ge3A_28 : vector<128x1xf32>
    %mul3A_30 = arith.constant 0.00999999977 : f32
    %mul3A_31 = vector.broadcast %mul3A_30 : f32 to vector<128x1xf32>
    %mul3A_32 = arith.mulf %mul3A_31, %add3A_26 : vector<128x1xf32>
    %select_n3A_33 = arith.select %ge3A_29, %add3A_26, %mul3A_32 : vector<128x1xi1>, vector<128x1xf32>
    %get3A_34 = arith.constant 0 : index
    %get3A_35 = arith.constant 0 : index
    %get3A_36 = vector.load %arg6[%get3A_34, %get3A_35] : memref<10x128xf32, #tpu.memory_space<vmem>>, vector<10x128xf32>
    %dot_general3A_37 = arith.constant dense<0.000000e+00> : vector<10x1xf32>
    %dot_general3A_38 = tpu.matmul %get3A_36, %select_n3A_33, %dot_general3A_37 {dimension_numbers = #tpu.dot_dimension_numbers<[1], [0], [0], [1], [0, 0, 1, 1], [], []>, transpose_lhs_hint = false} : vector<10x128xf32>, vector<128x1xf32>, vector<10x1xf32> -> vector<10x1xf32>
    %get3A_39 = arith.constant 0 : index
    %get3A_40 = arith.constant 0 : index
    %get3A_41 = vector.load %arg7[%get3A_39, %get3A_40] : memref<10x1xf32, #tpu.memory_space<vmem>>, vector<10x1xf32>
    %add3A_42 = arith.addf %dot_general3A_38, %get3A_41 : vector<10x1xf32>
    %reduce_max3A = arith.constant dense<0xFF800000> : vector<1xf32>
    %reduce_max3A_43 = vector.multi_reduction <maximumf>, %add3A_42, %reduce_max3A [0] : vector<10x1xf32> to vector<1xf32>
    %broadcast_in_dim3A_44 = vector.shape_cast %reduce_max3A_43 : vector<1xf32> to vector<1x1xf32>
    %sub3A = vector.broadcast %broadcast_in_dim3A_44 : vector<1x1xf32> to vector<10x1xf32>
    %sub3A_45 = arith.subf %add3A_42, %sub3A : vector<10x1xf32>
    %exp3A = math.exp %sub3A_45 : vector<10x1xf32>
    %reduce_sum3A_46 = arith.constant dense<0.000000e+00> : vector<1xf32>
    %reduce_sum3A_47 = vector.multi_reduction <add>, %exp3A, %reduce_sum3A_46 [0] : vector<10x1xf32> to vector<1xf32>
    %broadcast_in_dim3A_48 = vector.shape_cast %reduce_sum3A_47 : vector<1xf32> to vector<1x1xf32>
    %div3A = vector.broadcast %broadcast_in_dim3A_48 : vector<1x1xf32> to vector<10x1xf32>
    %div3A_49 = arith.divf %exp3A, %div3A : vector<10x1xf32>
    %swap3A = arith.constant 0 : index
    %swap3A_50 = arith.constant 0 : index
    %swap3A_51 = vector.load %arg8[%swap3A, %swap3A_50] : memref<10x1xf32, #tpu.memory_space<vmem>>, vector<10x1xf32>
    tpu.vector_store %arg8[%swap3A, %swap3A_50], %div3A_49 {strides = array<i32>} : memref<10x1xf32, #tpu.memory_space<vmem>>, vector<10x1xf32>,
    return
  }
}

</mosaic_0001>

<sc_bundles>
// kernel: kernel.12.cloned.1.call-start
scs
__scs_entry_jumppad:
0x0: {  	(pc) =	sbr.rel $0x88, $3  }
0x1: {  	(tag) =	ssettag $0x0;
	lr =	simm.s32 $0x1  }
0x2: {  	[smem:$0x3F96] =	sst lr;
	_ =	strace $0xD0000000  }
0x3: {  	_ = 	snop  }
0x4: {  	_ = 	snop  }
0x5: {  	_ = 	snop  }
0x6: {  	_ = 	snop  }
0x7: {  	_ = 	snop  }
__scs_overlays_trampoline_lowered:
0x8: {  	[smem:$0x3FA5] =	sst s0  }
0x9: {  	[smem:$0x3FA6] =	sst s1  }
0xa: {  	[smem:$0x3FA7] =	sst s2  }
0xb: {  	[smem:$0x3FA8] =	sst s3  }
0xc: {  	[smem:$0x3FA9] =	sst s4  }
0xd: {  	[smem:$0x3FAA] =	sst s5  }
0xe: {  	[smem:$0x3FAB] =	sst s6  }
0xf: {  	[smem:$0x3FAC] =	sst s7  }
0x10: {  	[smem:$0x3FAD] =	sst s8  }
0x11: {  	[smem:$0x3FAE] =	sst s9;
	s0 =	simm.s32 @!p0 $0x0  }
0x12: {  	s1 =	sld [smem:$0x3F94];
	s0 =	simm.s32 @p0 $0x1  }
0x13: {  	[smem:$0x3FAF] =	sst s0;
	s0 =	simm.s32 @!p1 $0x0  }
0x14: {  	s2 =	sld [smem:$0x3F93];
	s0 =	simm.s32 @p1 $0x1  }
0x15: {  	[smem:$0x3FB0] =	sst s0;
	s0 =	simm.s32 @!p2 $0x0  }
0x16: {  	s3 =	sld [smem:$0x3FDB];
	s0 =	simm.s32 @p2 $0x1  }
0x17: {  	s4 =	simm.s32 $0x1BF5;
	[smem:$0x3FB2] =	sst s0  }
0x18: {  	s0 =	sld [smem:$0x3F95];
	_ =	swait.ge [sflag:s4], $0x0  }
0x19: {  	s7 =	sld [smem:$0x3F96]  }
0x1a: {  	s8 =	sadd.s32 $0xFFFFE003, lr  }
0x1b: {  	s9 =	sadd.s32 $0xFFFFFEF7, lr;
	s5 =	simm.s32 $0xFFFFFFFF;
	p2 =	slt.u32 s8, $0xFFFFF086  }
0x1c: {  	p1 =	slt.u32 s9, $0xF7A;
	s5 =	simm.s32 @!p2 $0x0  }
0x1d: {  	s5 =	simm.s32 @p1 $0x1;
	p0 =	seq.s32 s7, s2  }
0x1e: {  	s7 =	smul.u32 @!p0 $0xF7A, s2;
	p2 =	seq.s32 @!p0 s5, $0x0  }
0x1f: {  	s9 =	smul.u32 $0xF7A, s1;
	s8 =	simm.s32 @!p0 $0x1BF5;
	p2 =	por !p2, p0  }
0x20: {  	[sflag:s8] =	ssyncset.s32 @!p0 $0xFFFFF086;
	s6 =	sadd.s32 @!p0 s3, s7;
	s7 =	simm.s32 @!p0 $0x108  }
0x21: {  	s3 =	sadd.s32 s3, s9;
	s6 =	sadd.s32 @!p0 $0x88, s6;
	s7 =	simm.s32 @p2 $0x1082  }
0x22: {  	[simem:s7], [sflag:s8] =	dma.local @!p0 [hbm:s6], $0xF7A  }
0x23: {  	s9 =	sor.u32 $0xD0000000, s2;
	s6 =	simm.s32 $0x108;
	_ =	swait.ge @!p0 [sflag:s8], $0x0  }
0x24: {  	s3 =	sadd.s32 $0x88, s3;
	s6 =	simm.s32 @!p1 $0x1082;
	[sflag:s4] =	ssyncset.s32 $0xFFFFF086  }
0x25: {  	[simem:s6], [sflag:s4] =	dma.local [hbm:s3], $0xF7A  }
0x26: {  	[smem:$0x3F96] =	sst s1;
	(tag) =	ssettag s2;
	_ =	strace s9  }
0x27: {  	s1 =	sld [smem:$0x3FA6]  }
0x28: {  	s2 =	sld [smem:$0x3FA7]  }
0x29: {  	s4 =	sld [smem:$0x3FA9]  }
0x2a: {  	p0 =	seq.s32 s5, $0x0;
	s5 =	sld [smem:$0x3FAA]  }
0x2b: {  	s6 =	sld [smem:$0x3FAB]  }
0x2c: {  	s7 =	sld [smem:$0x3FAC]  }
0x2d: {  	s3 =	simm.s32 $0x108;
	s8 =	sld [smem:$0x3FAD]  }
0x2e: {  	s3 =	simm.s32 @!p0 $0x1082;
	s9 =	sld [smem:$0x3FAE]  }
0x2f: {  	lr =	sadd.s32 s0, s3;
	s0 =	sld [smem:$0x3FA5]  }
0x30: {  	s3 =	sld [smem:$0x3FA8]  }
0x31: {  	[smem:$0x3FB1] =	sst s10  }
0x32: {  	s10 =	sld [smem:$0x3FAF];
	_ =	sdelay $0x3  }
0x33: {  	p0 =	seq.s32 s10, $0x1;
	s10 =	sld [smem:$0x3FB1];
	_ =	sdelay $0x3  }
0x34: {  	[smem:$0x3FB1] =	sst s10  }
0x35: {  	s10 =	sld [smem:$0x3FB0];
	_ =	sdelay $0x3  }
0x36: {  	p1 =	seq.s32 s10, $0x1;
	s10 =	sld [smem:$0x3FB1];
	_ =	sdelay $0x3  }
0x37: {  	[smem:$0x3FB1] =	sst s10  }
0x38: {  	s10 =	sld [smem:$0x3FB2]  }
0x39: {  	_ = 	snop;
	(pc) =	sbr.ind lr, $3  }
0x3a: {  	_ = 	snop  }
0x3b: {  	_ = 	snop  }
0x3c: {  	p2 =	seq.s32 s10, $0x1;
	s10 =	sld [smem:$0x3FB1]  }
0x3d: {  	_ =	shalt  }
0x3e: {  	_ =	shalt  }
0x3f: {  	_ =	shalt  }
0x40: {  	_ =	shalt  }
0x41: {  	_ =	shalt  }
0x42: {  	_ =	shalt  }
0x43: {  	_ =	shalt  }
0x44: {  	_ =	shalt  }
0x45: {  	_ =	shalt  }
0x46: {  	_ =	shalt  }
0x47: {  	_ =	shalt  }
0x48: {  	_ =	shalt  }
0x49: {  	_ =	shalt  }
0x4a: {  	_ =	shalt  }
0x4b: {  	_ =	shalt  }
0x4c: {  	_ =	shalt  }
0x4d: {  	_ =	shalt  }
0x4e: {  	_ =	shalt  }
0x4f: {  	_ =	shalt  }
0x50: {  	_ =	shalt  }
0x51: {  	_ =	shalt  }
0x52: {  	_ =	shalt  }
0x53: {  	_ =	shalt  }
0x54: {  	_ =	shalt  }
0x55: {  	_ =	shalt  }
0x56: {  	_ =	shalt  }
0x57: {  	_ =	shalt  }
0x58: {  	_ =	shalt  }
0x59: {  	_ =	shalt  }
0x5a: {  	_ =	shalt  }
0x5b: {  	_ =	shalt  }
0x5c: {  	_ =	shalt  }
0x5d: {  	_ =	shalt  }
0x5e: {  	_ =	shalt  }
0x5f: {  	_ =	shalt  }
0x60: {  	_ =	shalt  }
0x61: {  	_ =	shalt  }
0x62: {  	_ =	shalt  }
0x63: {  	_ =	shalt  }
0x64: {  	_ =	shalt  }
0x65: {  	_ =	shalt  }
0x66: {  	_ =	shalt  }
0x67: {  	_ =	shalt  }
0x68: {  	_ =	shalt  }
0x69: {  	_ =	shalt  }
0x6a: {  	_ =	shalt  }
0x6b: {  	_ =	shalt  }
0x6c: {  	_ =	shalt  }
0x6d: {  	_ =	shalt  }
0x6e: {  	_ =	shalt  }
0x6f: {  	_ =	shalt  }
0x70: {  	_ =	shalt  }
0x71: {  	_ =	shalt  }
0x72: {  	_ =	shalt  }
0x73: {  	_ =	shalt  }
0x74: {  	_ =	shalt  }
0x75: {  	_ =	shalt  }
0x76: {  	_ =	shalt  }
0x77: {  	_ =	shalt  }
0x78: {  	_ =	shalt  }
0x79: {  	_ =	shalt  }
0x7a: {  	_ =	shalt  }
0x7b: {  	_ =	shalt  }
0x7c: {  	_ =	shalt  }
0x7d: {  	_ =	shalt  }
0x7e: {  	_ =	shalt  }
0x7f: {  	_ =	shalt  }
0x80: {  	_ =	shalt  }
0x81: {  	_ =	shalt  }
0x82: {  	_ =	shalt  }
0x83: {  	_ =	shalt  }
0x84: {  	_ =	shalt  }
0x85: {  	_ =	shalt  }
0x86: {  	_ =	shalt  }
0x87: {  	_ =	shalt  }
.Lfunc_end0:
.L_simem_size_0:
called_computation.1_lowered:
.L_overlay_start_0:
0x88: {  	s2 =	sld [smem:$0x3FD9]  }
0x89: {  	s3 =	sld [smem:$0x3FFE];
	_ =	sdelay $0x1  }
0x8a: {  	s1 =	srdreg.scid  }
0x8b: {  	s0 =	sand.u32 $0x1, s1  }
0x8c: {  	s16 =	sshll.u32 s0, $0xA;
	s2 =	sadd.s32 s3, s2  }
0x8d: {  	s2 =	sadd.s32 s2, s16  }
0x8e: {  	[smem:$0x3FBD] =	sst s2  }
0x8f: {  	_ = 	snop  }
0x90: {  	(tm) =	ssettm $0x1  }
0x91: {  	s17 =	sld [smem:$0x3FFB];
	_ =	sdelay $0x3  }
0x92: {  	_ =	strace s17  }
0x93: {  	s2 =	sld [smem:$0x3FFC];
	_ =	sdelay $0x3  }
0x94: {  	_ =	strace s2  }
0x95: {  	s2 =	sld [smem:$0x3FFD];
	_ =	sdelay $0x3  }
0x96: {  	_ =	strace s2  }
0x97: {  	_ =	strace $0x8FFFFFFF  }
0x98: {  	s18 =	sld [smem:$0x3FDB];
	_ =	sdelay $0x1  }
0x99: {  	s19 =	simm.s32 $_scs_section_size  }
0x9a: {  	s4 =	simm.s32 $_size__tile_overlayer_lowered;
	s5 =	simm.s32 $_tile_overlayer_lowered  }
0x9b: {  	s22 =	simm.s32 $0x1BFF;
	s21 =	sshll.u32 s5, $0x1;
	s2 =	sadd.s32 s19, s18  }
0x9c: {  	s6 =	simm.s32 $0x0;
	s20 =	sshll.u32 s4, $0x1;
	s4 =	sadd.s32 s21, s2  }
0x9d: {  	[timem:s6], [sflag:s22] =	dma.local [hbm:s4], s20  }
0x9e: {  	_ =	swait.ge [sflag:s22], s20  }
0x9f: {  	s3 =	ssub.s32 $0x0, s20;
	[sflag:s22] =	ssyncset.done $0x0  }
0xa0: {  	[sflag:s22] =	ssyncadd.s32 s3;
	_ =	sdelay $0x1  }
0xa1: {  	s23 =	simm.s32 $0x1B8B  }
0xa2: {  	_ =	swait.ge [sflag:s23], $0x1  }
0xa3: {  	[sflag:s23] =	ssyncset.done $0x0  }
0xa4: {  	s25 =	simm.s32 $0x1B8E;
	s24 =	sld [smem:$0x3FFE];
	[sflag:s23] =	ssyncadd.s32 $0xFFFFFFFF  }
0xa5: {  	s26 =	simm.s32 $execute0_lowered;
	[smem:$0x3FD2] =	sst s25  }
0xa6: {  	s4 =	sshll.u32 s26, $0x1;
	_ =	strace $0x80000049;
	[dreg:$0x1] =	wrdreg $0xFFFFFFFF  }
0xa7: {  	s28 =	simm.s32 $_size_execute0_lowered;
	s2 =	sadd.s32 s2, s4;
	[dreg:$0x0] =	wrdreg $0x0  }
0xa8: {  	s4 =	sshll.u32 s28, $0x1;
	[dreg:$0x2] =	wrdreg s2  }
0xa9: {  	[dreg:$0x3] =	wrdreg s4  }
0xaa: {  	[dreg:$0x4] =	wrdreg $0xC0  }
0xab: {  	_ =	task [dreg:s6], $0x5FFFF  }
0xac: {  	[dreg:$0x1] =	wrdreg $0xFFFFFFFF  }
0xad: {  	[dreg:$0x0] =	wrdreg $0x60  }
0xae: {  	[dreg:$0x2] =	wrdreg s24  }
0xaf: {  	[dreg:$0x3] =	wrdreg $0x138000  }
0xb0: {  	[dreg:$0x4] =	wrdreg $0x9  }
0xb1: {  	_ =	task.clear_ibuf [dreg:s6], $0x5FFFF;
	_ =	strace $0x90000049  }
0xb2: {  	s29 =	simm.s32 $0x9;
	_ =	strace $0x8000004B  }
0xb3: {  	_ =	swait.ge [sflag:s29], $0x1  }
0xb4: {  	[sflag:s29] =	ssyncadd.s32 $0xFFFFFFFF  }
0xb5: {  	_ =	strace $0x9000004B  }
0xb6: {  	_ =	sfence  }
0xb7: {  	s30 =	sld [smem:$0x0];
	_ =	sdelay $0x2  }
0xb8: {  	s31 =	sshll.u32 s1, $0xD;
	s1 =	sshrl.u32 s1, $0x2  }
0xb9: {  	s3 =	sand.u32 $0x4000, s31;
	s1 =	sadd.s32 s1, s30  }
0xba: {  	s0 =	sor.u32 s3, s0;
	s1 =	sshll.u32 s1, $0x11  }
0xbb: {  	s0 =	sor.u32 s1, s0  }
0xbc: {  	s0 =	sadd.s32 $0x8F2B, s0  }
0xbd: {  	[sflag:s0] =	ssyncadd.remote.s32 $0x1  }
0xbe: {  	_ =	sfence.sel $0xFFFF  }
0xbf: {  	[dreg:$0x0] =	wrdreg $0xFFFFFFFF;
	(pc) =	sbr.abs _section_cstart, $3  }
0xc0: {  	[dreg:$0x1] =	wrdreg $0xFFFFFFFF  }
0xc1: {  	_ =	task.clear_ibuf [dreg:s6], $0x2FFFF;
	_ =	strace $0x9FFFFFFF  }
0xc2: {  	(tm) =	ssettm $0x7FFFFFFF  }
0xc3: {  	_ =	shalt  }
tec
execute0_lowered:
.L_overlay_start_1:
0x0: {  	(tag) =	ssettag $0x1  }
0x1: {  	s1 =	rddreg [dreg:$0x0]  }
0x2: {  	s0 =	srdreg.scid;
	s2 =	rddreg [dreg:$0x1]  }
0x3: {  	s9 =	stileid.u32;
	s3 =	simm.s32 $0x0;
	s28 =	simm.s32 $0x7  }
0x4: {  	s29 =	simm.s32 $0x1;
	s30 =	simm.s32 $0x80;
	s31 =	simm.s32 $0x9800  }
0x5: {  	s0 =	sand.u32 $0x1, s0;
	[smem:$0x7FF] =	sst s3;
	s6 =	smul.u32 $0x28000, s9  }
0x6: {  	s4 =	sshll.u32 s0, $0x4;
	s7 =	ssub.s32 $0x2, s0;
	s0 =	smul.u32 $0xA0000, s0  }
0x7: {  	_ =	strace $0x8000004A;
	s4 =	sor.u32 s9, s4;
	s9 =	smul.u32 $0xA000, s9  }
0x8: {  	s8 =	sshrl.u32 s7, $0x1;
	s6 =	sshrl.u32 s6, $0x2;
	s5 =	smul.u32 $0x500, s4  }
0x9: {  	s4 =	sadd.s32 $0x47200, s1;
	s7 =	ssub.s32 s7, s8;
	s8 =	sadd.s32 s6, s2  }
0xa: {  	s12 =	smax.u32 s7, $0x1;
	s13 =	sadd.s32 $0x2000, s9;
	s6 =	sadd.s32 $0x2000, s8  }
0xb: {  	s14 =	sadd.s32 $0x4000, s8;
	s16 =	sadd.s32 $0x6000, s8;
	[dreg:$0x7] =	wrdreg s12  }
0xc: {  	s17 =	sadd.s32 $0x8000, s8;
	s18 =	sadd.s32 s9, s2;
	[dreg:$0x8] =	wrdreg s6  }
0xd: {  	s19 =	sadd.s32 $0x4000, s9;
	s7 =	simm.s32 $0x3;
	[dreg:$0x9] =	wrdreg s14  }
0xe: {  	s5 =	sadd.s32 s5, s1;
	s1 =	sadd.s32 $0x5AC00, s1;
	[dreg:$0xa] =	wrdreg s16  }
0xf: {  	s15 =	sadd.s32 s0, s13;
	[dreg:$0xb] =	wrdreg s17;
	s24 =	sshrl.u32 s18, $0x3  }
0x10: {  	s20 =	sadd.s32 s0, s19;
	s26 =	sadd.s32 $0x33200, s5;
	[dreg:$0x10] =	wrdreg s24  }
0x11: {  	s10 =	sadd.s32 $0x3D200, s5;
	s5 =	sadd.s32 $0x29200, s5;
	[dreg:$0x3] =	wrdreg s26  }
0x12: {  	s6 =	sshrl.u32 s15, $0x3;
	[dreg:$0x4] =	wrdreg s10;
	s10 =	sadd.s32 s0, s9  }
0x13: {  	[dreg:$0x5] =	wrdreg s5;
	s6 =	sadd.s32 s1, s6;
	s11 =	sshrl.u32 s10, $0x3  }
0x14: {  	[dreg:$0xc] =	wrdreg s6;
	s10 =	sshrl.u32 s20, $0x3;
	s6 =	sadd.s32 s19, s2  }
0x15: {  	s19 =	simm.s32 $0x11800;
	s20 =	simm.s32 $0x2;
	s5 =	sadd.s32 s1, s11  }
0x16: {  	s11 =	sadd.s32 $0x6000, s9;
	s9 =	sadd.s32 $0x8000, s9;
	s10 =	sadd.s32 s1, s10  }
0x17: {  	s26 =	sshrl.u32 s6, $0x3;
	s6 =	simm.s32 $0x4;
	[dreg:$0x6] =	wrdreg s5  }
0x18: {  	s5 =	sadd.s32 s13, s2;
	s12 =	sadd.s32 s0, s11;
	[dreg:$0xd] =	wrdreg s10  }
0x19: {  	s0 =	sadd.s32 s0, s9;
	s22 =	sadd.s32 s11, s2;
	s23 =	sadd.s32 s9, s2  }
0x1a: {  	[dreg:$0x12] =	wrdreg s26;
	s26 =	simm.s32 $0x7800;
	s9 =	simm.s32 $0x6  }
.Ltmp0:
0x1b: {  	s21 =	sshrl.u32 s12, $0x3;
	s0 =	sshrl.u32 s0, $0x3;
	(pc) =	sbr.rel .LBB2_1-.Ltmp0, $4  }
0x1c: {  	s25 =	sshrl.u32 s5, $0x3;
	s24 =	sshrl.u32 s22, $0x3;
	s5 =	simm.s32 $0xD800  }
0x1d: {  	s10 =	sadd.s32 s1, s21;
	s0 =	sadd.s32 s1, s0;
	[dreg:$0x11] =	wrdreg s25  }
0x1e: {  	s25 =	sshrl.u32 s23, $0x3;
	s1 =	simm.s32 $0xB800;
	[dreg:$0xe] =	wrdreg s10  }
0x1f: {  	v0 =	vimm.f32 $0.0e+00;
	[dreg:$0xf] =	wrdreg s0;
	s0 =	simm.s32 $0xF800;
	s10 =	simm.s32 $0x0  }
.LBB2_15:
0x20: {  	_ =	swait.ge [sflag:s9], $0x2000  }
0x21: {  	[sflag:s9] =	ssyncset.done $0x0  }
0x22: {  	[sflag:s9] =	ssyncadd.s32 $0xFFFFE000  }
0x23: {  	_ =	swait.ge [sflag:s9], $0x2000  }
0x24: {  	[sflag:s9] =	ssyncset.done $0x0  }
0x25: {  	[sflag:s9] =	ssyncadd.s32 $0xFFFFE000  }
0x26: {  	_ =	swait.ge [sflag:s6], $0x2000  }
0x27: {  	[sflag:s6] =	ssyncset.done $0x0  }
0x28: {  	[sflag:s6] =	ssyncadd.s32 $0xFFFFE000  }
0x29: {  	_ =	swait.ge [sflag:s6], $0x2000  }
0x2a: {  	[sflag:s6] =	ssyncset.done $0x0  }
0x2b: {  	[sflag:s6] =	ssyncadd.s32 $0xFFFFE000  }
0x2c: {  	s11 =	stileid.u32;
	[bflag:$0x0] =	sbarrier.arrive $0xFFFF  }
0x2d: {  	s11 =	sshll.u32 s11, $0x6;
	s12 =	rddreg [dreg:$0x6]  }
0x2e: {  	s11 =	sor.u32 $0x1C07, s11;
	s13 =	rddreg [dreg:$0x10]  }
0x2f: {  	[hbm:s12], [sflag:s11] =	dma.local [spmem:s13], $0x400  }
0x30: {  	_ =	swait.ge [sflag:s28], $0x400  }
0x31: {  	[sflag:s28] =	ssyncset.done $0x0;
	s15 =	rddreg [dreg:$0xc]  }
0x32: {  	s16 =	rddreg [dreg:$0x11];
	[sflag:s28] =	ssyncadd.s32 $0xFFFFFC00  }
0x33: {  	[hbm:s15], [sflag:s11] =	dma.local [spmem:s16], $0x400  }
0x34: {  	_ =	swait.ge [sflag:s28], $0x400  }
0x35: {  	[sflag:s28] =	ssyncset.done $0x0;
	s17 =	rddreg [dreg:$0xd]  }
0x36: {  	s18 =	rddreg [dreg:$0x12];
	[sflag:s28] =	ssyncadd.s32 $0xFFFFFC00  }
0x37: {  	[hbm:s17], [sflag:s11] =	dma.local [spmem:s18], $0x400  }
0x38: {  	_ =	swait.ge [sflag:s28], $0x400  }
0x39: {  	[sflag:s28] =	ssyncset.done $0x0  }
0x3a: {  	s21 =	rddreg [dreg:$0xe];
	[sflag:s28] =	ssyncadd.s32 $0xFFFFFC00  }
0x3b: {  	[hbm:s21], [sflag:s11] =	dma.local [spmem:s24], $0x400  }
0x3c: {  	_ =	swait.ge [sflag:s28], $0x400  }
0x3d: {  	[sflag:s28] =	ssyncset.done $0x0  }
0x3e: {  	s22 =	rddreg [dreg:$0xf];
	[sflag:s28] =	ssyncadd.s32 $0xFFFFFC00  }
0x3f: {  	[hbm:s22], [sflag:s11] =	dma.local [spmem:s25], $0x400  }
0x40: {  	_ =	swait.ge [sflag:s28], $0x400  }
0x41: {  	s10 =	sadd.s32 $0x1, s10;
	s23 =	rddreg [dreg:$0x7]  }
0x42: {  	p0 =	sne.s32 s10, s23  }
.Ltmp1:
0x43: {  	_ = 	snop;
	(pc) =	sbr.rel @!p0 .LBB2_16-.Ltmp1, $3  }
0x44: {  	_ =	sdelay $0x1  }
0x45: {  	[sflag:s28] =	ssyncset.done $0x0  }
0x46: {  	[sflag:s28] =	ssyncadd.s32 $0xFFFFFC00  }
.LBB2_1:
0x47: {  	s11 =	rddreg [dreg:$0x3]  }
0x48: {  	s21 =	rddreg [dreg:$0x4]  }
0x49: {  	[tilespmem:s3], [sflag:$0x1] =	stream.linear.gather [hbm4b:s11+s3], $0x2800, $0x38;
	[tilespmem:$0x1D800] =	vst v63  }
0x4a: {  	s12 =	simm.s32 $0x2800;
	s22 =	rddreg [dreg:$0x5]  }
0x4b: {  	[tilespmem:s12], [sflag:$0x1] =	stream.linear.gather [hbm4b:s21+s3], $0x2800, $0x38;
	[tilespmem:$0x1D800] =	vst v63  }
0x4c: {  	s23 =	simm.s32 $0x5000;
	s11 =	simm.s32 $0x0;
	s12 =	simm.s32 $0x100  }
0x4d: {  	[tilespmem:s23], [sflag:$0x1] =	stream.linear.gather [hbm4b:s22+s3], $0x2800, $0x38;
	[tilespmem:$0x1D800] =	vst v63  }
.LBB2_2:
0x4e: {  	p0 =	sne.s32 s12, $0x7F00;
	[tilespmem:s11+$0x7830] =	vst v0;
	s13 =	smov.u32 s12;
	s12 =	sadd.s32 $0x100, s12  }
.Ltmp2:
0x4f: {  	[tilespmem:s11+$0x7820] =	vst v0;
	(pc) =	sbr.rel @p0 .LBB2_2-.Ltmp2, $3  }
0x50: {  	[tilespmem:s11+$0x7800] =	vst v0  }
0x51: {  	[tilespmem:s11+$0x7810] =	vst v0;
	_ =	sdelay $0x1  }
0x52: {  	s11 =	sshra.s32 s13, $0x2  }
0x53: {  	[tilespmem:s11+$0x7830] =	vst v0  }
0x54: {  	[tilespmem:s11+$0x7820] =	vst v0  }
0x55: {  	[tilespmem:s11+$0x7800] =	vst v0  }
0x56: {  	[tilespmem:s11+$0x7810] =	vst v0  }
0x57: {  	[spmem:s8] =	stream.linear.scatter [tilespmem:s26], [sflag:$0x7], $0x2000, $0x38;
	[tilespmem:$0x1D800] =	vst v63  }
0x58: {  	_ =	swait.ge [sflag:s28], $0x2000  }
0x59: {  	[sflag:s28] =	ssyncset.done $0x0  }
0x5a: {  	s18 =	rddreg [dreg:$0x8];
	[sflag:s28] =	ssyncadd.s32 $0xFFFFE000  }
0x5b: {  	[spmem:s18] =	stream.linear.scatter [tilespmem:s26], [sflag:$0x7], $0x2000, $0x38;
	[tilespmem:$0x1D800] =	vst v63  }
0x5c: {  	_ =	swait.ge [sflag:s28], $0x2000  }
0x5d: {  	[sflag:s28] =	ssyncset.done $0x0  }
0x5e: {  	s21 =	rddreg [dreg:$0x9];
	[sflag:s28] =	ssyncadd.s32 $0xFFFFE000  }
0x5f: {  	[spmem:s21] =	stream.linear.scatter [tilespmem:s26], [sflag:$0x7], $0x2000, $0x38;
	[tilespmem:$0x1D800] =	vst v63  }
0x60: {  	_ =	swait.ge [sflag:s28], $0x2000  }
0x61: {  	[sflag:s28] =	ssyncset.done $0x0  }
0x62: {  	s22 =	rddreg [dreg:$0xa];
	[sflag:s28] =	ssyncadd.s32 $0xFFFFE000  }
0x63: {  	[spmem:s22] =	stream.linear.scatter [tilespmem:s26], [sflag:$0x7], $0x2000, $0x38;
	[tilespmem:$0x1D800] =	vst v63  }
0x64: {  	_ =	swait.ge [sflag:s28], $0x2000  }
0x65: {  	[sflag:s28] =	ssyncset.done $0x0  }
0x66: {  	s23 =	rddreg [dreg:$0xb];
	[sflag:s28] =	ssyncadd.s32 $0xFFFFE000  }
0x67: {  	[spmem:s23] =	stream.linear.scatter [tilespmem:s26], [sflag:$0x7], $0x2000, $0x38;
	[tilespmem:$0x1D800] =	vst v63  }
0x68: {  	_ =	swait.ge [sflag:s28], $0x2000  }
0x69: {  	[sflag:s28] =	ssyncset.done $0x0  }
0x6a: {  	[sflag:s28] =	ssyncadd.s32 $0xFFFFE000  }
0x6b: {  	[bflag:$0x0] =	sbarrier.arrive $0xFFFF  }
0x6c: {  	_ =	swait.ge [sflag:s29], $0x2800  }
0x6d: {  	[sflag:s29] =	ssyncset.done $0x0  }
0x6e: {  	[sflag:s29] =	ssyncadd.s32 $0xFFFFD800  }
0x6f: {  	_ =	swait.ge [sflag:s29], $0x2800  }
0x70: {  	[sflag:s29] =	ssyncset.done $0x0  }
0x71: {  	[sflag:s29] =	ssyncadd.s32 $0xFFFFD800  }
0x72: {  	_ =	swait.ge [sflag:s29], $0x2800  }
0x73: {  	[sflag:s29] =	ssyncset.done $0x0  }
0x74: {  	s11 =	simm.s32 $0x0;
	[sflag:s29] =	ssyncadd.s32 $0xFFFFD800  }
0x75: {  	[tilespmem:s26], [sflag:$0x1] =	stream.indirect.gather [hbm4b:s4+s30], $0x40, s11, s30, $0xb8;
	[tilespmem:$0x1D800] =	vst v63  }
0x76: {  	_ = 	snop  }
0x77: {  	[tilespmem:s31], [sflag:$0x1] =	stream.indirect.gather [hbm4b:s4+s30], $0x40, s30, s30, $0xb8;
	[tilespmem:$0x1D800] =	vst v63  }
.LBB2_4:
0x78: {  	p0 =	seq.s32 s11, $0x0  }
0x79: {  	s12 =	simm.s32 @!p0 $0x5  }
0x7a: {  	_ =	swait.ge @!p0 [sflag:s12], $0x2000  }
0x7b: {  	[sflag:s12] =	ssyncset.done @!p0 $0x0  }
0x7c: {  	[sflag:s12] =	ssyncadd.s32 @!p0 $0xFFFFE000  }
0x7d: {  	_ =	swait.ge @!p0 [sflag:s12], $0x2000  }
0x7e: {  	p1 =	seq.s32 @!p0 s11, $0xD;
	[sflag:s12] =	ssyncset.done @!p0 $0x0  }
0x7f: {  	p1 =	por p0, !p1;
	[sflag:s12] =	ssyncadd.s32 @!p0 $0xFFFFE000;
	s12 =	simm.s32 @!p0 $0x9C00  }
0x80: {  	s12 =	smul.u32 @p1 $0xC00, s11;
	_ =	sdelay $0x1  }
0x81: {  	s13 =	sshra.s32 @p1 s12, $0x2  }
0x82: {  	s15 =	simm.s32 $0x0;
	s14 =	sadd.s32 @p1 $0x100, s13  }
0x83: {  	[tilespmem:s1], [sflag:$0x2] =	stream.indirect.gather @p1 [hbm4b:s4+s30], $0x40, s14, s30, $0xb8;
	[tilespmem:$0x1D800] =	vst v63  }
0x84: {  	s16 =	simm.s32 $0x1;
	s17 =	simm.s32 $0x3;
	s13 =	sadd.s32 @p1 $0x180, s13  }
0x85: {  	v1 =	vmov s15;
	[tilespmem:s5], [sflag:$0x2] =	stream.indirect.gather @p1 [hbm4b:s4+s30], $0x40, s13, s30, $0xb8;
	[tilespmem:$0x1D800] =	vst v63  }
0x86: {  	s18 =	simm.s32 $0x2;
	v2 =	vmov s16;
	v3 =	vmov s17;
	v1 =	vand.u32 $0xFFFFFFFC, v1;
	_ =	swait.ge [sflag:s29], $0x2000  }
0x87: {  	v4 =	vmov s18;
	v2 =	vand.u32 $0xFFFFFFFD, v2;
	v1 =	vbroadcast v1, $0x0;
	[sflag:s29] =	ssyncset.done $0x0  }
0x88: {  	v5 =	vbroadcast v2, $0x0;
	v2 =	vand.u32 $0xFFFFFFFE, v4;
	[sflag:s29] =	ssyncadd.s32 $0xFFFFE000  }
0x89: {  	v2 =	vbroadcast v2, $0x0;
	_ =	swait.ge [sflag:s29], $0x2000  }
0x8a: {  	s12 =	sshra.s32 s12, $0x2;
	[sflag:s29] =	ssyncset.done $0x0  }
0x8b: {  	s15 =	sadd.s32 $0x5000, s12;
	[sflag:s29] =	ssyncadd.s32 $0xFFFFE000  }
0x8c: {  	v4 =	vld.idx.msk [tilespmem:v3+s15+$0x0], $0xffff  }
0x8d: {  	v6 =	vld.idx.msk [tilespmem:v1+s15+$0x0], $0xffff  }
0x8e: {  	v7 =	vld.idx.msk [tilespmem:v5+s15+$0x0], $0xffff  }
0x8f: {  	s14 =	simm.s32 $0x9800;
	v8 =	vld.idx.msk [tilespmem:v2+s15+$0x0], $0xffff  }
0x90: {  	v9 =	vld [tilespmem:s14+$0xFFFFE080]  }
0x91: {  	v10 =	vld [tilespmem:s14+$0xFFFFE090]  }
0x92: {  	v11 =	vld [tilespmem:s14+$0xFFFFE0A0]  }
0x93: {  	v12 =	vld [tilespmem:s14+$0xFFFFE0B0]  }
0x94: {  	v13 =	vld [tilespmem:s14+$0xFFFFE000]  }
0x95: {  	v14 =	vld [tilespmem:s14+$0xFFFFE010]  }
0x96: {  	v15 =	vld [tilespmem:s14+$0xFFFFE020];
	v9 =	vmul.f32 v9, v8  }
0x97: {  	v16 =	vld [tilespmem:s14+$0xFFFFE030];
	v10 =	vmul.f32 v10, v8  }
0x98: {  	[tilespmem:s14+$0xFFFFE080] =	vst v9;
	v9 =	vmul.f32 v11, v8;
	v11 =	vld [tilespmem:s14+$0xFFFFE040]  }
0x99: {  	[tilespmem:s14+$0xFFFFE090] =	vst v10;
	v8 =	vmul.f32 v12, v8;
	v10 =	vld [tilespmem:s14+$0xFFFFE050]  }
0x9a: {  	v12 =	vmul.f32 v14, v6;
	v14 =	vld [tilespmem:s14+$0xFFFFE070];
	[tilespmem:s14+$0xFFFFE0A0] =	vst v9  }
0x9b: {  	v9 =	vld [tilespmem:s14+$0xFFFFE060];
	[tilespmem:s14+$0xFFFFE0B0] =	vst v8;
	v8 =	vmul.f32 v13, v6  }
0x9c: {  	v13 =	vld [tilespmem:s14+$0xB0];
	[tilespmem:s14+$0xFFFFE010] =	vst v12  }
0x9d: {  	s13 =	sadd.s32 $0x5080, s12;
	v12 =	vld [tilespmem:s14+$0xFFFFE0C0];
	[tilespmem:s14+$0xFFFFE000] =	vst v8;
	v8 =	vmul.f32 v15, v6  }
0x9e: {  	v2 =	vld.idx.msk [tilespmem:v2+s13+$0x0], $0xffff;
	v6 =	vmul.f32 v16, v6  }
0x9f: {  	[tilespmem:s14+$0xFFFFE020] =	vst v8;
	v8 =	vmul.f32 v11, v7;
	v11 =	vld [tilespmem:s14+$0xFFFFE0D0]  }
0xa0: {  	[tilespmem:s14+$0xFFFFE030] =	vst v6;
	v6 =	vmul.f32 v10, v7;
	v10 =	vld [tilespmem:s14+$0xFFFFE0E0]  }
0xa1: {  	v1 =	vld.idx.msk [tilespmem:v1+s13+$0x0], $0xffff;
	[tilespmem:s14+$0xFFFFE040] =	vst v8;
	v8 =	vmul.f32 v9, v7  }
0xa2: {  	v9 =	vld [tilespmem:s14+$0xFFFFE0F0];
	[tilespmem:s14+$0xFFFFE050] =	vst v6;
	v6 =	vmul.f32 v14, v7  }
0xa3: {  	v7 =	vld [tilespmem:s14+$0x0];
	[tilespmem:s14+$0xFFFFE060] =	vst v8  }
0xa4: {  	v8 =	vmul.f32 v12, v4;
	v12 =	vld [tilespmem:s14+$0x10];
	[tilespmem:s14+$0xFFFFE070] =	vst v6  }
0xa5: {  	v6 =	vmul.f32 v11, v4;
	v14 =	vld.idx.msk [tilespmem:v5+s13+$0x0], $0xffff  }
0xa6: {  	v5 =	vmul.f32 v10, v4;
	v10 =	vld [tilespmem:s14+$0x50];
	[tilespmem:s14+$0xFFFFE0C0] =	vst v8  }
0xa7: {  	v8 =	vld [tilespmem:s14+$0x20];
	[tilespmem:s14+$0xFFFFE0D0] =	vst v6;
	v4 =	vmul.f32 v9, v4  }
0xa8: {  	v6 =	vld [tilespmem:s14+$0x30];
	[tilespmem:s14+$0xFFFFE0E0] =	vst v5  }
0xa9: {  	v9 =	vld [tilespmem:s14+$0x40];
	[tilespmem:s14+$0xFFFFE0F0] =	vst v4;
	v4 =	vmul.f32 v13, v2  }
0xaa: {  	v5 =	vld.idx.msk [tilespmem:v3+s13+$0x0], $0xffff;
	v3 =	vmul.f32 v7, v1  }
0xab: {  	s16 =	simm.s32 $0x4;
	[tilespmem:s14+$0xB0] =	vst v4;
	v4 =	vmul.f32 v12, v1  }
0xac: {  	v7 =	vmov s16;
	v12 =	vld [tilespmem:s14+$0x60];
	[tilespmem:s14+$0x0] =	vst v3;
	v3 =	vmul.f32 v8, v1  }
0xad: {  	s21 =	simm.s32 $0x5;
	v13 =	vld [tilespmem:s14+$0x70];
	v1 =	vmul.f32 v6, v1;
	[tilespmem:s14+$0x10] =	vst v4;
	v4 =	vand.u32 $0xFFFFFFFC, v7  }
0xae: {  	v7 =	vld [tilespmem:s14+$0x80];
	[tilespmem:s14+$0x20] =	vst v3;
	v3 =	vbroadcast v4, $0x0;
	v4 =	vmov s21  }
0xaf: {  	s22 =	simm.s32 $0x6;
	s23 =	simm.s32 $0x7;
	v10 =	vmul.f32 v10, v14;
	v6 =	vmul.f32 v9, v14;
	v9 =	vld [tilespmem:s14+$0x90];
	[tilespmem:s14+$0x30] =	vst v1;
	v1 =	vand.u32 $0xFFFFFFFD, v4  }
0xb0: {  	v11 =	vld [tilespmem:s14+$0xA0];
	v8 =	vmov s22;
	v4 =	vbroadcast v1, $0x0;
	v1 =	vmov s23  }
0xb1: {  	[tilespmem:s14+$0x40] =	vst v6;
	v6 =	vand.u32 $0xFFFFFFFE, v8;
	v8 =	vld [tilespmem:s14+$0xC0];
	v12 =	vmul.f32 v12, v14  }
0xb2: {  	s17 =	simm.s32 $0x8;
	s16 =	simm.s32 $0x9800;
	[tilespmem:s14+$0x50] =	vst v10;
	v10 =	vld [tilespmem:s14+$0xD0];
	v13 =	vmul.f32 v13, v14;
	v6 =	vbroadcast v6, $0x0  }
.LBB2_5:
0xb3: {  	p1 =	slt.u32 s17, $0x7C;
	[tilespmem:s14+$0x60] =	vst v12;
	v7 =	vmul.f32 v7, v2;
	v12 =	vld [tilespmem:s14+$0xE0]  }
0xb4: {  	[tilespmem:s14+$0x70] =	vst v13;
	v9 =	vmul.f32 v9, v2;
	v13 =	vld [tilespmem:s14+$0xF0]  }
0xb5: {  	v14 =	vld.idx.msk [tilespmem:v1+s15+$0x0], $0xffff;
	[tilespmem:s14+$0x80] =	vst v7;
	v2 =	vmul.f32 v11, v2  }
0xb6: {  	v7 =	vld.idx.msk [tilespmem:v3+s15+$0x0], $0xffff;
	[tilespmem:s14+$0x90] =	vst v9;
	v8 =	vmul.f32 v8, v5  }
0xb7: {  	v9 =	vld.idx.msk [tilespmem:v4+s15+$0x0], $0xffff;
	[tilespmem:s14+$0xA0] =	vst v2;
	v2 =	vmul.f32 v10, v5  }
0xb8: {  	s14 =	sadd.s32 $0x100, s14;
	v10 =	vld.idx.msk [tilespmem:v6+s15+$0x0], $0xffff;
	[tilespmem:s16+$0xC0] =	vst v8;
	v8 =	vmul.f32 v12, v5  }
0xb9: {  	v11 =	vld [tilespmem:s14+$0xFFFFE080];
	[tilespmem:s16+$0xD0] =	vst v2;
	v2 =	vmul.f32 v13, v5  }
0xba: {  	v5 =	vld [tilespmem:s14+$0xFFFFE090];
	[tilespmem:s16+$0xE0] =	vst v8  }
0xbb: {  	v8 =	vld [tilespmem:s14+$0xFFFFE0A0];
	[tilespmem:s16+$0xF0] =	vst v2;
	s16 =	smov.u32 s14  }
0xbc: {  	v2 =	vld [tilespmem:s14+$0xFFFFE0B0]  }
0xbd: {  	v12 =	vld [tilespmem:s14+$0xFFFFE000]  }
0xbe: {  	v13 =	vld [tilespmem:s14+$0xFFFFE010];
	v11 =	vmul.f32 v11, v10  }
0xbf: {  	v15 =	vld [tilespmem:s14+$0xFFFFE020];
	v5 =	vmul.f32 v5, v10  }
0xc0: {  	v16 =	vld [tilespmem:s14+$0xFFFFE030];
	[tilespmem:s14+$0xFFFFE080] =	vst v11;
	v8 =	vmul.f32 v8, v10  }
0xc1: {  	v11 =	vld [tilespmem:s14+$0xFFFFE040];
	[tilespmem:s14+$0xFFFFE090] =	vst v5;
	v2 =	vmul.f32 v2, v10  }
0xc2: {  	v5 =	vmul.f32 v12, v7;
	v10 =	vld [tilespmem:s14+$0xFFFFE050];
	[tilespmem:s14+$0xFFFFE0A0] =	vst v8  }
0xc3: {  	v8 =	vmul.f32 v13, v7;
	v12 =	vld [tilespmem:s14+$0xFFFFE060];
	[tilespmem:s14+$0xFFFFE0B0] =	vst v2  }
0xc4: {  	[tilespmem:s14+$0xFFFFE000] =	vst v5;
	v5 =	vmul.f32 v15, v7;
	v2 =	vld.idx.msk [tilespmem:v6+s13+$0x0], $0xffff  }
0xc5: {  	[tilespmem:s14+$0xFFFFE010] =	vst v8;
	v6 =	vmul.f32 v16, v7;
	v7 =	vld [tilespmem:s14+$0xB0]  }
0xc6: {  	[tilespmem:s14+$0xFFFFE020] =	vst v5;
	v5 =	vmul.f32 v11, v9;
	v8 =	vld [tilespmem:s14+$0xFFFFE070]  }
0xc7: {  	[tilespmem:s14+$0xFFFFE030] =	vst v6;
	v6 =	vmul.f32 v10, v9;
	v10 =	vld [tilespmem:s14+$0xFFFFE0C0]  }
0xc8: {  	[tilespmem:s14+$0xFFFFE040] =	vst v5;
	v5 =	vmul.f32 v12, v9;
	v11 =	vld [tilespmem:s14+$0xFFFFE0D0]  }
0xc9: {  	[tilespmem:s14+$0xFFFFE050] =	vst v6;
	v6 =	vld [tilespmem:s14+$0xFFFFE0E0]  }
0xca: {  	[tilespmem:s14+$0xFFFFE060] =	vst v5;
	v5 =	vmul.f32 v7, v2;
	v7 =	vld [tilespmem:s14+$0xFFFFE0F0]  }
0xcb: {  	v3 =	vld.idx.msk [tilespmem:v3+s13+$0x0], $0xffff;
	v8 =	vmul.f32 v8, v9  }
0xcc: {  	v9 =	vld [tilespmem:s14+$0x0];
	[tilespmem:s14+$0xB0] =	vst v5;
	v5 =	vmul.f32 v10, v14  }
0xcd: {  	v10 =	vld [tilespmem:s14+$0x10];
	[tilespmem:s14+$0xFFFFE070] =	vst v8;
	v8 =	vmul.f32 v11, v14  }
0xce: {  	v13 =	vld.idx.msk [tilespmem:v4+s13+$0x0], $0xffff;
	[tilespmem:s14+$0xFFFFE0C0] =	vst v5;
	v4 =	vmul.f32 v6, v14  }
0xcf: {  	v6 =	vld [tilespmem:s14+$0x20];
	[tilespmem:s14+$0xFFFFE0D0] =	vst v8;
	v5 =	vmul.f32 v7, v14  }
0xd0: {  	v7 =	vld [tilespmem:s14+$0x30];
	[tilespmem:s14+$0xFFFFE0E0] =	vst v4  }
0xd1: {  	v4 =	vmul.f32 v9, v3;
	v8 =	vld [tilespmem:s14+$0x40];
	[tilespmem:s14+$0xFFFFE0F0] =	vst v5  }
0xd2: {  	v9 =	vmul.f32 v10, v3;
	v5 =	vld.idx.msk [tilespmem:v1+s13+$0x0], $0xffff  }
0xd3: {  	[tilespmem:s14+$0x0] =	vst v4;
	v4 =	vld [tilespmem:s14+$0x50]  }
0xd4: {  	[tilespmem:s14+$0x10] =	vst v9;
	v1 =	vmul.f32 v6, v3;
	v6 =	vld [tilespmem:s14+$0x60]  }
0xd5: {  	v9 =	vmov s17;
	v10 =	vmul.f32 v7, v3;
	v14 =	vld [tilespmem:s14+$0x70]  }
.Ltmp3:
0xd6: {  	s18 =	sadd.s32 $0x1, s17;
	s21 =	sadd.s32 $0x3, s17;
	v3 =	vand.u32 $0xFFFFFFFC, v9;
	[tilespmem:s14+$0x20] =	vst v1;
	v8 =	vmul.f32 v8, v13;
	v7 =	vld [tilespmem:s14+$0x80];
	(pc) =	sbr.rel @p1 .LBB2_5-.Ltmp3, $4  }
0xd7: {  	v11 =	vmov s18;
	s18 =	sadd.s32 $0x2, s17;
	v3 =	vbroadcast v3, $0x0;
	v1 =	vmov s21;
	[tilespmem:s14+$0x30] =	vst v10;
	v9 =	vld [tilespmem:s14+$0x90]  }
0xd8: {  	v12 =	vmov s18;
	v10 =	vand.u32 $0xFFFFFFFD, v11;
	[tilespmem:s14+$0x40] =	vst v8;
	v15 =	vmul.f32 v4, v13;
	v11 =	vld [tilespmem:s14+$0xA0]  }
0xd9: {  	v4 =	vbroadcast v10, $0x0;
	v10 =	vand.u32 $0xFFFFFFFE, v12;
	v12 =	vmul.f32 v6, v13;
	v8 =	vld [tilespmem:s14+$0xC0]  }
0xda: {  	s17 =	sadd.s32 $0x4, s17;
	v6 =	vbroadcast v10, $0x0;
	[tilespmem:s14+$0x50] =	vst v15;
	v13 =	vmul.f32 v14, v13;
	v10 =	vld [tilespmem:s14+$0xD0]  }
0xdb: {  	_ =	sdelay $0x1  }
0xdc: {  	v14 =	vld [tilespmem:s14+$0xE0]  }
0xdd: {  	v15 =	vld [tilespmem:s14+$0xF0]  }
0xde: {  	v16 =	vld.idx.msk [tilespmem:v1+s15+$0x0], $0xffff  }
0xdf: {  	v17 =	vld.idx.msk [tilespmem:v3+s15+$0x0], $0xffff  }
0xe0: {  	v18 =	vld.idx.msk [tilespmem:v4+s15+$0x0], $0xffff  }
0xe1: {  	s21 =	sadd.s32 $0x100, s14;
	v19 =	vld.idx.msk [tilespmem:v6+s15+$0x0], $0xffff  }
0xe2: {  	v20 =	vld [tilespmem:s21+$0xFFFFE080]  }
0xe3: {  	v21 =	vld [tilespmem:s21+$0xFFFFE090]  }
0xe4: {  	[tilespmem:s14+$0x60] =	vst v12;
	v7 =	vmul.f32 v7, v2;
	v61 =	vld [tilespmem:s21+$0xFFFFE0A0]  }
0xe5: {  	[tilespmem:s14+$0x70] =	vst v13;
	v9 =	vmul.f32 v9, v2;
	v62 =	vld [tilespmem:s21+$0xFFFFE0B0]  }
0xe6: {  	v63 =	vld [tilespmem:s21+$0xFFFFE000];
	[tilespmem:s14+$0x80] =	vst v7;
	v2 =	vmul.f32 v11, v2  }
0xe7: {  	v24 =	vld [tilespmem:s21+$0xFFFFE010];
	[tilespmem:s14+$0x90] =	vst v9;
	v8 =	vmul.f32 v8, v5  }
0xe8: {  	v27 =	vld [tilespmem:s21+$0xFFFFE030];
	[tilespmem:s14+$0xA0] =	vst v2;
	v10 =	vmul.f32 v10, v5  }
0xe9: {  	v28 =	vld [tilespmem:s21+$0xFFFFE040];
	[tilespmem:s16+$0xC0] =	vst v8;
	v48 =	vmul.f32 v14, v5  }
0xea: {  	v29 =	vld [tilespmem:s21+$0xFFFFE050];
	v50 =	vmul.f32 v15, v5;
	[tilespmem:s16+$0xD0] =	vst v10  }
0xeb: {  	v30 =	vld [tilespmem:s21+$0xFFFFE060];
	v25 =	vmul.f32 v20, v19;
	[tilespmem:s16+$0xE0] =	vst v48  }
0xec: {  	v2 =	vld [tilespmem:s21+$0xFFFFE020];
	v26 =	vmul.f32 v21, v19;
	[tilespmem:s16+$0xF0] =	vst v50  }
0xed: {  	v33 =	vld [tilespmem:s21+$0xB0];
	v12 =	vmul.f32 v61, v19;
	[tilespmem:s21+$0xFFFFE080] =	vst v25  }
0xee: {  	v34 =	vld [tilespmem:s21+$0xFFFFE070];
	v13 =	vmul.f32 v62, v19;
	[tilespmem:s21+$0xFFFFE090] =	vst v26  }
0xef: {  	v36 =	vld [tilespmem:s21+$0xFFFFE0C0];
	v7 =	vmul.f32 v63, v17;
	[tilespmem:s21+$0xFFFFE0A0] =	vst v12  }
0xf0: {  	v37 =	vld [tilespmem:s21+$0xFFFFE0D0];
	v32 =	vmul.f32 v24, v17;
	[tilespmem:s21+$0xFFFFE0B0] =	vst v13  }
0xf1: {  	v39 =	vld [tilespmem:s21+$0xFFFFE0E0];
	[tilespmem:s21+$0xFFFFE000] =	vst v7;
	v2 =	vmul.f32 v2, v17  }
0xf2: {  	v40 =	vld [tilespmem:s21+$0xFFFFE0F0];
	v35 =	vmul.f32 v27, v17;
	[tilespmem:s21+$0xFFFFE010] =	vst v32  }
0xf3: {  	v42 =	vld [tilespmem:s21+$0x10];
	[tilespmem:s21+$0xFFFFE020] =	vst v2;
	v2 =	vmul.f32 v28, v18  }
0xf4: {  	v46 =	vld [tilespmem:s21+$0x20];
	v38 =	vmul.f32 v29, v18;
	[tilespmem:s21+$0xFFFFE030] =	vst v35  }
0xf5: {  	v31 =	vld.idx.msk [tilespmem:v6+s13+$0x0], $0xffff;
	[tilespmem:s21+$0xFFFFE040] =	vst v2;
	v2 =	vmul.f32 v30, v18  }
0xf6: {  	v41 =	vmul.f32 v36, v16;
	[tilespmem:s21+$0xFFFFE050] =	vst v38;
	v3 =	vld.idx.msk [tilespmem:v3+s13+$0x0], $0xffff  }
0xf7: {  	v43 =	vmul.f32 v37, v16;
	[tilespmem:s21+$0xFFFFE060] =	vst v2;
	v2 =	vld [tilespmem:s21+$0x0]  }
0xf8: {  	v49 =	vld [tilespmem:s21+$0x30];
	v7 =	vmul.f32 v34, v18;
	[tilespmem:s21+$0xFFFFE0C0] =	vst v41  }
0xf9: {  	v51 =	vld [tilespmem:s21+$0x40];
	v45 =	vmul.f32 v39, v16;
	[tilespmem:s21+$0xFFFFE0D0] =	vst v43  }
0xfa: {  	v53 =	vld [tilespmem:s21+$0x50];
	v47 =	vmul.f32 v40, v16;
	[tilespmem:s21+$0xFFFFE070] =	vst v7  }
0xfb: {  	[tilespmem:s21+$0xFFFFE0E0] =	vst v45;
	v52 =	vmul.f32 v33, v31;
	v44 =	vld.idx.msk [tilespmem:v4+s13+$0x0], $0xffff  }
0xfc: {  	v55 =	vld [tilespmem:s21+$0x60];
	[tilespmem:s21+$0xFFFFE0F0] =	vst v47;
	v2 =	vmul.f32 v2, v3  }
0xfd: {  	v56 =	vld [tilespmem:s21+$0x70];
	[tilespmem:s21+$0xB0] =	vst v52;
	v54 =	vmul.f32 v42, v3  }
0xfe: {  	v57 =	vld [tilespmem:s21+$0x80];
	[tilespmem:s21+$0x0] =	vst v2;
	v2 =	vmul.f32 v46, v3  }
0xff: {  	v58 =	vld [tilespmem:s21+$0x90];
	[tilespmem:s21+$0x10] =	vst v54;
	v3 =	vmul.f32 v49, v3  }
0x100: {  	v59 =	vld [tilespmem:s21+$0xA0];
	[tilespmem:s21+$0x20] =	vst v2;
	v2 =	vmul.f32 v51, v44  }
0x101: {  	v60 =	vld [tilespmem:s21+$0xC0];
	[tilespmem:s21+$0x30] =	vst v3;
	v3 =	vmul.f32 v53, v44  }
0x102: {  	v1 =	vld.idx.msk [tilespmem:v1+s13+$0x0], $0xffff;
	[tilespmem:s21+$0x40] =	vst v2;
	v2 =	vmul.f32 v55, v44  }
0x103: {  	v61 =	vld [tilespmem:s21+$0xD0];
	[tilespmem:s21+$0x50] =	vst v3;
	v3 =	vmul.f32 v56, v44  }
0x104: {  	v62 =	vld [tilespmem:s21+$0xE0];
	[tilespmem:s21+$0x60] =	vst v2;
	v2 =	vmul.f32 v57, v31  }
0x105: {  	v63 =	vld [tilespmem:s21+$0xF0];
	[tilespmem:s21+$0x70] =	vst v3;
	v3 =	vmul.f32 v58, v31  }
0x106: {  	[tilespmem:s21+$0x80] =	vst v2;
	v2 =	vmul.f32 v59, v31  }
0x107: {  	[tilespmem:s21+$0x90] =	vst v3;
	v3 =	vmul.f32 v60, v1  }
0x108: {  	[tilespmem:s21+$0xA0] =	vst v2;
	v2 =	vmul.f32 v61, v1  }
0x109: {  	[tilespmem:s21+$0xC0] =	vst v3;
	v3 =	vmul.f32 v62, v1  }
0x10a: {  	v1 =	vmul.f32 v63, v1;
	[tilespmem:s21+$0xD0] =	vst v2  }
.Ltmp4:
0x10b: {  	[tilespmem:s21+$0xE0] =	vst v3;
	(pc) =	sbr.rel @p0 .LBB2_9-.Ltmp4, $4  }
0x10c: {  	s22 =	sadd.s32 $0x2800, s12;
	[tilespmem:s21+$0xF0] =	vst v1  }
0x10d: {  	[spmem:s2] =	stream.indirect.scatter.add.f32 [tilespmem:s26], [sflag:$0x4], $0x40, s22, s30, $0xb8;
	[tilespmem:$0x1D800] =	vst v63  }
0x10e: {  	s23 =	sadd.s32 $0x2880, s12  }
0x10f: {  	[spmem:s2] =	stream.indirect.scatter.add.f32 [tilespmem:s31], [sflag:$0x4], $0x40, s23, s30, $0xb8;
	[tilespmem:$0x1D800] =	vst v63  }
0x110: {  	p0 =	seq.s32 s11, $0xD  }
.Ltmp5:
0x111: {  	_ = 	snop;
	(pc) =	sbr.rel @p0 .LBB2_15-.Ltmp5, $1  }
0x112: {  	_ =	sdelay $0x3  }
0x113: {  	_ =	swait.ge [sflag:s9], $0x2000  }
0x114: {  	[sflag:s9] =	ssyncset.done $0x0  }
0x115: {  	[sflag:s9] =	ssyncadd.s32 $0xFFFFE000  }
0x116: {  	_ =	swait.ge [sflag:s9], $0x2000  }
0x117: {  	[sflag:s9] =	ssyncset.done $0x0  }
0x118: {  	[sflag:s9] =	ssyncadd.s32 $0xFFFFE000  }
.LBB2_9:
0x119: {  	s13 =	sadd.s32 $0x200, s12  }
0x11a: {  	[tilespmem:s0], [sflag:$0x3] =	stream.indirect.gather [hbm4b:s4+s30], $0x40, s13, s30, $0xb8;
	[tilespmem:$0x1D800] =	vst v63  }
0x11b: {  	s15 =	sadd.s32 $0x280, s12;
	s14 =	simm.s32 $0x0;
	s16 =	simm.s32 $0x1  }
0x11c: {  	v1 =	vmov s14;
	[tilespmem:s19], [sflag:$0x3] =	stream.indirect.gather [hbm4b:s4+s30], $0x40, s15, s30, $0xb8;
	[tilespmem:$0x1D800] =	vst v63  }
0x11d: {  	s17 =	simm.s32 $0x3;
	v2 =	vmov s16;
	v1 =	vand.u32 $0xFFFFFFFC, v1;
	_ =	swait.ge [sflag:s20], $0x2000  }
0x11e: {  	s13 =	smul.u32 $0xC00, s11;
	v3 =	vmov s17;
	v2 =	vand.u32 $0xFFFFFFFD, v2;
	v1 =	vbroadcast v1, $0x0;
	[sflag:s20] =	ssyncset.done $0x0  }
0x11f: {  	s15 =	simm.s32 $0x2;
	v5 =	vbroadcast v2, $0x0;
	[sflag:s20] =	ssyncadd.s32 $0xFFFFE000  }
0x120: {  	s18 =	sadd.s32 $0x400, s13;
	v4 =	vmov s15;
	_ =	swait.ge [sflag:s20], $0x2000  }
0x121: {  	s14 =	sshra.s32 s18, $0x2;
	v2 =	vand.u32 $0xFFFFFFFE, v4;
	[sflag:s20] =	ssyncset.done $0x0  }
0x122: {  	s17 =	sadd.s32 $0x5000, s14;
	v2 =	vbroadcast v2, $0x0;
	[sflag:s20] =	ssyncadd.s32 $0xFFFFE000  }
0x123: {  	v4 =	vld.idx.msk [tilespmem:v3+s17+$0x0], $0xffff  }
0x124: {  	v6 =	vld.idx.msk [tilespmem:v1+s17+$0x0], $0xffff  }
0x125: {  	s16 =	simm.s32 $0xD8F0;
	v7 =	vld.idx.msk [tilespmem:v5+s17+$0x0], $0xffff  }
0x126: {  	v9 =	vld [tilespmem:s16+$0xFFFFDF90]  }
0x127: {  	v10 =	vld [tilespmem:s16+$0xFFFFDFA0]  }
0x128: {  	v8 =	vld.idx.msk [tilespmem:v2+s17+$0x0], $0xffff  }
0x129: {  	v11 =	vld [tilespmem:s16+$0xFFFFDFB0]  }
0x12a: {  	v12 =	vld [tilespmem:s16+$0xFFFFDFC0]  }
0x12b: {  	v13 =	vld [tilespmem:s16+$0xFFFFDF10]  }
0x12c: {  	v14 =	vld [tilespmem:s16+$0xFFFFDF20]  }
0x12d: {  	v15 =	vld [tilespmem:s16+$0xFFFFDF30];
	v9 =	vmul.f32 v9, v8  }
0x12e: {  	v16 =	vld [tilespmem:s16+$0xFFFFDF40];
	v10 =	vmul.f32 v10, v8  }
0x12f: {  	[tilespmem:s16+$0xFFFFDF90] =	vst v9;
	v9 =	vmul.f32 v11, v8;
	v11 =	vld [tilespmem:s16+$0xFFFFDF50]  }
0x130: {  	[tilespmem:s16+$0xFFFFDFA0] =	vst v10;
	v8 =	vmul.f32 v12, v8;
	v10 =	vld [tilespmem:s16+$0xFFFFDF60]  }
0x131: {  	v12 =	vmul.f32 v14, v6;
	v14 =	vld [tilespmem:s16+$0xFFFFDF80];
	[tilespmem:s16+$0xFFFFDFB0] =	vst v9  }
0x132: {  	v9 =	vld [tilespmem:s16+$0xFFFFDF70];
	[tilespmem:s16+$0xFFFFDFC0] =	vst v8;
	v8 =	vmul.f32 v13, v6  }
0x133: {  	v13 =	vld [tilespmem:s16+$0xFFFFFFC0];
	[tilespmem:s16+$0xFFFFDF20] =	vst v12  }
0x134: {  	s15 =	sadd.s32 $0x5080, s14;
	v12 =	vld [tilespmem:s16+$0xFFFFDFD0];
	[tilespmem:s16+$0xFFFFDF10] =	vst v8;
	v8 =	vmul.f32 v15, v6  }
0x135: {  	v2 =	vld.idx.msk [tilespmem:v2+s15+$0x0], $0xffff;
	v6 =	vmul.f32 v16, v6  }
0x136: {  	[tilespmem:s16+$0xFFFFDF30] =	vst v8;
	v8 =	vmul.f32 v11, v7;
	v11 =	vld [tilespmem:s16+$0xFFFFDFE0]  }
0x137: {  	[tilespmem:s16+$0xFFFFDF40] =	vst v6;
	v6 =	vmul.f32 v10, v7;
	v10 =	vld [tilespmem:s16+$0xFFFFDFF0]  }
0x138: {  	v1 =	vld.idx.msk [tilespmem:v1+s15+$0x0], $0xffff;
	[tilespmem:s16+$0xFFFFDF50] =	vst v8;
	v8 =	vmul.f32 v9, v7  }
0x139: {  	v9 =	vld [tilespmem:s16+$0xFFFFE000];
	[tilespmem:s16+$0xFFFFDF60] =	vst v6;
	v6 =	vmul.f32 v14, v7  }
0x13a: {  	v7 =	vld [tilespmem:s16+$0xFFFFFF10];
	[tilespmem:s16+$0xFFFFDF70] =	vst v8  }
0x13b: {  	v8 =	vmul.f32 v12, v4;
	v12 =	vld [tilespmem:s16+$0xFFFFFF20];
	[tilespmem:s16+$0xFFFFDF80] =	vst v6  }
0x13c: {  	v6 =	vmul.f32 v11, v4;
	v14 =	vld.idx.msk [tilespmem:v5+s15+$0x0], $0xffff  }
0x13d: {  	v5 =	vmul.f32 v10, v4;
	v10 =	vld [tilespmem:s16+$0xFFFFFF60];
	[tilespmem:s16+$0xFFFFDFD0] =	vst v8  }
0x13e: {  	v8 =	vld [tilespmem:s16+$0xFFFFFF30];
	[tilespmem:s16+$0xFFFFDFE0] =	vst v6;
	v4 =	vmul.f32 v9, v4  }
0x13f: {  	v6 =	vld [tilespmem:s16+$0xFFFFFF40];
	[tilespmem:s16+$0xFFFFDFF0] =	vst v5  }
0x140: {  	v9 =	vld [tilespmem:s16+$0xFFFFFF50];
	[tilespmem:s16+$0xFFFFE000] =	vst v4;
	v4 =	vmul.f32 v13, v2  }
0x141: {  	v5 =	vld.idx.msk [tilespmem:v3+s15+$0x0], $0xffff;
	v3 =	vmul.f32 v7, v1  }
0x142: {  	s18 =	simm.s32 $0x4;
	[tilespmem:s16+$0xFFFFFFC0] =	vst v4;
	v4 =	vmul.f32 v12, v1  }
0x143: {  	v7 =	vmov s18;
	v12 =	vld [tilespmem:s16+$0xFFFFFF70];
	[tilespmem:s16+$0xFFFFFF10] =	vst v3;
	v3 =	vmul.f32 v8, v1  }
0x144: {  	s21 =	simm.s32 $0x5;
	v13 =	vld [tilespmem:s16+$0xFFFFFF80];
	v1 =	vmul.f32 v6, v1;
	[tilespmem:s16+$0xFFFFFF20] =	vst v4;
	v4 =	vand.u32 $0xFFFFFFFC, v7  }
0x145: {  	v7 =	vld [tilespmem:s16+$0xFFFFFF90];
	[tilespmem:s16+$0xFFFFFF30] =	vst v3;
	v3 =	vbroadcast v4, $0x0;
	v4 =	vmov s21  }
0x146: {  	s22 =	simm.s32 $0x6;
	s23 =	simm.s32 $0x7;
	v10 =	vmul.f32 v10, v14;
	v6 =	vmul.f32 v9, v14;
	v9 =	vld [tilespmem:s16+$0xFFFFFFA0];
	[tilespmem:s16+$0xFFFFFF40] =	vst v1;
	v1 =	vand.u32 $0xFFFFFFFD, v4  }
0x147: {  	v11 =	vld [tilespmem:s16+$0xFFFFFFB0];
	v8 =	vmov s22;
	v4 =	vbroadcast v1, $0x0;
	v1 =	vmov s23  }
0x148: {  	[tilespmem:s16+$0xFFFFFF50] =	vst v6;
	v6 =	vand.u32 $0xFFFFFFFE, v8;
	v8 =	vld [tilespmem:s16+$0xFFFFFFD0];
	v12 =	vmul.f32 v12, v14  }
0x149: {  	s18 =	simm.s32 $0xD8F0;
	[tilespmem:s16+$0xFFFFFF60] =	vst v10;
	v10 =	vld [tilespmem:s16+$0xFFFFFFE0];
	s21 =	simm.s32 $0x8;
	v13 =	vmul.f32 v13, v14;
	v6 =	vbroadcast v6, $0x0  }
.LBB2_10:
0x14a: {  	p0 =	slt.u32 s21, $0x7C;
	[tilespmem:s16+$0xFFFFFF70] =	vst v12;
	v7 =	vmul.f32 v7, v2;
	v12 =	vld [tilespmem:s16+$0xFFFFFFF0]  }
0x14b: {  	[tilespmem:s16+$0xFFFFFF80] =	vst v13;
	v9 =	vmul.f32 v9, v2;
	v13 =	vld [tilespmem:s16+$0x0]  }
0x14c: {  	v14 =	vld.idx.msk [tilespmem:v1+s17+$0x0], $0xffff;
	[tilespmem:s16+$0xFFFFFF90] =	vst v7;
	v2 =	vmul.f32 v11, v2  }
0x14d: {  	v7 =	vld.idx.msk [tilespmem:v3+s17+$0x0], $0xffff;
	[tilespmem:s16+$0xFFFFFFA0] =	vst v9;
	v8 =	vmul.f32 v8, v5  }
0x14e: {  	v9 =	vld.idx.msk [tilespmem:v4+s17+$0x0], $0xffff;
	[tilespmem:s16+$0xFFFFFFB0] =	vst v2;
	v2 =	vmul.f32 v10, v5  }
0x14f: {  	s16 =	sadd.s32 $0x100, s16;
	v10 =	vld.idx.msk [tilespmem:v6+s17+$0x0], $0xffff;
	[tilespmem:s18+$0xFFFFFFD0] =	vst v8;
	v8 =	vmul.f32 v12, v5  }
0x150: {  	v11 =	vld [tilespmem:s16+$0xFFFFDF90];
	[tilespmem:s18+$0xFFFFFFE0] =	vst v2;
	v2 =	vmul.f32 v13, v5  }
0x151: {  	v5 =	vld [tilespmem:s16+$0xFFFFDFA0];
	[tilespmem:s18+$0xFFFFFFF0] =	vst v8  }
0x152: {  	v8 =	vld [tilespmem:s16+$0xFFFFDFB0];
	[tilespmem:s18+$0x0] =	vst v2;
	s18 =	smov.u32 s16  }
0x153: {  	v2 =	vld [tilespmem:s16+$0xFFFFDFC0]  }
0x154: {  	v12 =	vld [tilespmem:s16+$0xFFFFDF10]  }
0x155: {  	v13 =	vld [tilespmem:s16+$0xFFFFDF20];
	v11 =	vmul.f32 v11, v10  }
0x156: {  	v15 =	vld [tilespmem:s16+$0xFFFFDF30];
	v5 =	vmul.f32 v5, v10  }
0x157: {  	v16 =	vld [tilespmem:s16+$0xFFFFDF40];
	[tilespmem:s16+$0xFFFFDF90] =	vst v11;
	v8 =	vmul.f32 v8, v10  }
0x158: {  	v11 =	vld [tilespmem:s16+$0xFFFFDF50];
	[tilespmem:s16+$0xFFFFDFA0] =	vst v5;
	v2 =	vmul.f32 v2, v10  }
0x159: {  	v5 =	vmul.f32 v12, v7;
	v10 =	vld [tilespmem:s16+$0xFFFFDF60];
	[tilespmem:s16+$0xFFFFDFB0] =	vst v8  }
0x15a: {  	v8 =	vmul.f32 v13, v7;
	v12 =	vld [tilespmem:s16+$0xFFFFDF70];
	[tilespmem:s16+$0xFFFFDFC0] =	vst v2  }
0x15b: {  	[tilespmem:s16+$0xFFFFDF10] =	vst v5;
	v5 =	vmul.f32 v15, v7;
	v2 =	vld.idx.msk [tilespmem:v6+s15+$0x0], $0xffff  }
0x15c: {  	[tilespmem:s16+$0xFFFFDF20] =	vst v8;
	v6 =	vmul.f32 v16, v7;
	v7 =	vld [tilespmem:s16+$0xFFFFFFC0]  }
0x15d: {  	[tilespmem:s16+$0xFFFFDF30] =	vst v5;
	v5 =	vmul.f32 v11, v9;
	v8 =	vld [tilespmem:s16+$0xFFFFDF80]  }
0x15e: {  	[tilespmem:s16+$0xFFFFDF40] =	vst v6;
	v6 =	vmul.f32 v10, v9;
	v10 =	vld [tilespmem:s16+$0xFFFFDFD0]  }
0x15f: {  	[tilespmem:s16+$0xFFFFDF50] =	vst v5;
	v5 =	vmul.f32 v12, v9;
	v11 =	vld [tilespmem:s16+$0xFFFFDFE0]  }
0x160: {  	[tilespmem:s16+$0xFFFFDF60] =	vst v6;
	v6 =	vld [tilespmem:s16+$0xFFFFDFF0]  }
0x161: {  	[tilespmem:s16+$0xFFFFDF70] =	vst v5;
	v5 =	vmul.f32 v7, v2;
	v7 =	vld [tilespmem:s16+$0xFFFFE000]  }
0x162: {  	v3 =	vld.idx.msk [tilespmem:v3+s15+$0x0], $0xffff;
	v8 =	vmul.f32 v8, v9  }
0x163: {  	v9 =	vld [tilespmem:s16+$0xFFFFFF10];
	[tilespmem:s16+$0xFFFFFFC0] =	vst v5;
	v5 =	vmul.f32 v10, v14  }
0x164: {  	v10 =	vld [tilespmem:s16+$0xFFFFFF20];
	[tilespmem:s16+$0xFFFFDF80] =	vst v8;
	v8 =	vmul.f32 v11, v14  }
0x165: {  	v13 =	vld.idx.msk [tilespmem:v4+s15+$0x0], $0xffff;
	[tilespmem:s16+$0xFFFFDFD0] =	vst v5;
	v4 =	vmul.f32 v6, v14  }
0x166: {  	v6 =	vld [tilespmem:s16+$0xFFFFFF30];
	[tilespmem:s16+$0xFFFFDFE0] =	vst v8;
	v5 =	vmul.f32 v7, v14  }
0x167: {  	v7 =	vld [tilespmem:s16+$0xFFFFFF40];
	[tilespmem:s16+$0xFFFFDFF0] =	vst v4  }
0x168: {  	v4 =	vmul.f32 v9, v3;
	v8 =	vld [tilespmem:s16+$0xFFFFFF50];
	[tilespmem:s16+$0xFFFFE000] =	vst v5  }
0x169: {  	v9 =	vmul.f32 v10, v3;
	v5 =	vld.idx.msk [tilespmem:v1+s15+$0x0], $0xffff  }
0x16a: {  	[tilespmem:s16+$0xFFFFFF10] =	vst v4;
	v4 =	vld [tilespmem:s16+$0xFFFFFF60]  }
0x16b: {  	[tilespmem:s16+$0xFFFFFF20] =	vst v9;
	v1 =	vmul.f32 v6, v3;
	v6 =	vld [tilespmem:s16+$0xFFFFFF70]  }
0x16c: {  	v9 =	vmov s21;
	v10 =	vmul.f32 v7, v3;
	v14 =	vld [tilespmem:s16+$0xFFFFFF80]  }
.Ltmp6:
0x16d: {  	s22 =	sadd.s32 $0x1, s21;
	s23 =	sadd.s32 $0x3, s21;
	v3 =	vand.u32 $0xFFFFFFFC, v9;
	[tilespmem:s16+$0xFFFFFF30] =	vst v1;
	v8 =	vmul.f32 v8, v13;
	v7 =	vld [tilespmem:s16+$0xFFFFFF90];
	(pc) =	sbr.rel @p0 .LBB2_10-.Ltmp6, $4  }
0x16e: {  	v11 =	vmov s22;
	s22 =	sadd.s32 $0x2, s21;
	v3 =	vbroadcast v3, $0x0;
	v1 =	vmov s23;
	[tilespmem:s16+$0xFFFFFF40] =	vst v10;
	v9 =	vld [tilespmem:s16+$0xFFFFFFA0]  }
0x16f: {  	v12 =	vmov s22;
	v10 =	vand.u32 $0xFFFFFFFD, v11;
	[tilespmem:s16+$0xFFFFFF50] =	vst v8;
	v15 =	vmul.f32 v4, v13;
	v11 =	vld [tilespmem:s16+$0xFFFFFFB0]  }
0x170: {  	v4 =	vbroadcast v10, $0x0;
	v10 =	vand.u32 $0xFFFFFFFE, v12;
	v12 =	vmul.f32 v6, v13;
	v8 =	vld [tilespmem:s16+$0xFFFFFFD0]  }
0x171: {  	s21 =	sadd.s32 $0x4, s21;
	v6 =	vbroadcast v10, $0x0;
	[tilespmem:s16+$0xFFFFFF60] =	vst v15;
	v13 =	vmul.f32 v14, v13;
	v10 =	vld [tilespmem:s16+$0xFFFFFFE0]  }
0x172: {  	_ =	sdelay $0x1  }
0x173: {  	v14 =	vld [tilespmem:s16+$0xFFFFFFF0]  }
0x174: {  	v15 =	vld [tilespmem:s16+$0x0]  }
0x175: {  	v16 =	vld.idx.msk [tilespmem:v1+s17+$0x0], $0xffff  }
0x176: {  	v17 =	vld.idx.msk [tilespmem:v3+s17+$0x0], $0xffff  }
0x177: {  	v18 =	vld.idx.msk [tilespmem:v4+s17+$0x0], $0xffff  }
0x178: {  	s21 =	sadd.s32 $0x100, s16;
	v19 =	vld.idx.msk [tilespmem:v6+s17+$0x0], $0xffff  }
0x179: {  	v20 =	vld [tilespmem:s21+$0xFFFFDF90]  }
0x17a: {  	v21 =	vld [tilespmem:s21+$0xFFFFDFA0]  }
0x17b: {  	[tilespmem:s16+$0xFFFFFF70] =	vst v12;
	v7 =	vmul.f32 v7, v2;
	v61 =	vld [tilespmem:s21+$0xFFFFDFB0]  }
0x17c: {  	[tilespmem:s16+$0xFFFFFF80] =	vst v13;
	v9 =	vmul.f32 v9, v2;
	v62 =	vld [tilespmem:s21+$0xFFFFDFC0]  }
0x17d: {  	v63 =	vld [tilespmem:s21+$0xFFFFDF10];
	[tilespmem:s16+$0xFFFFFF90] =	vst v7;
	v2 =	vmul.f32 v11, v2  }
0x17e: {  	v24 =	vld [tilespmem:s21+$0xFFFFDF20];
	[tilespmem:s16+$0xFFFFFFA0] =	vst v9;
	v8 =	vmul.f32 v8, v5  }
0x17f: {  	v27 =	vld [tilespmem:s21+$0xFFFFDF40];
	[tilespmem:s16+$0xFFFFFFB0] =	vst v2;
	v10 =	vmul.f32 v10, v5  }
0x180: {  	v28 =	vld [tilespmem:s21+$0xFFFFDF50];
	[tilespmem:s18+$0xFFFFFFD0] =	vst v8;
	v48 =	vmul.f32 v14, v5  }
0x181: {  	v29 =	vld [tilespmem:s21+$0xFFFFDF60];
	v50 =	vmul.f32 v15, v5;
	[tilespmem:s18+$0xFFFFFFE0] =	vst v10  }
0x182: {  	v30 =	vld [tilespmem:s21+$0xFFFFDF70];
	v25 =	vmul.f32 v20, v19;
	[tilespmem:s18+$0xFFFFFFF0] =	vst v48  }
0x183: {  	v2 =	vld [tilespmem:s21+$0xFFFFDF30];
	v26 =	vmul.f32 v21, v19;
	[tilespmem:s18+$0x0] =	vst v50  }
0x184: {  	v33 =	vld [tilespmem:s21+$0xFFFFFFC0];
	v12 =	vmul.f32 v61, v19;
	[tilespmem:s21+$0xFFFFDF90] =	vst v25  }
0x185: {  	v34 =	vld [tilespmem:s21+$0xFFFFDF80];
	v13 =	vmul.f32 v62, v19;
	[tilespmem:s21+$0xFFFFDFA0] =	vst v26  }
0x186: {  	v36 =	vld [tilespmem:s21+$0xFFFFDFD0];
	v7 =	vmul.f32 v63, v17;
	[tilespmem:s21+$0xFFFFDFB0] =	vst v12  }
0x187: {  	v37 =	vld [tilespmem:s21+$0xFFFFDFE0];
	v32 =	vmul.f32 v24, v17;
	[tilespmem:s21+$0xFFFFDFC0] =	vst v13  }
0x188: {  	v39 =	vld [tilespmem:s21+$0xFFFFDFF0];
	[tilespmem:s21+$0xFFFFDF10] =	vst v7;
	v2 =	vmul.f32 v2, v17  }
0x189: {  	v40 =	vld [tilespmem:s21+$0xFFFFE000];
	v35 =	vmul.f32 v27, v17;
	[tilespmem:s21+$0xFFFFDF20] =	vst v32  }
0x18a: {  	v42 =	vld [tilespmem:s21+$0xFFFFFF20];
	[tilespmem:s21+$0xFFFFDF30] =	vst v2;
	v2 =	vmul.f32 v28, v18  }
0x18b: {  	v46 =	vld [tilespmem:s21+$0xFFFFFF30];
	v38 =	vmul.f32 v29, v18;
	[tilespmem:s21+$0xFFFFDF40] =	vst v35  }
0x18c: {  	v31 =	vld.idx.msk [tilespmem:v6+s15+$0x0], $0xffff;
	[tilespmem:s21+$0xFFFFDF50] =	vst v2;
	v2 =	vmul.f32 v30, v18  }
0x18d: {  	v41 =	vmul.f32 v36, v16;
	[tilespmem:s21+$0xFFFFDF60] =	vst v38;
	v3 =	vld.idx.msk [tilespmem:v3+s15+$0x0], $0xffff  }
0x18e: {  	v43 =	vmul.f32 v37, v16;
	[tilespmem:s21+$0xFFFFDF70] =	vst v2;
	v2 =	vld [tilespmem:s21+$0xFFFFFF10]  }
0x18f: {  	v49 =	vld [tilespmem:s21+$0xFFFFFF40];
	v7 =	vmul.f32 v34, v18;
	[tilespmem:s21+$0xFFFFDFD0] =	vst v41  }
0x190: {  	v51 =	vld [tilespmem:s21+$0xFFFFFF50];
	v45 =	vmul.f32 v39, v16;
	[tilespmem:s21+$0xFFFFDFE0] =	vst v43  }
0x191: {  	v53 =	vld [tilespmem:s21+$0xFFFFFF60];
	v47 =	vmul.f32 v40, v16;
	[tilespmem:s21+$0xFFFFDF80] =	vst v7  }
0x192: {  	[tilespmem:s21+$0xFFFFDFF0] =	vst v45;
	v52 =	vmul.f32 v33, v31;
	v44 =	vld.idx.msk [tilespmem:v4+s15+$0x0], $0xffff  }
0x193: {  	v55 =	vld [tilespmem:s21+$0xFFFFFF70];
	[tilespmem:s21+$0xFFFFE000] =	vst v47;
	v2 =	vmul.f32 v2, v3  }
0x194: {  	v56 =	vld [tilespmem:s21+$0xFFFFFF80];
	[tilespmem:s21+$0xFFFFFFC0] =	vst v52;
	v54 =	vmul.f32 v42, v3  }
0x195: {  	v57 =	vld [tilespmem:s21+$0xFFFFFF90];
	[tilespmem:s21+$0xFFFFFF10] =	vst v2;
	v2 =	vmul.f32 v46, v3  }
0x196: {  	v58 =	vld [tilespmem:s21+$0xFFFFFFA0];
	[tilespmem:s21+$0xFFFFFF20] =	vst v54;
	v3 =	vmul.f32 v49, v3  }
0x197: {  	v59 =	vld [tilespmem:s21+$0xFFFFFFB0];
	[tilespmem:s21+$0xFFFFFF30] =	vst v2;
	v2 =	vmul.f32 v51, v44  }
0x198: {  	v60 =	vld [tilespmem:s21+$0xFFFFFFD0];
	[tilespmem:s21+$0xFFFFFF40] =	vst v3;
	v3 =	vmul.f32 v53, v44  }
0x199: {  	v1 =	vld.idx.msk [tilespmem:v1+s15+$0x0], $0xffff;
	[tilespmem:s21+$0xFFFFFF50] =	vst v2;
	v2 =	vmul.f32 v55, v44  }
0x19a: {  	v61 =	vld [tilespmem:s21+$0xFFFFFFE0];
	[tilespmem:s21+$0xFFFFFF60] =	vst v3;
	v3 =	vmul.f32 v56, v44  }
0x19b: {  	v62 =	vld [tilespmem:s21+$0xFFFFFFF0];
	[tilespmem:s21+$0xFFFFFF70] =	vst v2;
	v2 =	vmul.f32 v57, v31  }
0x19c: {  	v63 =	vld [tilespmem:s21+$0x0];
	[tilespmem:s21+$0xFFFFFF80] =	vst v3;
	v3 =	vmul.f32 v58, v31  }
0x19d: {  	[tilespmem:s21+$0xFFFFFF90] =	vst v2;
	v2 =	vmul.f32 v59, v31  }
0x19e: {  	[tilespmem:s21+$0xFFFFFFA0] =	vst v3;
	v3 =	vmul.f32 v60, v1  }
0x19f: {  	[tilespmem:s21+$0xFFFFFFB0] =	vst v2;
	v2 =	vmul.f32 v61, v1  }
0x1a0: {  	[tilespmem:s21+$0xFFFFFFD0] =	vst v3;
	v3 =	vmul.f32 v62, v1  }
0x1a1: {  	p0 =	seq.s32 s11, $0xD;
	v1 =	vmul.f32 v63, v1;
	[tilespmem:s21+$0xFFFFFFE0] =	vst v2  }
.Ltmp7:
0x1a2: {  	[tilespmem:s21+$0xFFFFFFF0] =	vst v3;
	(pc) =	sbr.rel @p0 .LBB2_15-.Ltmp7, $4  }
0x1a3: {  	s22 =	sadd.s32 $0x2800, s14;
	[tilespmem:s21+$0x0] =	vst v1  }
0x1a4: {  	[spmem:s2] =	stream.indirect.scatter.add.f32 [tilespmem:s1], [sflag:$0x5], $0x40, s22, s30, $0xb8;
	[tilespmem:$0x1D800] =	vst v63  }
0x1a5: {  	s23 =	sadd.s32 $0x2880, s14  }
0x1a6: {  	[spmem:s2] =	stream.indirect.scatter.add.f32 [tilespmem:s5], [sflag:$0x5], $0x40, s23, s30, $0xb8;
	[tilespmem:$0x1D800] =	vst v63  }
0x1a7: {  	_ =	swait.ge [sflag:s6], $0x2000  }
0x1a8: {  	[sflag:s6] =	ssyncset.done $0x0  }
0x1a9: {  	[sflag:s6] =	ssyncadd.s32 $0xFFFFE000  }
0x1aa: {  	_ =	swait.ge [sflag:s6], $0x2000  }
0x1ab: {  	[sflag:s6] =	ssyncset.done $0x0  }
0x1ac: {  	s14 =	sadd.s32 $0x300, s12;
	s22 =	sadd.s32 $0x380, s12;
	[sflag:s6] =	ssyncadd.s32 $0xFFFFE000  }
0x1ad: {  	[tilespmem:s26], [sflag:$0x1] =	stream.indirect.gather [hbm4b:s4+s30], $0x40, s14, s30, $0xb8;
	[tilespmem:$0x1D800] =	vst v63  }
0x1ae: {  	s23 =	simm.s32 $0x0;
	s15 =	simm.s32 $0x1;
	s16 =	simm.s32 $0x3  }
0x1af: {  	v1 =	vmov s23;
	[tilespmem:s31], [sflag:$0x1] =	stream.indirect.gather [hbm4b:s4+s30], $0x40, s22, s30, $0xb8;
	[tilespmem:$0x1D800] =	vst v63  }
0x1b0: {  	s17 =	simm.s32 $0x2;
	v2 =	vmov s15;
	v3 =	vmov s16;
	v1 =	vand.u32 $0xFFFFFFFC, v1;
	_ =	swait.ge [sflag:s7], $0x2000  }
0x1b1: {  	v4 =	vmov s17;
	v2 =	vand.u32 $0xFFFFFFFD, v2;
	v1 =	vbroadcast v1, $0x0;
	[sflag:s7] =	ssyncset.done $0x0  }
0x1b2: {  	v5 =	vbroadcast v2, $0x0;
	v2 =	vand.u32 $0xFFFFFFFE, v4;
	[sflag:s7] =	ssyncadd.s32 $0xFFFFE000  }
0x1b3: {  	s18 =	sadd.s32 $0x800, s13;
	v2 =	vbroadcast v2, $0x0;
	_ =	swait.ge [sflag:s7], $0x2000  }
0x1b4: {  	s12 =	sshra.s32 s18, $0x2;
	[sflag:s7] =	ssyncset.done $0x0  }
0x1b5: {  	s15 =	sadd.s32 $0x5000, s12;
	[sflag:s7] =	ssyncadd.s32 $0xFFFFE000  }
0x1b6: {  	v4 =	vld.idx.msk [tilespmem:v3+s15+$0x0], $0xffff  }
0x1b7: {  	v6 =	vld.idx.msk [tilespmem:v1+s15+$0x0], $0xffff  }
0x1b8: {  	v7 =	vld.idx.msk [tilespmem:v5+s15+$0x0], $0xffff  }
0x1b9: {  	s14 =	simm.s32 $0x118F0;
	v8 =	vld.idx.msk [tilespmem:v2+s15+$0x0], $0xffff  }
0x1ba: {  	v9 =	vld [tilespmem:s14+$0xFFFFDF90]  }
0x1bb: {  	v10 =	vld [tilespmem:s14+$0xFFFFDFA0]  }
0x1bc: {  	v11 =	vld [tilespmem:s14+$0xFFFFDFB0]  }
0x1bd: {  	v12 =	vld [tilespmem:s14+$0xFFFFDFC0]  }
0x1be: {  	v13 =	vld [tilespmem:s14+$0xFFFFDF10]  }
0x1bf: {  	v14 =	vld [tilespmem:s14+$0xFFFFDF20]  }
0x1c0: {  	v15 =	vld [tilespmem:s14+$0xFFFFDF30];
	v9 =	vmul.f32 v9, v8  }
0x1c1: {  	v16 =	vld [tilespmem:s14+$0xFFFFDF40];
	v10 =	vmul.f32 v10, v8  }
0x1c2: {  	[tilespmem:s14+$0xFFFFDF90] =	vst v9;
	v9 =	vmul.f32 v11, v8;
	v11 =	vld [tilespmem:s14+$0xFFFFDF50]  }
0x1c3: {  	[tilespmem:s14+$0xFFFFDFA0] =	vst v10;
	v8 =	vmul.f32 v12, v8;
	v10 =	vld [tilespmem:s14+$0xFFFFDF60]  }
0x1c4: {  	v12 =	vmul.f32 v14, v6;
	v14 =	vld [tilespmem:s14+$0xFFFFDF80];
	[tilespmem:s14+$0xFFFFDFB0] =	vst v9  }
0x1c5: {  	v9 =	vld [tilespmem:s14+$0xFFFFDF70];
	[tilespmem:s14+$0xFFFFDFC0] =	vst v8;
	v8 =	vmul.f32 v13, v6  }
0x1c6: {  	v13 =	vld [tilespmem:s14+$0xFFFFFFC0];
	[tilespmem:s14+$0xFFFFDF20] =	vst v12  }
0x1c7: {  	s13 =	sadd.s32 $0x5080, s12;
	v12 =	vld [tilespmem:s14+$0xFFFFDFD0];
	[tilespmem:s14+$0xFFFFDF10] =	vst v8;
	v8 =	vmul.f32 v15, v6  }
0x1c8: {  	v2 =	vld.idx.msk [tilespmem:v2+s13+$0x0], $0xffff;
	v6 =	vmul.f32 v16, v6  }
0x1c9: {  	[tilespmem:s14+$0xFFFFDF30] =	vst v8;
	v8 =	vmul.f32 v11, v7;
	v11 =	vld [tilespmem:s14+$0xFFFFDFE0]  }
0x1ca: {  	[tilespmem:s14+$0xFFFFDF40] =	vst v6;
	v6 =	vmul.f32 v10, v7;
	v10 =	vld [tilespmem:s14+$0xFFFFDFF0]  }
0x1cb: {  	v1 =	vld.idx.msk [tilespmem:v1+s13+$0x0], $0xffff;
	[tilespmem:s14+$0xFFFFDF50] =	vst v8;
	v8 =	vmul.f32 v9, v7  }
0x1cc: {  	v9 =	vld [tilespmem:s14+$0xFFFFE000];
	[tilespmem:s14+$0xFFFFDF60] =	vst v6;
	v6 =	vmul.f32 v14, v7  }
0x1cd: {  	v7 =	vld [tilespmem:s14+$0xFFFFFF10];
	[tilespmem:s14+$0xFFFFDF70] =	vst v8  }
0x1ce: {  	v8 =	vmul.f32 v12, v4;
	v12 =	vld [tilespmem:s14+$0xFFFFFF20];
	[tilespmem:s14+$0xFFFFDF80] =	vst v6  }
0x1cf: {  	v6 =	vmul.f32 v11, v4;
	v14 =	vld.idx.msk [tilespmem:v5+s13+$0x0], $0xffff  }
0x1d0: {  	v5 =	vmul.f32 v10, v4;
	v10 =	vld [tilespmem:s14+$0xFFFFFF60];
	[tilespmem:s14+$0xFFFFDFD0] =	vst v8  }
0x1d1: {  	v8 =	vld [tilespmem:s14+$0xFFFFFF30];
	[tilespmem:s14+$0xFFFFDFE0] =	vst v6;
	v4 =	vmul.f32 v9, v4  }
0x1d2: {  	v6 =	vld [tilespmem:s14+$0xFFFFFF40];
	[tilespmem:s14+$0xFFFFDFF0] =	vst v5  }
0x1d3: {  	v9 =	vld [tilespmem:s14+$0xFFFFFF50];
	[tilespmem:s14+$0xFFFFE000] =	vst v4;
	v4 =	vmul.f32 v13, v2  }
0x1d4: {  	v5 =	vld.idx.msk [tilespmem:v3+s13+$0x0], $0xffff;
	v3 =	vmul.f32 v7, v1  }
0x1d5: {  	s16 =	simm.s32 $0x4;
	[tilespmem:s14+$0xFFFFFFC0] =	vst v4;
	v4 =	vmul.f32 v12, v1  }
0x1d6: {  	v7 =	vmov s16;
	v12 =	vld [tilespmem:s14+$0xFFFFFF70];
	[tilespmem:s14+$0xFFFFFF10] =	vst v3;
	v3 =	vmul.f32 v8, v1  }
0x1d7: {  	s21 =	simm.s32 $0x5;
	v13 =	vld [tilespmem:s14+$0xFFFFFF80];
	v1 =	vmul.f32 v6, v1;
	[tilespmem:s14+$0xFFFFFF20] =	vst v4;
	v4 =	vand.u32 $0xFFFFFFFC, v7  }
0x1d8: {  	v7 =	vld [tilespmem:s14+$0xFFFFFF90];
	[tilespmem:s14+$0xFFFFFF30] =	vst v3;
	v3 =	vbroadcast v4, $0x0;
	v4 =	vmov s21  }
0x1d9: {  	s23 =	simm.s32 $0x7;
	s22 =	simm.s32 $0x6;
	v10 =	vmul.f32 v10, v14;
	v6 =	vmul.f32 v9, v14;
	v9 =	vld [tilespmem:s14+$0xFFFFFFA0];
	[tilespmem:s14+$0xFFFFFF40] =	vst v1;
	v1 =	vand.u32 $0xFFFFFFFD, v4  }
0x1da: {  	v11 =	vld [tilespmem:s14+$0xFFFFFFB0];
	v8 =	vmov s22;
	v4 =	vbroadcast v1, $0x0;
	v1 =	vmov s23  }
0x1db: {  	[tilespmem:s14+$0xFFFFFF50] =	vst v6;
	v6 =	vand.u32 $0xFFFFFFFE, v8;
	v8 =	vld [tilespmem:s14+$0xFFFFFFD0];
	v12 =	vmul.f32 v12, v14  }
0x1dc: {  	s17 =	simm.s32 $0x8;
	s16 =	simm.s32 $0x118F0;
	[tilespmem:s14+$0xFFFFFF60] =	vst v10;
	v10 =	vld [tilespmem:s14+$0xFFFFFFE0];
	v13 =	vmul.f32 v13, v14;
	v6 =	vbroadcast v6, $0x0  }
.LBB2_13:
0x1dd: {  	p0 =	slt.u32 s17, $0x7C;
	[tilespmem:s14+$0xFFFFFF70] =	vst v12;
	v7 =	vmul.f32 v7, v2;
	v12 =	vld [tilespmem:s14+$0xFFFFFFF0]  }
0x1de: {  	[tilespmem:s14+$0xFFFFFF80] =	vst v13;
	v9 =	vmul.f32 v9, v2;
	v13 =	vld [tilespmem:s14+$0x0]  }
0x1df: {  	v14 =	vld.idx.msk [tilespmem:v1+s15+$0x0], $0xffff;
	[tilespmem:s14+$0xFFFFFF90] =	vst v7;
	v2 =	vmul.f32 v11, v2  }
0x1e0: {  	v7 =	vld.idx.msk [tilespmem:v3+s15+$0x0], $0xffff;
	[tilespmem:s14+$0xFFFFFFA0] =	vst v9;
	v8 =	vmul.f32 v8, v5  }
0x1e1: {  	v9 =	vld.idx.msk [tilespmem:v4+s15+$0x0], $0xffff;
	[tilespmem:s14+$0xFFFFFFB0] =	vst v2;
	v2 =	vmul.f32 v10, v5  }
0x1e2: {  	s14 =	sadd.s32 $0x100, s14;
	v10 =	vld.idx.msk [tilespmem:v6+s15+$0x0], $0xffff;
	[tilespmem:s16+$0xFFFFFFD0] =	vst v8;
	v8 =	vmul.f32 v12, v5  }
0x1e3: {  	v11 =	vld [tilespmem:s14+$0xFFFFDF90];
	[tilespmem:s16+$0xFFFFFFE0] =	vst v2;
	v2 =	vmul.f32 v13, v5  }
0x1e4: {  	v5 =	vld [tilespmem:s14+$0xFFFFDFA0];
	[tilespmem:s16+$0xFFFFFFF0] =	vst v8  }
0x1e5: {  	v8 =	vld [tilespmem:s14+$0xFFFFDFB0];
	[tilespmem:s16+$0x0] =	vst v2;
	s16 =	smov.u32 s14  }
0x1e6: {  	v2 =	vld [tilespmem:s14+$0xFFFFDFC0]  }
0x1e7: {  	v12 =	vld [tilespmem:s14+$0xFFFFDF10]  }
0x1e8: {  	v13 =	vld [tilespmem:s14+$0xFFFFDF20];
	v11 =	vmul.f32 v11, v10  }
0x1e9: {  	v15 =	vld [tilespmem:s14+$0xFFFFDF30];
	v5 =	vmul.f32 v5, v10  }
0x1ea: {  	v16 =	vld [tilespmem:s14+$0xFFFFDF40];
	[tilespmem:s14+$0xFFFFDF90] =	vst v11;
	v8 =	vmul.f32 v8, v10  }
0x1eb: {  	v11 =	vld [tilespmem:s14+$0xFFFFDF50];
	[tilespmem:s14+$0xFFFFDFA0] =	vst v5;
	v2 =	vmul.f32 v2, v10  }
0x1ec: {  	v5 =	vmul.f32 v12, v7;
	v10 =	vld [tilespmem:s14+$0xFFFFDF60];
	[tilespmem:s14+$0xFFFFDFB0] =	vst v8  }
0x1ed: {  	v8 =	vmul.f32 v13, v7;
	v12 =	vld [tilespmem:s14+$0xFFFFDF70];
	[tilespmem:s14+$0xFFFFDFC0] =	vst v2  }
0x1ee: {  	[tilespmem:s14+$0xFFFFDF10] =	vst v5;
	v5 =	vmul.f32 v15, v7;
	v2 =	vld.idx.msk [tilespmem:v6+s13+$0x0], $0xffff  }
0x1ef: {  	[tilespmem:s14+$0xFFFFDF20] =	vst v8;
	v6 =	vmul.f32 v16, v7;
	v7 =	vld [tilespmem:s14+$0xFFFFFFC0]  }
0x1f0: {  	[tilespmem:s14+$0xFFFFDF30] =	vst v5;
	v5 =	vmul.f32 v11, v9;
	v8 =	vld [tilespmem:s14+$0xFFFFDF80]  }
0x1f1: {  	[tilespmem:s14+$0xFFFFDF40] =	vst v6;
	v6 =	vmul.f32 v10, v9;
	v10 =	vld [tilespmem:s14+$0xFFFFDFD0]  }
0x1f2: {  	[tilespmem:s14+$0xFFFFDF50] =	vst v5;
	v5 =	vmul.f32 v12, v9;
	v11 =	vld [tilespmem:s14+$0xFFFFDFE0]  }
0x1f3: {  	[tilespmem:s14+$0xFFFFDF60] =	vst v6;
	v6 =	vld [tilespmem:s14+$0xFFFFDFF0]  }
0x1f4: {  	[tilespmem:s14+$0xFFFFDF70] =	vst v5;
	v5 =	vmul.f32 v7, v2;
	v7 =	vld [tilespmem:s14+$0xFFFFE000]  }
0x1f5: {  	v3 =	vld.idx.msk [tilespmem:v3+s13+$0x0], $0xffff;
	v8 =	vmul.f32 v8, v9  }
0x1f6: {  	v9 =	vld [tilespmem:s14+$0xFFFFFF10];
	[tilespmem:s14+$0xFFFFFFC0] =	vst v5;
	v5 =	vmul.f32 v10, v14  }
0x1f7: {  	v10 =	vld [tilespmem:s14+$0xFFFFFF20];
	[tilespmem:s14+$0xFFFFDF80] =	vst v8;
	v8 =	vmul.f32 v11, v14  }
0x1f8: {  	v13 =	vld.idx.msk [tilespmem:v4+s13+$0x0], $0xffff;
	[tilespmem:s14+$0xFFFFDFD0] =	vst v5;
	v4 =	vmul.f32 v6, v14  }
0x1f9: {  	v6 =	vld [tilespmem:s14+$0xFFFFFF30];
	[tilespmem:s14+$0xFFFFDFE0] =	vst v8;
	v5 =	vmul.f32 v7, v14  }
0x1fa: {  	v7 =	vld [tilespmem:s14+$0xFFFFFF40];
	[tilespmem:s14+$0xFFFFDFF0] =	vst v4  }
0x1fb: {  	v4 =	vmul.f32 v9, v3;
	v8 =	vld [tilespmem:s14+$0xFFFFFF50];
	[tilespmem:s14+$0xFFFFE000] =	vst v5  }
0x1fc: {  	v9 =	vmul.f32 v10, v3;
	v5 =	vld.idx.msk [tilespmem:v1+s13+$0x0], $0xffff  }
0x1fd: {  	[tilespmem:s14+$0xFFFFFF10] =	vst v4;
	v4 =	vld [tilespmem:s14+$0xFFFFFF60]  }
0x1fe: {  	[tilespmem:s14+$0xFFFFFF20] =	vst v9;
	v1 =	vmul.f32 v6, v3;
	v6 =	vld [tilespmem:s14+$0xFFFFFF70]  }
0x1ff: {  	v9 =	vmov s17;
	v10 =	vmul.f32 v7, v3;
	v14 =	vld [tilespmem:s14+$0xFFFFFF80]  }
.Ltmp8:
0x200: {  	s18 =	sadd.s32 $0x1, s17;
	s21 =	sadd.s32 $0x3, s17;
	v3 =	vand.u32 $0xFFFFFFFC, v9;
	[tilespmem:s14+$0xFFFFFF30] =	vst v1;
	v8 =	vmul.f32 v8, v13;
	v7 =	vld [tilespmem:s14+$0xFFFFFF90];
	(pc) =	sbr.rel @p0 .LBB2_13-.Ltmp8, $4  }
0x201: {  	v11 =	vmov s18;
	s18 =	sadd.s32 $0x2, s17;
	v3 =	vbroadcast v3, $0x0;
	v1 =	vmov s21;
	[tilespmem:s14+$0xFFFFFF40] =	vst v10;
	v9 =	vld [tilespmem:s14+$0xFFFFFFA0]  }
0x202: {  	v12 =	vmov s18;
	v10 =	vand.u32 $0xFFFFFFFD, v11;
	[tilespmem:s14+$0xFFFFFF50] =	vst v8;
	v15 =	vmul.f32 v4, v13;
	v11 =	vld [tilespmem:s14+$0xFFFFFFB0]  }
0x203: {  	v4 =	vbroadcast v10, $0x0;
	v10 =	vand.u32 $0xFFFFFFFE, v12;
	v12 =	vmul.f32 v6, v13;
	v8 =	vld [tilespmem:s14+$0xFFFFFFD0]  }
0x204: {  	s17 =	sadd.s32 $0x4, s17;
	v6 =	vbroadcast v10, $0x0;
	[tilespmem:s14+$0xFFFFFF60] =	vst v15;
	v13 =	vmul.f32 v14, v13;
	v10 =	vld [tilespmem:s14+$0xFFFFFFE0]  }
0x205: {  	_ =	sdelay $0x1  }
0x206: {  	v14 =	vld [tilespmem:s14+$0xFFFFFFF0]  }
0x207: {  	v15 =	vld [tilespmem:s14+$0x0]  }
0x208: {  	v16 =	vld.idx.msk [tilespmem:v1+s15+$0x0], $0xffff  }
0x209: {  	v17 =	vld.idx.msk [tilespmem:v3+s15+$0x0], $0xffff  }
0x20a: {  	v18 =	vld.idx.msk [tilespmem:v4+s15+$0x0], $0xffff  }
0x20b: {  	s21 =	sadd.s32 $0x100, s14;
	v19 =	vld.idx.msk [tilespmem:v6+s15+$0x0], $0xffff  }
0x20c: {  	v20 =	vld [tilespmem:s21+$0xFFFFDF90]  }
0x20d: {  	v21 =	vld [tilespmem:s21+$0xFFFFDFA0]  }
0x20e: {  	[tilespmem:s14+$0xFFFFFF70] =	vst v12;
	v7 =	vmul.f32 v7, v2;
	v61 =	vld [tilespmem:s21+$0xFFFFDFB0]  }
0x20f: {  	[tilespmem:s14+$0xFFFFFF80] =	vst v13;
	v9 =	vmul.f32 v9, v2;
	v62 =	vld [tilespmem:s21+$0xFFFFDFC0]  }
0x210: {  	v63 =	vld [tilespmem:s21+$0xFFFFDF10];
	[tilespmem:s14+$0xFFFFFF90] =	vst v7;
	v2 =	vmul.f32 v11, v2  }
0x211: {  	v24 =	vld [tilespmem:s21+$0xFFFFDF20];
	[tilespmem:s14+$0xFFFFFFA0] =	vst v9;
	v8 =	vmul.f32 v8, v5  }
0x212: {  	v27 =	vld [tilespmem:s21+$0xFFFFDF40];
	[tilespmem:s14+$0xFFFFFFB0] =	vst v2;
	v10 =	vmul.f32 v10, v5  }
0x213: {  	v28 =	vld [tilespmem:s21+$0xFFFFDF50];
	[tilespmem:s16+$0xFFFFFFD0] =	vst v8;
	v48 =	vmul.f32 v14, v5  }
0x214: {  	v29 =	vld [tilespmem:s21+$0xFFFFDF60];
	v50 =	vmul.f32 v15, v5;
	[tilespmem:s16+$0xFFFFFFE0] =	vst v10  }
0x215: {  	v30 =	vld [tilespmem:s21+$0xFFFFDF70];
	v25 =	vmul.f32 v20, v19;
	[tilespmem:s16+$0xFFFFFFF0] =	vst v48  }
0x216: {  	v2 =	vld [tilespmem:s21+$0xFFFFDF30];
	v26 =	vmul.f32 v21, v19;
	[tilespmem:s16+$0x0] =	vst v50  }
0x217: {  	v33 =	vld [tilespmem:s21+$0xFFFFFFC0];
	v12 =	vmul.f32 v61, v19;
	[tilespmem:s21+$0xFFFFDF90] =	vst v25  }
0x218: {  	v34 =	vld [tilespmem:s21+$0xFFFFDF80];
	v13 =	vmul.f32 v62, v19;
	[tilespmem:s21+$0xFFFFDFA0] =	vst v26  }
0x219: {  	v36 =	vld [tilespmem:s21+$0xFFFFDFD0];
	v7 =	vmul.f32 v63, v17;
	[tilespmem:s21+$0xFFFFDFB0] =	vst v12  }
0x21a: {  	v37 =	vld [tilespmem:s21+$0xFFFFDFE0];
	v32 =	vmul.f32 v24, v17;
	[tilespmem:s21+$0xFFFFDFC0] =	vst v13  }
0x21b: {  	v39 =	vld [tilespmem:s21+$0xFFFFDFF0];
	[tilespmem:s21+$0xFFFFDF10] =	vst v7;
	v2 =	vmul.f32 v2, v17  }
0x21c: {  	v40 =	vld [tilespmem:s21+$0xFFFFE000];
	v35 =	vmul.f32 v27, v17;
	[tilespmem:s21+$0xFFFFDF20] =	vst v32  }
0x21d: {  	v42 =	vld [tilespmem:s21+$0xFFFFFF20];
	[tilespmem:s21+$0xFFFFDF30] =	vst v2;
	v2 =	vmul.f32 v28, v18  }
0x21e: {  	v46 =	vld [tilespmem:s21+$0xFFFFFF30];
	v38 =	vmul.f32 v29, v18;
	[tilespmem:s21+$0xFFFFDF40] =	vst v35  }
0x21f: {  	v31 =	vld.idx.msk [tilespmem:v6+s13+$0x0], $0xffff;
	[tilespmem:s21+$0xFFFFDF50] =	vst v2;
	v2 =	vmul.f32 v30, v18  }
0x220: {  	v41 =	vmul.f32 v36, v16;
	[tilespmem:s21+$0xFFFFDF60] =	vst v38;
	v3 =	vld.idx.msk [tilespmem:v3+s13+$0x0], $0xffff  }
0x221: {  	v43 =	vmul.f32 v37, v16;
	[tilespmem:s21+$0xFFFFDF70] =	vst v2;
	v2 =	vld [tilespmem:s21+$0xFFFFFF10]  }
0x222: {  	v49 =	vld [tilespmem:s21+$0xFFFFFF40];
	v7 =	vmul.f32 v34, v18;
	[tilespmem:s21+$0xFFFFDFD0] =	vst v41  }
0x223: {  	v51 =	vld [tilespmem:s21+$0xFFFFFF50];
	v45 =	vmul.f32 v39, v16;
	[tilespmem:s21+$0xFFFFDFE0] =	vst v43  }
0x224: {  	v53 =	vld [tilespmem:s21+$0xFFFFFF60];
	v47 =	vmul.f32 v40, v16;
	[tilespmem:s21+$0xFFFFDF80] =	vst v7  }
0x225: {  	[tilespmem:s21+$0xFFFFDFF0] =	vst v45;
	v52 =	vmul.f32 v33, v31;
	v44 =	vld.idx.msk [tilespmem:v4+s13+$0x0], $0xffff  }
0x226: {  	v55 =	vld [tilespmem:s21+$0xFFFFFF70];
	[tilespmem:s21+$0xFFFFE000] =	vst v47;
	v2 =	vmul.f32 v2, v3  }
0x227: {  	v56 =	vld [tilespmem:s21+$0xFFFFFF80];
	[tilespmem:s21+$0xFFFFFFC0] =	vst v52;
	v54 =	vmul.f32 v42, v3  }
0x228: {  	v57 =	vld [tilespmem:s21+$0xFFFFFF90];
	[tilespmem:s21+$0xFFFFFF10] =	vst v2;
	v2 =	vmul.f32 v46, v3  }
0x229: {  	v58 =	vld [tilespmem:s21+$0xFFFFFFA0];
	[tilespmem:s21+$0xFFFFFF20] =	vst v54;
	v3 =	vmul.f32 v49, v3  }
0x22a: {  	v59 =	vld [tilespmem:s21+$0xFFFFFFB0];
	[tilespmem:s21+$0xFFFFFF30] =	vst v2;
	v2 =	vmul.f32 v51, v44  }
0x22b: {  	v60 =	vld [tilespmem:s21+$0xFFFFFFD0];
	[tilespmem:s21+$0xFFFFFF40] =	vst v3;
	v3 =	vmul.f32 v53, v44  }
0x22c: {  	v1 =	vld.idx.msk [tilespmem:v1+s13+$0x0], $0xffff;
	[tilespmem:s21+$0xFFFFFF50] =	vst v2;
	v2 =	vmul.f32 v55, v44  }
0x22d: {  	v61 =	vld [tilespmem:s21+$0xFFFFFFE0];
	[tilespmem:s21+$0xFFFFFF60] =	vst v3;
	v3 =	vmul.f32 v56, v44  }
0x22e: {  	v62 =	vld [tilespmem:s21+$0xFFFFFFF0];
	[tilespmem:s21+$0xFFFFFF70] =	vst v2;
	v2 =	vmul.f32 v57, v31  }
0x22f: {  	v63 =	vld [tilespmem:s21+$0x0];
	[tilespmem:s21+$0xFFFFFF80] =	vst v3;
	v3 =	vmul.f32 v58, v31  }
0x230: {  	[tilespmem:s21+$0xFFFFFF90] =	vst v2;
	v2 =	vmul.f32 v59, v31  }
0x231: {  	[tilespmem:s21+$0xFFFFFFA0] =	vst v3;
	v3 =	vmul.f32 v60, v1  }
0x232: {  	[tilespmem:s21+$0xFFFFFFB0] =	vst v2;
	v2 =	vmul.f32 v61, v1  }
0x233: {  	[tilespmem:s21+$0xFFFFFFD0] =	vst v3;
	v3 =	vmul.f32 v62, v1  }
0x234: {  	v1 =	vmul.f32 v63, v1;
	[tilespmem:s21+$0xFFFFFFE0] =	vst v2  }
.Ltmp9:
0x235: {  	[tilespmem:s21+$0xFFFFFFF0] =	vst v3;
	(pc) =	sbr.rel .LBB2_4-.Ltmp9, $4  }
0x236: {  	s22 =	sadd.s32 $0x2800, s12;
	[tilespmem:s21+$0x0] =	vst v1  }
0x237: {  	[spmem:s2] =	stream.indirect.scatter.add.f32 [tilespmem:s0], [sflag:$0x6], $0x40, s22, s30, $0xb8;
	[tilespmem:$0x1D800] =	vst v63  }
0x238: {  	s23 =	sadd.s32 $0x2880, s12;
	s11 =	sadd.s32 $0x1, s11  }
0x239: {  	[spmem:s2] =	stream.indirect.scatter.add.f32 [tilespmem:s19], [sflag:$0x6], $0x40, s23, s30, $0xb8;
	[tilespmem:$0x1D800] =	vst v63  }
.LBB2_16:
0x23a: {  	_ =	sfence.sel $0x180000  }
0x23b: {  	[bflag:$0x0] =	sbarrier.arrive $0xFFFF  }
0x23c: {  	_ =	strace $0x9000004A  }
0x23d: {  	s0 =	stileid.u32;
	[bflag:$0x2] =	sbarrier.arrive $0xFFFF  }
0x23e: {  	p0 =	sne.s32 s0, $0x0;
	s0 =	rddreg [dreg:$0x2]  }
0x23f: {  	s0 =	sadd.s32 @!p0 $0x100000, s0  }
0x240: {  	[sflag:s0] =	ssyncadd.tile.s32 @!p0 $0x1;
	_ =	shalt  }
.Lfunc_end2:
_tile_overlayer_lowered:
.L_overlay_start_2:
0x241: {  	(tag) =	ssettag $0x2  }
0x242: {  	s0 =	rddreg [dreg:$0x0];
	s2 =	stileid.u32  }
0x243: {  	s1 =	rddreg [dreg:$0x1];
	p0 =	sne.s32 s2, $0x0  }
0x244: {  	s3 =	rddreg [dreg:$0x2];
	[bflag:$0x3] =	sbarrier.arrive $0xFFFF;
	s2 =	simm.s32 @!p0 $0x1C07  }
0x245: {  	[timem:s3], [sflag:s2] =	dma.local @!p0 [hbm:s0], s1  }
0x246: {  	s0 =	simm.s32 @!p0 $0x7  }
0x247: {  	_ =	swait.ge @!p0 [sflag:s0], s1  }
0x248: {  	s1 =	ssub.s32 @!p0 $0x0, s1;
	[sflag:s0] =	ssyncset.done @!p0 $0x0  }
0x249: {  	[sflag:s0] =	ssyncadd.s32 @!p0 s1  }
0x24a: {  	[bflag:$0x3] =	sbarrier.arrive $0xFFFF  }
0x24b: {  	_ =	shalt  }

// kernel: kernel.15.cloned.1.call-start
scs
__scs_entry_jumppad:
0x0: {  	(pc) =	sbr.rel $0x88, $3  }
0x1: {  	(tag) =	ssettag $0x0;
	lr =	simm.s32 $0x1  }
0x2: {  	[smem:$0x3F96] =	sst lr;
	_ =	strace $0xD0000000  }
0x3: {  	_ = 	snop  }
0x4: {  	_ = 	snop  }
0x5: {  	_ = 	snop  }
0x6: {  	_ = 	snop  }
0x7: {  	_ = 	snop  }
__scs_overlays_trampoline_lowered:
0x8: {  	[smem:$0x3FA5] =	sst s0  }
0x9: {  	[smem:$0x3FA6] =	sst s1  }
0xa: {  	[smem:$0x3FA7] =	sst s2  }
0xb: {  	[smem:$0x3FA8] =	sst s3  }
0xc: {  	[smem:$0x3FA9] =	sst s4  }
0xd: {  	[smem:$0x3FAA] =	sst s5  }
0xe: {  	[smem:$0x3FAB] =	sst s6  }
0xf: {  	[smem:$0x3FAC] =	sst s7  }
0x10: {  	[smem:$0x3FAD] =	sst s8  }
0x11: {  	[smem:$0x3FAE] =	sst s9;
	s0 =	simm.s32 @!p0 $0x0  }
0x12: {  	s1 =	sld [smem:$0x3F94];
	s0 =	simm.s32 @p0 $0x1  }
0x13: {  	[smem:$0x3FAF] =	sst s0;
	s0 =	simm.s32 @!p1 $0x0  }
0x14: {  	s2 =	sld [smem:$0x3F93];
	s0 =	simm.s32 @p1 $0x1  }
0x15: {  	[smem:$0x3FB0] =	sst s0;
	s0 =	simm.s32 @!p2 $0x0  }
0x16: {  	s3 =	sld [smem:$0x3FDB];
	s0 =	simm.s32 @p2 $0x1  }
0x17: {  	s4 =	simm.s32 $0x1BF5;
	[smem:$0x3FB2] =	sst s0  }
0x18: {  	s0 =	sld [smem:$0x3F95];
	_ =	swait.ge [sflag:s4], $0x0  }
0x19: {  	s7 =	sld [smem:$0x3F96]  }
0x1a: {  	s8 =	sadd.s32 $0xFFFFE003, lr  }
0x1b: {  	s9 =	sadd.s32 $0xFFFFFEF7, lr;
	s5 =	simm.s32 $0xFFFFFFFF;
	p2 =	slt.u32 s8, $0xFFFFF086  }
0x1c: {  	p1 =	slt.u32 s9, $0xF7A;
	s5 =	simm.s32 @!p2 $0x0  }
0x1d: {  	s5 =	simm.s32 @p1 $0x1;
	p0 =	seq.s32 s7, s2  }
0x1e: {  	s7 =	smul.u32 @!p0 $0xF7A, s2;
	p2 =	seq.s32 @!p0 s5, $0x0  }
0x1f: {  	s9 =	smul.u32 $0xF7A, s1;
	s8 =	simm.s32 @!p0 $0x1BF5;
	p2 =	por !p2, p0  }
0x20: {  	[sflag:s8] =	ssyncset.s32 @!p0 $0xFFFFF086;
	s6 =	sadd.s32 @!p0 s3, s7;
	s7 =	simm.s32 @!p0 $0x108  }
0x21: {  	s3 =	sadd.s32 s3, s9;
	s6 =	sadd.s32 @!p0 $0x88, s6;
	s7 =	simm.s32 @p2 $0x1082  }
0x22: {  	[simem:s7], [sflag:s8] =	dma.local @!p0 [hbm:s6], $0xF7A  }
0x23: {  	s9 =	sor.u32 $0xD0000000, s2;
	s6 =	simm.s32 $0x108;
	_ =	swait.ge @!p0 [sflag:s8], $0x0  }
0x24: {  	s3 =	sadd.s32 $0x88, s3;
	s6 =	simm.s32 @!p1 $0x1082;
	[sflag:s4] =	ssyncset.s32 $0xFFFFF086  }
0x25: {  	[simem:s6], [sflag:s4] =	dma.local [hbm:s3], $0xF7A  }
0x26: {  	[smem:$0x3F96] =	sst s1;
	(tag) =	ssettag s2;
	_ =	strace s9  }
0x27: {  	s1 =	sld [smem:$0x3FA6]  }
0x28: {  	s2 =	sld [smem:$0x3FA7]  }
0x29: {  	s4 =	sld [smem:$0x3FA9]  }
0x2a: {  	p0 =	seq.s32 s5, $0x0;
	s5 =	sld [smem:$0x3FAA]  }
0x2b: {  	s6 =	sld [smem:$0x3FAB]  }
0x2c: {  	s7 =	sld [smem:$0x3FAC]  }
0x2d: {  	s3 =	simm.s32 $0x108;
	s8 =	sld [smem:$0x3FAD]  }
0x2e: {  	s3 =	simm.s32 @!p0 $0x1082;
	s9 =	sld [smem:$0x3FAE]  }
0x2f: {  	lr =	sadd.s32 s0, s3;
	s0 =	sld [smem:$0x3FA5]  }
0x30: {  	s3 =	sld [smem:$0x3FA8]  }
0x31: {  	[smem:$0x3FB1] =	sst s10  }
0x32: {  	s10 =	sld [smem:$0x3FAF];
	_ =	sdelay $0x3  }
0x33: {  	p0 =	seq.s32 s10, $0x1;
	s10 =	sld [smem:$0x3FB1];
	_ =	sdelay $0x3  }
0x34: {  	[smem:$0x3FB1] =	sst s10  }
0x35: {  	s10 =	sld [smem:$0x3FB0];
	_ =	sdelay $0x3  }
0x36: {  	p1 =	seq.s32 s10, $0x1;
	s10 =	sld [smem:$0x3FB1];
	_ =	sdelay $0x3  }
0x37: {  	[smem:$0x3FB1] =	sst s10  }
0x38: {  	s10 =	sld [smem:$0x3FB2]  }
0x39: {  	_ = 	snop;
	(pc) =	sbr.ind lr, $3  }
0x3a: {  	_ = 	snop  }
0x3b: {  	_ = 	snop  }
0x3c: {  	p2 =	seq.s32 s10, $0x1;
	s10 =	sld [smem:$0x3FB1]  }
0x3d: {  	_ =	shalt  }
0x3e: {  	_ =	shalt  }
0x3f: {  	_ =	shalt  }
0x40: {  	_ =	shalt  }
0x41: {  	_ =	shalt  }
0x42: {  	_ =	shalt  }
0x43: {  	_ =	shalt  }
0x44: {  	_ =	shalt  }
0x45: {  	_ =	shalt  }
0x46: {  	_ =	shalt  }
0x47: {  	_ =	shalt  }
0x48: {  	_ =	shalt  }
0x49: {  	_ =	shalt  }
0x4a: {  	_ =	shalt  }
0x4b: {  	_ =	shalt  }
0x4c: {  	_ =	shalt  }
0x4d: {  	_ =	shalt  }
0x4e: {  	_ =	shalt  }
0x4f: {  	_ =	shalt  }
0x50: {  	_ =	shalt  }
0x51: {  	_ =	shalt  }
0x52: {  	_ =	shalt  }
0x53: {  	_ =	shalt  }
0x54: {  	_ =	shalt  }
0x55: {  	_ =	shalt  }
0x56: {  	_ =	shalt  }
0x57: {  	_ =	shalt  }
0x58: {  	_ =	shalt  }
0x59: {  	_ =	shalt  }
0x5a: {  	_ =	shalt  }
0x5b: {  	_ =	shalt  }
0x5c: {  	_ =	shalt  }
0x5d: {  	_ =	shalt  }
0x5e: {  	_ =	shalt  }
0x5f: {  	_ =	shalt  }
0x60: {  	_ =	shalt  }
0x61: {  	_ =	shalt  }
0x62: {  	_ =	shalt  }
0x63: {  	_ =	shalt  }
0x64: {  	_ =	shalt  }
0x65: {  	_ =	shalt  }
0x66: {  	_ =	shalt  }
0x67: {  	_ =	shalt  }
0x68: {  	_ =	shalt  }
0x69: {  	_ =	shalt  }
0x6a: {  	_ =	shalt  }
0x6b: {  	_ =	shalt  }
0x6c: {  	_ =	shalt  }
0x6d: {  	_ =	shalt  }
0x6e: {  	_ =	shalt  }
0x6f: {  	_ =	shalt  }
0x70: {  	_ =	shalt  }
0x71: {  	_ =	shalt  }
0x72: {  	_ =	shalt  }
0x73: {  	_ =	shalt  }
0x74: {  	_ =	shalt  }
0x75: {  	_ =	shalt  }
0x76: {  	_ =	shalt  }
0x77: {  	_ =	shalt  }
0x78: {  	_ =	shalt  }
0x79: {  	_ =	shalt  }
0x7a: {  	_ =	shalt  }
0x7b: {  	_ =	shalt  }
0x7c: {  	_ =	shalt  }
0x7d: {  	_ =	shalt  }
0x7e: {  	_ =	shalt  }
0x7f: {  	_ =	shalt  }
0x80: {  	_ =	shalt  }
0x81: {  	_ =	shalt  }
0x82: {  	_ =	shalt  }
0x83: {  	_ =	shalt  }
0x84: {  	_ =	shalt  }
0x85: {  	_ =	shalt  }
0x86: {  	_ =	shalt  }
0x87: {  	_ =	shalt  }
.Lfunc_end0:
.L_simem_size_0:
called_computation.2_lowered:
.L_overlay_start_0:
0x88: {  	s2 =	sld [smem:$0x3FD9]  }
0x89: {  	s3 =	sld [smem:$0x3FFE];
	_ =	sdelay $0x1  }
0x8a: {  	s1 =	srdreg.scid  }
0x8b: {  	s0 =	sand.u32 $0x1, s1  }
0x8c: {  	s16 =	sshll.u32 s0, $0xA;
	s2 =	sadd.s32 s3, s2  }
0x8d: {  	s2 =	sadd.s32 s2, s16  }
0x8e: {  	[smem:$0x3FBD] =	sst s2  }
0x8f: {  	_ = 	snop  }
0x90: {  	(tm) =	ssettm $0x1  }
0x91: {  	s17 =	sld [smem:$0x3FFB];
	_ =	sdelay $0x3  }
0x92: {  	_ =	strace s17  }
0x93: {  	s2 =	sld [smem:$0x3FFC];
	_ =	sdelay $0x3  }
0x94: {  	_ =	strace s2  }
0x95: {  	s2 =	sld [smem:$0x3FFD];
	_ =	sdelay $0x3  }
0x96: {  	_ =	strace s2  }
0x97: {  	_ =	strace $0x8FFFFFFF  }
0x98: {  	s18 =	sld [smem:$0x3FDB];
	_ =	sdelay $0x1  }
0x99: {  	s19 =	simm.s32 $_scs_section_size  }
0x9a: {  	s4 =	simm.s32 $_size__tile_overlayer_lowered;
	s5 =	simm.s32 $_tile_overlayer_lowered  }
0x9b: {  	s22 =	simm.s32 $0x1BFF;
	s21 =	sshll.u32 s5, $0x1;
	s2 =	sadd.s32 s19, s18  }
0x9c: {  	s6 =	simm.s32 $0x0;
	s20 =	sshll.u32 s4, $0x1;
	s4 =	sadd.s32 s21, s2  }
0x9d: {  	[timem:s6], [sflag:s22] =	dma.local [hbm:s4], s20  }
0x9e: {  	_ =	swait.ge [sflag:s22], s20  }
0x9f: {  	s3 =	ssub.s32 $0x0, s20;
	[sflag:s22] =	ssyncset.done $0x0  }
0xa0: {  	[sflag:s22] =	ssyncadd.s32 s3;
	_ =	sdelay $0x1  }
0xa1: {  	s23 =	simm.s32 $0x1B8B  }
0xa2: {  	_ =	swait.ge [sflag:s23], $0x1  }
0xa3: {  	[sflag:s23] =	ssyncset.done $0x0  }
0xa4: {  	s25 =	simm.s32 $0x1B8E;
	s24 =	sld [smem:$0x3FFE];
	[sflag:s23] =	ssyncadd.s32 $0xFFFFFFFF  }
0xa5: {  	s26 =	simm.s32 $execute0_lowered;
	[smem:$0x3FD2] =	sst s25  }
0xa6: {  	s4 =	sshll.u32 s26, $0x1;
	_ =	strace $0x8000004C;
	[dreg:$0x1] =	wrdreg $0xFFFFFFFF  }
0xa7: {  	s28 =	simm.s32 $_size_execute0_lowered;
	s2 =	sadd.s32 s2, s4;
	[dreg:$0x0] =	wrdreg $0x0  }
0xa8: {  	s4 =	sshll.u32 s28, $0x1;
	[dreg:$0x2] =	wrdreg s2  }
0xa9: {  	[dreg:$0x3] =	wrdreg s4  }
0xaa: {  	[dreg:$0x4] =	wrdreg $0xC0  }
0xab: {  	_ =	task [dreg:s6], $0x5FFFF  }
0xac: {  	[dreg:$0x1] =	wrdreg $0xFFFFFFFF  }
0xad: {  	[dreg:$0x0] =	wrdreg $0x60  }
0xae: {  	[dreg:$0x2] =	wrdreg s24  }
0xaf: {  	[dreg:$0x3] =	wrdreg $0x9  }
0xb0: {  	_ =	task.clear_ibuf [dreg:s6], $0x4FFFF;
	_ =	strace $0x9000004C  }
0xb1: {  	s29 =	simm.s32 $0x9;
	_ =	strace $0x8000004E  }
0xb2: {  	_ =	swait.ge [sflag:s29], $0x1  }
0xb3: {  	[sflag:s29] =	ssyncadd.s32 $0xFFFFFFFF  }
0xb4: {  	_ =	strace $0x9000004E  }
0xb5: {  	_ =	sfence  }
0xb6: {  	s30 =	sld [smem:$0x0];
	_ =	sdelay $0x2  }
0xb7: {  	s31 =	sshll.u32 s1, $0xD;
	s1 =	sshrl.u32 s1, $0x2  }
0xb8: {  	s3 =	sand.u32 $0x4000, s31;
	s1 =	sadd.s32 s1, s30  }
0xb9: {  	s0 =	sor.u32 s3, s0;
	s1 =	sshll.u32 s1, $0x11  }
0xba: {  	s0 =	sor.u32 s1, s0  }
0xbb: {  	s0 =	sadd.s32 $0x8F2B, s0  }
0xbc: {  	[sflag:s0] =	ssyncadd.remote.s32 $0x1  }
0xbd: {  	_ =	sfence.sel $0xFFFF  }
0xbe: {  	[dreg:$0x0] =	wrdreg $0xFFFFFFFF;
	(pc) =	sbr.abs _section_cstart, $3  }
0xbf: {  	[dreg:$0x1] =	wrdreg $0xFFFFFFFF  }
0xc0: {  	_ =	task.clear_ibuf [dreg:s6], $0x2FFFF;
	_ =	strace $0x9FFFFFFF  }
0xc1: {  	(tm) =	ssettm $0x7FFFFFFF  }
tec
execute0_lowered:
.L_overlay_start_1:
0x0: {  	(tag) =	ssettag $0x1  }
0x1: {  	s0 =	srdreg.scid;
	s4 =	rddreg [dreg:$0x0]  }
0x2: {  	s2 =	simm.s32 $0x0;
	s10 =	simm.s32 $0x2710;
	s3 =	sand.u32 $0x1, s0  }
0x3: {  	s11 =	simm.s32 $0x4E20;
	s0 =	stileid.u32;
	s1 =	sshll.u32 s3, $0x4  }
0x4: {  	s12 =	simm.s32 $0x7530;
	s13 =	simm.s32 $0x9C40;
	s5 =	sor.u32 s0, s1  }
0x5: {  	s14 =	simm.s32 $0x0;
	[smem:$0x7FF] =	sst s2;
	s6 =	smul.u32 $0x4E2, s5  }
0x6: {  	s7 =	ssub.s32 $0x2, s3;
	s3 =	sadd.s32 $0x1F200, s4;
	s5 =	smul.u32 $0x500, s5  }
0x7: {  	s1 =	rddreg [dreg:$0x1];
	_ =	strace $0x8000004D;
	s31 =	sshrl.u32 s7, $0x1  }
0x8: {  	s9 =	ssub.s32 s7, s31;
	s6 =	sadd.s32 s6, s4;
	s8 =	sadd.s32 s5, s4  }
0x9: {  	s4 =	sadd.s32 $0xB600, s6;
	s5 =	sadd.s32 $0x1800, s6;
	s6 =	sadd.s32 $0x15400, s6  }
0xa: {  	v0 =	vimm.f32 $0.0e+00;
	s7 =	sadd.s32 $0x1F800, s8;
	s8 =	smax.u32 s9, $0x1;
	s9 =	simm.s32 $0x1  }
.LBB2_1:
0xb: {  	s15 =	simm.s32 $0x40;
	s16 =	simm.s32 $0x0  }
.LBB2_2:
0xc: {  	p0 =	sne.s32 s15, $0x9FC0;
	[tilespmem:s16+$0x9C40] =	vst v0;
	s16 =	smov.u32 s15;
	s15 =	sadd.s32 $0x40, s15  }
.Ltmp0:
0xd: {  	(pc) =	sbr.rel @p0 .LBB2_2-.Ltmp0, $2  }
0xe: {  	_ =	sdelay $0x2  }
0xf: {  	s16 =	sshra.s32 s16, $0x2  }
0x10: {  	[tilespmem:s16+$0x9C40] =	vst v0  }
0x11: {  	[tilespmem:s2], [sflag:$0x1] =	stream.linear.gather [hbm4b:s4+s2], $0x2710, $0x38;
	[tilespmem:$0xC440] =	vst v63  }
0x12: {  	_ =	swait.ge [sflag:s9], $0x2710  }
0x13: {  	[sflag:s9] =	ssyncset.done $0x0  }
0x14: {  	[sflag:s9] =	ssyncadd.s32 $0xFFFFD8F0  }
0x15: {  	[tilespmem:s10], [sflag:$0x1] =	stream.linear.gather [hbm4b:s5+s2], $0x2710, $0x38;
	[tilespmem:$0xC440] =	vst v63  }
0x16: {  	_ =	swait.ge [sflag:s9], $0x2710  }
0x17: {  	[sflag:s9] =	ssyncset.done $0x0  }
0x18: {  	[sflag:s9] =	ssyncadd.s32 $0xFFFFD8F0  }
0x19: {  	[tilespmem:s11], [sflag:$0x1] =	stream.linear.gather [hbm4b:s6+s2], $0x2710, $0x38;
	[tilespmem:$0xC440] =	vst v63  }
0x1a: {  	_ =	swait.ge [sflag:s9], $0x2710  }
0x1b: {  	[sflag:s9] =	ssyncset.done $0x0  }
0x1c: {  	[sflag:s9] =	ssyncadd.s32 $0xFFFFD8F0  }
0x1d: {  	[tilespmem:s12], [sflag:$0x1] =	stream.linear.gather [hbm4b:s3+s2], $0x2710, $0x38;
	[tilespmem:$0xC440] =	vst v63  }
0x1e: {  	_ =	swait.ge [sflag:s9], $0x2710  }
0x1f: {  	[sflag:s9] =	ssyncset.done $0x0  }
0x20: {  	s17 =	simm.s32 $0x40;
	[sflag:s9] =	ssyncadd.s32 $0xFFFFD8F0  }
0x21: {  	v1 =	vld [tilespmem:s17+$0x30]  }
0x22: {  	v2 =	vld [tilespmem:s17+$0xFFFFFFD0]  }
0x23: {  	v3 =	vld [tilespmem:s17+$0xFFFFFFE0]  }
0x24: {  	v4 =	vld [tilespmem:s17+$0xFFFFFFF0]  }
0x25: {  	v5 =	vld [tilespmem:s17+$0x0]  }
0x26: {  	s15 =	simm.s32 $0x2750;
	v6 =	vld [tilespmem:s17+$0x10]  }
0x27: {  	s16 =	simm.s32 $0x4E60;
	v7 =	vld [tilespmem:s15+$0x30]  }
0x28: {  	v8 =	vld [tilespmem:s16+$0x30]  }
0x29: {  	v9 =	vld [tilespmem:s17+$0xFFFFFFC0]  }
0x2a: {  	v10 =	vld [tilespmem:s17+$0x20]  }
0x2b: {  	v57 =	vld [tilespmem:s15+$0xFFFFFFC0]  }
0x2c: {  	v58 =	vld [tilespmem:s16+$0xFFFFFFC0]  }
0x2d: {  	v59 =	vld [tilespmem:s16+$0xFFFFFFD0]  }
0x2e: {  	v11 =	vld [tilespmem:s16+$0xFFFFFFE0]  }
0x2f: {  	v1 =	vld.idx.msk [tilespmem:v1+s12+$0x0], $0xffff  }
0x30: {  	v12 =	vld [tilespmem:s15+$0xFFFFFFD0]  }
0x31: {  	v13 =	vld [tilespmem:s16+$0xFFFFFFF0]  }
0x32: {  	v14 =	vld [tilespmem:s16+$0x0]  }
0x33: {  	v60 =	vld [tilespmem:s15+$0xFFFFFFE0]  }
0x34: {  	v61 =	vld [tilespmem:s15+$0x0];
	v1 =	vmul.f32 v1, v8  }
0x35: {  	v62 =	vld [tilespmem:s15+$0x10]  }
0x36: {  	[tilespmem:v7+s13+$0x0] =	vst.idx.add.f32.msk $0xffff, v1  }
0x37: {  	v1 =	vld.idx.msk [tilespmem:v9+s12+$0x0], $0xffff  }
0x38: {  	v63 =	vld [tilespmem:s16+$0x10]  }
0x39: {  	v15 =	vld [tilespmem:s16+$0x20]  }
0x3a: {  	v2 =	vld.idx.msk [tilespmem:v2+s12+$0x0], $0xffff  }
0x3b: {  	v3 =	vld.idx.msk [tilespmem:v3+s12+$0x0], $0xffff  }
0x3c: {  	v5 =	vld.idx.msk [tilespmem:v5+s12+$0x0], $0xffff;
	v1 =	vmul.f32 v1, v58  }
0x3d: {  	v6 =	vld.idx.msk [tilespmem:v6+s12+$0x0], $0xffff  }
0x3e: {  	[tilespmem:v57+s13+$0x0] =	vst.idx.add.f32.msk $0xffff, v1  }
0x3f: {  	v1 =	vld [tilespmem:s15+$0xFFFFFFF0]  }
0x40: {  	v4 =	vld.idx.msk [tilespmem:v4+s12+$0x0], $0xffff;
	v2 =	vmul.f32 v2, v59  }
0x41: {  	v10 =	vld.idx.msk [tilespmem:v10+s12+$0x0], $0xffff  }
0x42: {  	v3 =	vmul.f32 v3, v11;
	[tilespmem:v12+s13+$0x0] =	vst.idx.add.f32.msk $0xffff, v2  }
0x43: {  	v5 =	vmul.f32 v5, v14;
	v2 =	vld [tilespmem:s15+$0x20]  }
0x44: {  	[tilespmem:v60+s13+$0x0] =	vst.idx.add.f32.msk $0xffff, v3;
	v3 =	vmul.f32 v6, v63  }
0x45: {  	v4 =	vmul.f32 v4, v13;
	[tilespmem:v61+s13+$0x0] =	vst.idx.add.f32.msk $0xffff, v5  }
0x46: {  	[tilespmem:v62+s13+$0x0] =	vst.idx.add.f32.msk $0xffff, v3  }
0x47: {  	s18 =	simm.s32 $0xC0;
	s17 =	simm.s32 $0x0;
	[tilespmem:v1+s13+$0x0] =	vst.idx.add.f32.msk $0xffff, v4;
	v1 =	vmul.f32 v10, v15  }
.LBB2_4:
0x48: {  	v3 =	vld [tilespmem:s18+$0x30];
	s17 =	sadd.s32 $0x8, s17  }
0x49: {  	v4 =	vld [tilespmem:s18+$0xFFFFFFD0];
	p0 =	slt.u32 s17, $0x268  }
0x4a: {  	v5 =	vld [tilespmem:s18+$0xFFFFFFE0]  }
0x4b: {  	v6 =	vld [tilespmem:s18+$0xFFFFFFF0]  }
0x4c: {  	v7 =	vld [tilespmem:s18+$0x0]  }
0x4d: {  	v8 =	vld [tilespmem:s18+$0x10]  }
0x4e: {  	s15 =	sadd.s32 $0x80, s15;
	v9 =	vld [tilespmem:s18+$0x20]  }
0x4f: {  	v10 =	vld [tilespmem:s15+$0x30]  }
0x50: {  	s16 =	sadd.s32 $0x80, s16;
	v3 =	vld.idx.msk [tilespmem:v3+s12+$0x0], $0xffff  }
0x51: {  	v11 =	vld [tilespmem:s16+$0x30]  }
0x52: {  	v12 =	vld [tilespmem:s18+$0xFFFFFFC0]  }
0x53: {  	v4 =	vld.idx.msk [tilespmem:v4+s12+$0x0], $0xffff  }
0x54: {  	v5 =	vld.idx.msk [tilespmem:v5+s12+$0x0], $0xffff  }
0x55: {  	v6 =	vld.idx.msk [tilespmem:v6+s12+$0x0], $0xffff  }
0x56: {  	v7 =	vld.idx.msk [tilespmem:v7+s12+$0x0], $0xffff;
	v3 =	vmul.f32 v3, v11  }
0x57: {  	v8 =	vld.idx.msk [tilespmem:v8+s12+$0x0], $0xffff  }
0x58: {  	[tilespmem:v10+s13+$0x0] =	vst.idx.add.f32.msk $0xffff, v3  }
0x59: {  	v3 =	vld.idx.msk [tilespmem:v9+s12+$0x0], $0xffff  }
0x5a: {  	v9 =	vld.idx.msk [tilespmem:v12+s12+$0x0], $0xffff  }
0x5b: {  	v10 =	vld [tilespmem:s16+$0xFFFFFFC0]  }
0x5c: {  	v11 =	vld [tilespmem:s16+$0xFFFFFFD0]  }
0x5d: {  	v12 =	vld [tilespmem:s16+$0xFFFFFFE0]  }
0x5e: {  	v13 =	vld [tilespmem:s16+$0xFFFFFFF0]  }
0x5f: {  	v14 =	vld [tilespmem:s16+$0x0]  }
0x60: {  	v9 =	vmul.f32 v9, v10;
	v10 =	vld [tilespmem:s16+$0x10]  }
0x61: {  	v4 =	vmul.f32 v4, v11;
	v11 =	vld [tilespmem:s16+$0x20]  }
0x62: {  	v15 =	vld [tilespmem:s15+$0xFFFFFFC0];
	v5 =	vmul.f32 v5, v12  }
0x63: {  	v12 =	vld [tilespmem:s15+$0xFFFFFFD0];
	v6 =	vmul.f32 v6, v13  }
0x64: {  	v13 =	vld [tilespmem:s15+$0xFFFFFFE0];
	v7 =	vmul.f32 v7, v14  }
0x65: {  	v14 =	vld [tilespmem:s15+$0xFFFFFFF0];
	v8 =	vmul.f32 v8, v10  }
0x66: {  	v10 =	vld [tilespmem:s15+$0x0];
	v3 =	vmul.f32 v3, v11  }
0x67: {  	v11 =	vld [tilespmem:s15+$0x10]  }
0x68: {  	v16 =	vld [tilespmem:s15+$0x20]  }
0x69: {  	[tilespmem:v2+s13+$0x0] =	vst.idx.add.f32.msk $0xffff, v1;
	v1 =	vmov v3  }
0x6a: {  	[tilespmem:v15+s13+$0x0] =	vst.idx.add.f32.msk $0xffff, v9  }
.Ltmp1:
0x6b: {  	[tilespmem:v12+s13+$0x0] =	vst.idx.add.f32.msk $0xffff, v4;
	(pc) =	sbr.rel @p0 .LBB2_4-.Ltmp1, $4  }
0x6c: {  	[tilespmem:v13+s13+$0x0] =	vst.idx.add.f32.msk $0xffff, v5  }
0x6d: {  	[tilespmem:v14+s13+$0x0] =	vst.idx.add.f32.msk $0xffff, v6;
	v2 =	vmov v16  }
0x6e: {  	[tilespmem:v10+s13+$0x0] =	vst.idx.add.f32.msk $0xffff, v7  }
0x6f: {  	s18 =	sadd.s32 $0x80, s18;
	[tilespmem:v11+s13+$0x0] =	vst.idx.add.f32.msk $0xffff, v8  }
0x70: {  	_ =	sdelay $0x3  }
0x71: {  	[tilespmem:v2+s13+$0x0] =	vst.idx.add.f32.msk $0xffff, v1  }
0x72: {  	v1 =	vld [tilespmem:$0x2700];
	_ =	sdelay $0x5  }
0x73: {  	v2 =	vld [tilespmem:$0x4E10]  }
0x74: {  	v3 =	vld [tilespmem:$0x7520]  }
0x75: {  	v1 =	vld.idx.msk [tilespmem:v1+s12+$0x0], $0xffff;
	_ =	sdelay $0x4  }
0x76: {  	s14 =	sadd.s32 $0x1, s14;
	v1 =	vmul.f32 v1, v3  }
0x77: {  	p0 =	sne.s32 s14, s8  }
.Ltmp2:
0x78: {  	[tilespmem:v2+s13+$0x0] =	vst.idx.add.f32.msk $0xffff, v1;
	(pc) =	sbr.rel @p0 .LBB2_1-.Ltmp2, $4  }
0x79: {  	[hbm4b:s7+s2] =	stream.linear.scatter [tilespmem:s13], [sflag:$0x1], $0x2800, $0x38;
	[tilespmem:$0xC440] =	vst v63  }
0x7a: {  	_ =	swait.ge [sflag:s9], $0x2800  }
0x7b: {  	[sflag:s9] =	ssyncset.done $0x0  }
0x7c: {  	[sflag:s9] =	ssyncadd.s32 $0xFFFFD800  }
0x7d: {  	_ =	sfence.sel $0x180000  }
0x7e: {  	[bflag:$0x0] =	sbarrier.arrive $0xFFFF  }
0x7f: {  	p0 =	sne.s32 s0, $0x0;
	_ =	strace $0x9000004D  }
0x80: {  	s0 =	sadd.s32 @!p0 $0x100000, s1;
	[bflag:$0x2] =	sbarrier.arrive $0xFFFF  }
0x81: {  	[sflag:s0] =	ssyncadd.tile.s32 @!p0 $0x1;
	_ =	shalt  }
.Lfunc_end2:
_tile_overlayer_lowered:
.L_overlay_start_2:
0x82: {  	(tag) =	ssettag $0x2  }
0x83: {  	s0 =	rddreg [dreg:$0x0];
	s2 =	stileid.u32  }
0x84: {  	s1 =	rddreg [dreg:$0x1];
	p0 =	sne.s32 s2, $0x0  }
0x85: {  	s3 =	rddreg [dreg:$0x2];
	[bflag:$0x3] =	sbarrier.arrive $0xFFFF;
	s2 =	simm.s32 @!p0 $0x1C01  }
0x86: {  	[timem:s3], [sflag:s2] =	dma.local @!p0 [hbm:s0], s1  }
0x87: {  	s0 =	simm.s32 @!p0 $0x1  }
0x88: {  	_ =	swait.ge @!p0 [sflag:s0], s1  }
0x89: {  	s1 =	ssub.s32 @!p0 $0x0, s1;
	[sflag:s0] =	ssyncset.done @!p0 $0x0  }
0x8a: {  	[sflag:s0] =	ssyncadd.s32 @!p0 s1  }
0x8b: {  	[bflag:$0x3] =	sbarrier.arrive $0xFFFF  }
0x8c: {  	_ =	shalt  }

// kernel: kernel.9.cloned.1.call-start
scs
__scs_entry_jumppad:
0x0: {  	(pc) =	sbr.rel $0x88, $3  }
0x1: {  	(tag) =	ssettag $0x0;
	lr =	simm.s32 $0x1  }
0x2: {  	[smem:$0x3F96] =	sst lr;
	_ =	strace $0xD0000000  }
0x3: {  	_ = 	snop  }
0x4: {  	_ = 	snop  }
0x5: {  	_ = 	snop  }
0x6: {  	_ = 	snop  }
0x7: {  	_ = 	snop  }
__scs_overlays_trampoline_lowered:
0x8: {  	[smem:$0x3FA5] =	sst s0  }
0x9: {  	[smem:$0x3FA6] =	sst s1  }
0xa: {  	[smem:$0x3FA7] =	sst s2  }
0xb: {  	[smem:$0x3FA8] =	sst s3  }
0xc: {  	[smem:$0x3FA9] =	sst s4  }
0xd: {  	[smem:$0x3FAA] =	sst s5  }
0xe: {  	[smem:$0x3FAB] =	sst s6  }
0xf: {  	[smem:$0x3FAC] =	sst s7  }
0x10: {  	[smem:$0x3FAD] =	sst s8  }
0x11: {  	[smem:$0x3FAE] =	sst s9;
	s0 =	simm.s32 @!p0 $0x0  }
0x12: {  	s1 =	sld [smem:$0x3F94];
	s0 =	simm.s32 @p0 $0x1  }
0x13: {  	[smem:$0x3FAF] =	sst s0;
	s0 =	simm.s32 @!p1 $0x0  }
0x14: {  	s2 =	sld [smem:$0x3F93];
	s0 =	simm.s32 @p1 $0x1  }
0x15: {  	[smem:$0x3FB0] =	sst s0;
	s0 =	simm.s32 @!p2 $0x0  }
0x16: {  	s3 =	sld [smem:$0x3FDB];
	s0 =	simm.s32 @p2 $0x1  }
0x17: {  	s4 =	simm.s32 $0x1BF5;
	[smem:$0x3FB2] =	sst s0  }
0x18: {  	s0 =	sld [smem:$0x3F95];
	_ =	swait.ge [sflag:s4], $0x0  }
0x19: {  	s7 =	sld [smem:$0x3F96]  }
0x1a: {  	s8 =	sadd.s32 $0xFFFFE003, lr  }
0x1b: {  	s9 =	sadd.s32 $0xFFFFFEF7, lr;
	s5 =	simm.s32 $0xFFFFFFFF;
	p2 =	slt.u32 s8, $0xFFFFF086  }
0x1c: {  	p1 =	slt.u32 s9, $0xF7A;
	s5 =	simm.s32 @!p2 $0x0  }
0x1d: {  	s5 =	simm.s32 @p1 $0x1;
	p0 =	seq.s32 s7, s2  }
0x1e: {  	s7 =	smul.u32 @!p0 $0xF7A, s2;
	p2 =	seq.s32 @!p0 s5, $0x0  }
0x1f: {  	s9 =	smul.u32 $0xF7A, s1;
	s8 =	simm.s32 @!p0 $0x1BF5;
	p2 =	por !p2, p0  }
0x20: {  	[sflag:s8] =	ssyncset.s32 @!p0 $0xFFFFF086;
	s6 =	sadd.s32 @!p0 s3, s7;
	s7 =	simm.s32 @!p0 $0x108  }
0x21: {  	s3 =	sadd.s32 s3, s9;
	s6 =	sadd.s32 @!p0 $0x88, s6;
	s7 =	simm.s32 @p2 $0x1082  }
0x22: {  	[simem:s7], [sflag:s8] =	dma.local @!p0 [hbm:s6], $0xF7A  }
0x23: {  	s9 =	sor.u32 $0xD0000000, s2;
	s6 =	simm.s32 $0x108;
	_ =	swait.ge @!p0 [sflag:s8], $0x0  }
0x24: {  	s3 =	sadd.s32 $0x88, s3;
	s6 =	simm.s32 @!p1 $0x1082;
	[sflag:s4] =	ssyncset.s32 $0xFFFFF086  }
0x25: {  	[simem:s6], [sflag:s4] =	dma.local [hbm:s3], $0xF7A  }
0x26: {  	[smem:$0x3F96] =	sst s1;
	(tag) =	ssettag s2;
	_ =	strace s9  }
0x27: {  	s1 =	sld [smem:$0x3FA6]  }
0x28: {  	s2 =	sld [smem:$0x3FA7]  }
0x29: {  	s4 =	sld [smem:$0x3FA9]  }
0x2a: {  	p0 =	seq.s32 s5, $0x0;
	s5 =	sld [smem:$0x3FAA]  }
0x2b: {  	s6 =	sld [smem:$0x3FAB]  }
0x2c: {  	s7 =	sld [smem:$0x3FAC]  }
0x2d: {  	s3 =	simm.s32 $0x108;
	s8 =	sld [smem:$0x3FAD]  }
0x2e: {  	s3 =	simm.s32 @!p0 $0x1082;
	s9 =	sld [smem:$0x3FAE]  }
0x2f: {  	lr =	sadd.s32 s0, s3;
	s0 =	sld [smem:$0x3FA5]  }
0x30: {  	s3 =	sld [smem:$0x3FA8]  }
0x31: {  	[smem:$0x3FB1] =	sst s10  }
0x32: {  	s10 =	sld [smem:$0x3FAF];
	_ =	sdelay $0x3  }
0x33: {  	p0 =	seq.s32 s10, $0x1;
	s10 =	sld [smem:$0x3FB1];
	_ =	sdelay $0x3  }
0x34: {  	[smem:$0x3FB1] =	sst s10  }
0x35: {  	s10 =	sld [smem:$0x3FB0];
	_ =	sdelay $0x3  }
0x36: {  	p1 =	seq.s32 s10, $0x1;
	s10 =	sld [smem:$0x3FB1];
	_ =	sdelay $0x3  }
0x37: {  	[smem:$0x3FB1] =	sst s10  }
0x38: {  	s10 =	sld [smem:$0x3FB2]  }
0x39: {  	_ = 	snop;
	(pc) =	sbr.ind lr, $3  }
0x3a: {  	_ = 	snop  }
0x3b: {  	_ = 	snop  }
0x3c: {  	p2 =	seq.s32 s10, $0x1;
	s10 =	sld [smem:$0x3FB1]  }
0x3d: {  	_ =	shalt  }
0x3e: {  	_ =	shalt  }
0x3f: {  	_ =	shalt  }
0x40: {  	_ =	shalt  }
0x41: {  	_ =	shalt  }
0x42: {  	_ =	shalt  }
0x43: {  	_ =	shalt  }
0x44: {  	_ =	shalt  }
0x45: {  	_ =	shalt  }
0x46: {  	_ =	shalt  }
0x47: {  	_ =	shalt  }
0x48: {  	_ =	shalt  }
0x49: {  	_ =	shalt  }
0x4a: {  	_ =	shalt  }
0x4b: {  	_ =	shalt  }
0x4c: {  	_ =	shalt  }
0x4d: {  	_ =	shalt  }
0x4e: {  	_ =	shalt  }
0x4f: {  	_ =	shalt  }
0x50: {  	_ =	shalt  }
0x51: {  	_ =	shalt  }
0x52: {  	_ =	shalt  }
0x53: {  	_ =	shalt  }
0x54: {  	_ =	shalt  }
0x55: {  	_ =	shalt  }
0x56: {  	_ =	shalt  }
0x57: {  	_ =	shalt  }
0x58: {  	_ =	shalt  }
0x59: {  	_ =	shalt  }
0x5a: {  	_ =	shalt  }
0x5b: {  	_ =	shalt  }
0x5c: {  	_ =	shalt  }
0x5d: {  	_ =	shalt  }
0x5e: {  	_ =	shalt  }
0x5f: {  	_ =	shalt  }
0x60: {  	_ =	shalt  }
0x61: {  	_ =	shalt  }
0x62: {  	_ =	shalt  }
0x63: {  	_ =	shalt  }
0x64: {  	_ =	shalt  }
0x65: {  	_ =	shalt  }
0x66: {  	_ =	shalt  }
0x67: {  	_ =	shalt  }
0x68: {  	_ =	shalt  }
0x69: {  	_ =	shalt  }
0x6a: {  	_ =	shalt  }
0x6b: {  	_ =	shalt  }
0x6c: {  	_ =	shalt  }
0x6d: {  	_ =	shalt  }
0x6e: {  	_ =	shalt  }
0x6f: {  	_ =	shalt  }
0x70: {  	_ =	shalt  }
0x71: {  	_ =	shalt  }
0x72: {  	_ =	shalt  }
0x73: {  	_ =	shalt  }
0x74: {  	_ =	shalt  }
0x75: {  	_ =	shalt  }
0x76: {  	_ =	shalt  }
0x77: {  	_ =	shalt  }
0x78: {  	_ =	shalt  }
0x79: {  	_ =	shalt  }
0x7a: {  	_ =	shalt  }
0x7b: {  	_ =	shalt  }
0x7c: {  	_ =	shalt  }
0x7d: {  	_ =	shalt  }
0x7e: {  	_ =	shalt  }
0x7f: {  	_ =	shalt  }
0x80: {  	_ =	shalt  }
0x81: {  	_ =	shalt  }
0x82: {  	_ =	shalt  }
0x83: {  	_ =	shalt  }
0x84: {  	_ =	shalt  }
0x85: {  	_ =	shalt  }
0x86: {  	_ =	shalt  }
0x87: {  	_ =	shalt  }
.Lfunc_end0:
.L_simem_size_0:
called_computation_lowered:
.L_overlay_start_0:
0x88: {  	s2 =	sld [smem:$0x3FD9]  }
0x89: {  	s3 =	sld [smem:$0x3FFE];
	_ =	sdelay $0x1  }
0x8a: {  	s1 =	srdreg.scid  }
0x8b: {  	s0 =	sand.u32 $0x1, s1  }
0x8c: {  	s16 =	sshll.u32 s0, $0xA;
	s2 =	sadd.s32 s3, s2  }
0x8d: {  	s2 =	sadd.s32 s2, s16  }
0x8e: {  	[smem:$0x3FBD] =	sst s2  }
0x8f: {  	_ = 	snop  }
0x90: {  	(tm) =	ssettm $0x1  }
0x91: {  	s17 =	sld [smem:$0x3FFB];
	_ =	sdelay $0x3  }
0x92: {  	_ =	strace s17  }
0x93: {  	s2 =	sld [smem:$0x3FFC];
	_ =	sdelay $0x3  }
0x94: {  	_ =	strace s2  }
0x95: {  	s2 =	sld [smem:$0x3FFD];
	_ =	sdelay $0x3  }
0x96: {  	_ =	strace s2  }
0x97: {  	_ =	strace $0x8FFFFFFF  }
0x98: {  	s18 =	sld [smem:$0x3FDB];
	_ =	sdelay $0x1  }
0x99: {  	s19 =	simm.s32 $_scs_section_size  }
0x9a: {  	s4 =	simm.s32 $_size__tile_overlayer_lowered;
	s5 =	simm.s32 $_tile_overlayer_lowered  }
0x9b: {  	s22 =	simm.s32 $0x1BFF;
	s21 =	sshll.u32 s5, $0x1;
	s2 =	sadd.s32 s19, s18  }
0x9c: {  	s6 =	simm.s32 $0x0;
	s20 =	sshll.u32 s4, $0x1;
	s4 =	sadd.s32 s21, s2  }
0x9d: {  	[timem:s6], [sflag:s22] =	dma.local [hbm:s4], s20  }
0x9e: {  	_ =	swait.ge [sflag:s22], s20  }
0x9f: {  	s3 =	ssub.s32 $0x0, s20;
	[sflag:s22] =	ssyncset.done $0x0  }
0xa0: {  	[sflag:s22] =	ssyncadd.s32 s3;
	_ =	sdelay $0x1  }
0xa1: {  	s23 =	simm.s32 $0x1B8B  }
0xa2: {  	_ =	swait.ge [sflag:s23], $0x1  }
0xa3: {  	[sflag:s23] =	ssyncset.done $0x0  }
0xa4: {  	s25 =	simm.s32 $0x1B8E;
	s24 =	sld [smem:$0x3FFE];
	[sflag:s23] =	ssyncadd.s32 $0xFFFFFFFF  }
0xa5: {  	s26 =	simm.s32 $execute0_lowered;
	[smem:$0x3FD2] =	sst s25  }
0xa6: {  	s4 =	sshll.u32 s26, $0x1;
	_ =	strace $0x80000046;
	[dreg:$0x1] =	wrdreg $0xFFFFFFFF  }
0xa7: {  	s28 =	simm.s32 $_size_execute0_lowered;
	s2 =	sadd.s32 s2, s4;
	[dreg:$0x0] =	wrdreg $0x0  }
0xa8: {  	s4 =	sshll.u32 s28, $0x1;
	[dreg:$0x2] =	wrdreg s2  }
0xa9: {  	[dreg:$0x3] =	wrdreg s4  }
0xaa: {  	[dreg:$0x4] =	wrdreg $0xC0  }
0xab: {  	_ =	task [dreg:s6], $0x5FFFF  }
0xac: {  	[dreg:$0x1] =	wrdreg $0xFFFFFFFF  }
0xad: {  	[dreg:$0x0] =	wrdreg $0x60  }
0xae: {  	[dreg:$0x2] =	wrdreg s24  }
0xaf: {  	[dreg:$0x3] =	wrdreg $0x9  }
0xb0: {  	_ =	task.clear_ibuf [dreg:s6], $0x4FFFF;
	_ =	strace $0x90000046  }
0xb1: {  	s29 =	simm.s32 $0x9;
	_ =	strace $0x80000048  }
0xb2: {  	_ =	swait.ge [sflag:s29], $0x1  }
0xb3: {  	[sflag:s29] =	ssyncadd.s32 $0xFFFFFFFF  }
0xb4: {  	_ =	strace $0x90000048  }
0xb5: {  	_ =	sfence  }
0xb6: {  	s30 =	sld [smem:$0x0];
	_ =	sdelay $0x2  }
0xb7: {  	s31 =	sshll.u32 s1, $0xD;
	s1 =	sshrl.u32 s1, $0x2  }
0xb8: {  	s3 =	sand.u32 $0x4000, s31;
	s1 =	sadd.s32 s1, s30  }
0xb9: {  	s0 =	sor.u32 s3, s0;
	s1 =	sshll.u32 s1, $0x11  }
0xba: {  	s0 =	sor.u32 s1, s0  }
0xbb: {  	s0 =	sadd.s32 $0x8F2B, s0  }
0xbc: {  	[sflag:s0] =	ssyncadd.remote.s32 $0x1  }
0xbd: {  	_ =	sfence.sel $0xFFFF  }
0xbe: {  	[dreg:$0x0] =	wrdreg $0xFFFFFFFF;
	(pc) =	sbr.abs _section_cstart, $3  }
0xbf: {  	[dreg:$0x1] =	wrdreg $0xFFFFFFFF  }
0xc0: {  	_ =	task.clear_ibuf [dreg:s6], $0x2FFFF;
	_ =	strace $0x9FFFFFFF  }
0xc1: {  	(tm) =	ssettm $0x7FFFFFFF  }
tec
execute0_lowered:
.L_overlay_start_1:
0x0: {  	(tag) =	ssettag $0x1  }
0x1: {  	s0 =	srdreg.scid  }
0x2: {  	s4 =	rddreg [dreg:$0x0];
	s2 =	simm.s32 $0x0;
	s3 =	sand.u32 $0x1, s0  }
0x3: {  	s8 =	simm.s32 $0x2710;
	s0 =	stileid.u32;
	s1 =	sshll.u32 s3, $0x4  }
0x4: {  	s9 =	simm.s32 $0x4E20;
	s10 =	simm.s32 $0x0;
	s5 =	sor.u32 s0, s1  }
0x5: {  	[smem:$0x7FF] =	sst s2;
	s3 =	ssub.s32 $0x2, s3;
	s6 =	smul.u32 $0x4E2, s5  }
0x6: {  	s1 =	rddreg [dreg:$0x1];
	s31 =	sshrl.u32 s3, $0x1;
	s5 =	smul.u32 $0x500, s5  }
0x7: {  	_ =	strace $0x80000047;
	s7 =	ssub.s32 s3, s31;
	s6 =	sadd.s32 s6, s4  }
0x8: {  	s5 =	sadd.s32 s5, s4;
	s3 =	sadd.s32 $0x1800, s6;
	s4 =	sadd.s32 $0x15400, s6  }
0x9: {  	v0 =	vimm.f32 $0.0e+00;
	s5 =	sadd.s32 $0x1F200, s5;
	s6 =	smax.u32 s7, $0x1;
	s7 =	simm.s32 $0x1  }
.LBB2_1:
0xa: {  	s11 =	simm.s32 $0x40;
	s12 =	simm.s32 $0x0  }
.LBB2_2:
0xb: {  	p0 =	sne.s32 s11, $0x9FC0;
	[tilespmem:s12+$0x4E20] =	vst v0;
	s12 =	smov.u32 s11;
	s11 =	sadd.s32 $0x40, s11  }
.Ltmp0:
0xc: {  	(pc) =	sbr.rel @p0 .LBB2_2-.Ltmp0, $2  }
0xd: {  	_ =	sdelay $0x2  }
0xe: {  	s12 =	sshra.s32 s12, $0x2  }
0xf: {  	[tilespmem:s12+$0x4E20] =	vst v0  }
0x10: {  	[tilespmem:s2], [sflag:$0x1] =	stream.linear.gather [hbm4b:s3+s2], $0x2710, $0x38;
	[tilespmem:$0x7620] =	vst v63  }
0x11: {  	_ =	swait.ge [sflag:s7], $0x2710  }
0x12: {  	[sflag:s7] =	ssyncset.done $0x0  }
0x13: {  	[sflag:s7] =	ssyncadd.s32 $0xFFFFD8F0  }
0x14: {  	[tilespmem:s8], [sflag:$0x1] =	stream.linear.gather [hbm4b:s4+s2], $0x2710, $0x38;
	[tilespmem:$0x7620] =	vst v63  }
0x15: {  	_ =	swait.ge [sflag:s7], $0x2710  }
0x16: {  	[sflag:s7] =	ssyncset.done $0x0  }
0x17: {  	s31 =	simm.s32 $0x40;
	[sflag:s7] =	ssyncadd.s32 $0xFFFFD8F0  }
0x18: {  	v1 =	vld [tilespmem:s31+$0x30]  }
0x19: {  	v2 =	vld [tilespmem:s31+$0xFFFFFFD0]  }
0x1a: {  	s11 =	simm.s32 $0x2750;
	v3 =	vld [tilespmem:s31+$0xFFFFFFE0]  }
0x1b: {  	v4 =	vld [tilespmem:s11+$0x30]  }
0x1c: {  	v5 =	vld [tilespmem:s31+$0xFFFFFFF0]  }
0x1d: {  	v6 =	vld [tilespmem:s31+$0x0]  }
0x1e: {  	v7 =	vld [tilespmem:s31+$0x10]  }
0x1f: {  	v8 =	vld [tilespmem:s31+$0x20]  }
0x20: {  	v63 =	vld [tilespmem:s11+$0xFFFFFFC0]  }
0x21: {  	v9 =	vld [tilespmem:s11+$0xFFFFFFD0]  }
0x22: {  	v10 =	vld [tilespmem:s11+$0xFFFFFFE0]  }
0x23: {  	v11 =	vld [tilespmem:s11+$0xFFFFFFF0]  }
0x24: {  	v12 =	vld [tilespmem:s11+$0x0]  }
0x25: {  	v13 =	vld [tilespmem:s11+$0x10]  }
0x26: {  	[tilespmem:v1+s9+$0x0] =	vst.idx.add.f32.msk $0xffff, v4  }
0x27: {  	v1 =	vld [tilespmem:s31+$0xFFFFFFC0]  }
0x28: {  	v14 =	vld [tilespmem:s11+$0x20]  }
0x29: {  	[tilespmem:v2+s9+$0x0] =	vst.idx.add.f32.msk $0xffff, v9  }
0x2a: {  	[tilespmem:v3+s9+$0x0] =	vst.idx.add.f32.msk $0xffff, v10  }
0x2b: {  	[tilespmem:v5+s9+$0x0] =	vst.idx.add.f32.msk $0xffff, v11  }
0x2c: {  	[tilespmem:v6+s9+$0x0] =	vst.idx.add.f32.msk $0xffff, v12  }
0x2d: {  	[tilespmem:v7+s9+$0x0] =	vst.idx.add.f32.msk $0xffff, v13  }
0x2e: {  	[tilespmem:v8+s9+$0x0] =	vst.idx.add.f32.msk $0xffff, v14  }
0x2f: {  	s12 =	simm.s32 $0x0;
	s13 =	simm.s32 $0xC0;
	[tilespmem:v1+s9+$0x0] =	vst.idx.add.f32.msk $0xffff, v63  }
.LBB2_4:
0x30: {  	v1 =	vld [tilespmem:s13+$0x30];
	s12 =	sadd.s32 $0x8, s12  }
0x31: {  	v2 =	vld [tilespmem:s13+$0xFFFFFFD0];
	p0 =	slt.u32 s12, $0x268  }
0x32: {  	s11 =	sadd.s32 $0x80, s11;
	v3 =	vld [tilespmem:s13+$0xFFFFFFE0]  }
0x33: {  	v4 =	vld [tilespmem:s11+$0x30]  }
0x34: {  	v5 =	vld [tilespmem:s13+$0xFFFFFFF0]  }
0x35: {  	v6 =	vld [tilespmem:s13+$0x0]  }
0x36: {  	v7 =	vld [tilespmem:s13+$0x10]  }
0x37: {  	v8 =	vld [tilespmem:s13+$0x20]  }
0x38: {  	[tilespmem:v1+s9+$0x0] =	vst.idx.add.f32.msk $0xffff, v4  }
0x39: {  	v1 =	vld [tilespmem:s13+$0xFFFFFFC0]  }
0x3a: {  	v4 =	vld [tilespmem:s11+$0xFFFFFFC0]  }
0x3b: {  	v9 =	vld [tilespmem:s11+$0xFFFFFFD0]  }
0x3c: {  	v10 =	vld [tilespmem:s11+$0xFFFFFFE0]  }
0x3d: {  	v11 =	vld [tilespmem:s11+$0xFFFFFFF0]  }
0x3e: {  	v12 =	vld [tilespmem:s11+$0x0]  }
0x3f: {  	v13 =	vld [tilespmem:s11+$0x10]  }
0x40: {  	v14 =	vld [tilespmem:s11+$0x20]  }
0x41: {  	[tilespmem:v1+s9+$0x0] =	vst.idx.add.f32.msk $0xffff, v4  }
0x42: {  	[tilespmem:v2+s9+$0x0] =	vst.idx.add.f32.msk $0xffff, v9  }
.Ltmp1:
0x43: {  	[tilespmem:v3+s9+$0x0] =	vst.idx.add.f32.msk $0xffff, v10;
	(pc) =	sbr.rel @p0 .LBB2_4-.Ltmp1, $4  }
0x44: {  	[tilespmem:v5+s9+$0x0] =	vst.idx.add.f32.msk $0xffff, v11  }
0x45: {  	[tilespmem:v6+s9+$0x0] =	vst.idx.add.f32.msk $0xffff, v12  }
0x46: {  	[tilespmem:v7+s9+$0x0] =	vst.idx.add.f32.msk $0xffff, v13  }
0x47: {  	s13 =	sadd.s32 $0x80, s13;
	[tilespmem:v8+s9+$0x0] =	vst.idx.add.f32.msk $0xffff, v14  }
0x48: {  	v1 =	vld [tilespmem:$0x2700];
	_ =	sdelay $0x2  }
0x49: {  	v2 =	vld [tilespmem:$0x4E10];
	_ =	sdelay $0x2  }
0x4a: {  	s10 =	sadd.s32 $0x1, s10  }
0x4b: {  	p0 =	sne.s32 s10, s6  }
.Ltmp2:
0x4c: {  	[tilespmem:v1+s9+$0x0] =	vst.idx.add.f32.msk $0xffff, v2;
	(pc) =	sbr.rel @p0 .LBB2_1-.Ltmp2, $4  }
0x4d: {  	[hbm4b:s5+s2] =	stream.linear.scatter [tilespmem:s9], [sflag:$0x1], $0x2800, $0x38;
	[tilespmem:$0x7620] =	vst v63  }
0x4e: {  	_ =	swait.ge [sflag:s7], $0x2800  }
0x4f: {  	[sflag:s7] =	ssyncset.done $0x0  }
0x50: {  	[sflag:s7] =	ssyncadd.s32 $0xFFFFD800  }
0x51: {  	_ =	sfence.sel $0x180000  }
0x52: {  	[bflag:$0x0] =	sbarrier.arrive $0xFFFF  }
0x53: {  	p0 =	sne.s32 s0, $0x0;
	_ =	strace $0x90000047  }
0x54: {  	s0 =	sadd.s32 @!p0 $0x100000, s1;
	[bflag:$0x2] =	sbarrier.arrive $0xFFFF  }
0x55: {  	[sflag:s0] =	ssyncadd.tile.s32 @!p0 $0x1;
	_ =	shalt  }
.Lfunc_end2:
_tile_overlayer_lowered:
.L_overlay_start_2:
0x56: {  	(tag) =	ssettag $0x2  }
0x57: {  	s0 =	rddreg [dreg:$0x0];
	s2 =	stileid.u32  }
0x58: {  	s1 =	rddreg [dreg:$0x1];
	p0 =	sne.s32 s2, $0x0  }
0x59: {  	s3 =	rddreg [dreg:$0x2];
	[bflag:$0x3] =	sbarrier.arrive $0xFFFF;
	s2 =	simm.s32 @!p0 $0x1C01  }
0x5a: {  	[timem:s3], [sflag:s2] =	dma.local @!p0 [hbm:s0], s1  }
0x5b: {  	s0 =	simm.s32 @!p0 $0x1  }
0x5c: {  	_ =	swait.ge @!p0 [sflag:s0], s1  }
0x5d: {  	s1 =	ssub.s32 @!p0 $0x0, s1;
	[sflag:s0] =	ssyncset.done @!p0 $0x0  }
0x5e: {  	[sflag:s0] =	ssyncadd.s32 @!p0 s1  }
0x5f: {  	[bflag:$0x3] =	sbarrier.arrive $0xFFFF  }
0x60: {  	_ =	shalt  }

</sc_bundles>
